<compile_context>
chip_gen: v7x
topology: tpu7x:2x2x1
jax: 0.10.2.dev20260603
libtpu: 0.0.44.dev20260713+nightly
codegen_flags: <defaults>
</compile_context>

<pallas_src>
import functools

import jax
import jax.numpy as jnp
from jax import lax
from jax.experimental import pallas as pl
from jax.experimental.pallas import tpu as pltpu
from jax.experimental.pallas import tpu_sc as plsc

N = 10000
E = 160000
NACC = 10240
F32 = jnp.float32


def _seg_sum_make(Cw, NCH):
    mesh = plsc.VectorSubcoreMesh(
        core_axis_name="c", subcore_axis_name="s", num_cores=2, num_subcores=16
    )

    @functools.partial(
        pl.kernel,
        out_type=jax.ShapeDtypeStruct((2 * NACC, Cw), F32),
        mesh=mesh,
        scratch_types=[
            pltpu.VMEM((NCH, 128), jnp.int32),
            pltpu.VMEM((NCH, 128), jnp.int32),
            pltpu.VMEM((128, Cw), F32),
            pltpu.VMEM_SHARED((NACC, Cw), F32),
            pltpu.SemaphoreType.DMA,
        ],
    )
    def k(y_hbm, srcp_hbm, dstp_hbm, zeros_hbm, out_hbm, src_v, dst_v, rows_v, acc, sem):
        c = lax.axis_index("c")
        s = lax.axis_index("s")
        w = c * 16 + s
        pltpu.sync_copy(srcp_hbm.at[w], src_v)
        pltpu.sync_copy(dstp_hbm.at[w], dst_v)
        pltpu.sync_copy(zeros_hbm.at[pl.ds(s * 640, 640)], acc.at[pl.ds(s * 640, 640)])
        plsc.subcore_barrier()

        def chunk(j, carry):
            pltpu.async_copy(y_hbm.at[src_v.at[j]], rows_v, sem).wait()
            pltpu.sync_copy(rows_v, acc.at[dst_v.at[j]], add=True)
            return carry

        lax.fori_loop(0, NCH, chunk, 0)
        plsc.subcore_barrier()
        pltpu.sync_copy(
            acc.at[pl.ds(s * 640, 640)], out_hbm.at[pl.ds(c * NACC + s * 640, 640)]
        )

    return k



_RB = 2000


def _matmul_split(x, W):
    K = x.shape[1]

    def body(x_ref, w_ref, o_ref):
        o_ref[...] = jnp.dot(x_ref[...], w_ref[...], preferred_element_type=F32)

    return pl.pallas_call(
        body,
        grid=(2, N // _RB),
        in_specs=[
            pl.BlockSpec((_RB, K), lambda j, i: (i, 0)),
            pl.BlockSpec((K, 128), lambda j, i: (0, j)),
        ],
        out_specs=pl.BlockSpec((_RB, 128), lambda j, i: (j * (N // _RB) + i, 0)),
        out_shape=jax.ShapeDtypeStruct((2 * N, 128), F32),
    )(x, W)


def _matmul_plain(x, W):
    K = x.shape[1]
    Co = W.shape[1]

    def body(x_ref, w_ref, o_ref):
        o_ref[...] = jnp.dot(x_ref[...], w_ref[...], preferred_element_type=F32)

    return pl.pallas_call(
        body,
        grid=(N // _RB,),
        in_specs=[
            pl.BlockSpec((_RB, K), lambda i: (i, 0)),
            pl.BlockSpec((K, Co), lambda i: (0, 0)),
        ],
        out_specs=pl.BlockSpec((_RB, Co), lambda i: (i, 0)),
        out_shape=jax.ShapeDtypeStruct((N, Co), F32),
    )(x, W)


def _mlp_wide(aggflat, b, M1, mb1, M2, mb2, final_softplus, W_next=None):
    agg3 = aggflat.reshape(2, NACC, 128)
    b2 = b.reshape(2, 128)
    M13 = M1.reshape(2, 128, 512)
    mb1r = mb1.reshape(1, 512)
    mb2r = mb2.reshape(1, 256)
    fuse_split = W_next is not None and W_next.shape[1] == 256
    if fuse_split:
        wn = W_next.reshape(1, 256, 256)
        out_spec = pl.BlockSpec((2, _RB, 128), lambda i: (0, i, 0))
        out_shape = jax.ShapeDtypeStruct((2, N, 128), F32)
    elif W_next is not None:
        wn = W_next.reshape(1, 256, W_next.shape[1])
        out_spec = pl.BlockSpec((_RB, W_next.shape[1]), lambda i: (i, 0))
        out_shape = jax.ShapeDtypeStruct((N, W_next.shape[1]), F32)
    else:
        wn = jnp.zeros((1, 1, 1), F32)
        out_spec = pl.BlockSpec((_RB, 256), lambda i: (i, 0))
        out_shape = jax.ShapeDtypeStruct((N, 256), F32)

    def body(a0_ref, a1_ref, b_ref, m1_ref, mb1_ref, m2_ref, mb2_ref, wn_ref, o_ref):
        h0 = jnp.maximum(a0_ref[0] + b_ref[0], 0.0)
        h1 = jnp.maximum(a1_ref[0] + b_ref[1], 0.0)
        t = jnp.dot(h0, m1_ref[0], preferred_element_type=F32)
        t += jnp.dot(h1, m1_ref[1], preferred_element_type=F32)
        t = jnp.maximum(t + mb1_ref[0], 0.0)
        o = jnp.dot(t, m2_ref[...], preferred_element_type=F32) + mb2_ref[0]
        if final_softplus:
            o = 10.0 * o
            o = (jnp.maximum(o, 0.0) + jnp.log1p(jnp.exp(-jnp.abs(o)))) / 10.0
        if fuse_split:
            y = jnp.dot(o, wn_ref[0], preferred_element_type=F32)
            o_ref[0] = y[:, :128]
            o_ref[1] = y[:, 128:]
        elif W_next is not None:
            o_ref[...] = jnp.dot(o, wn_ref[0], preferred_element_type=F32)
        else:
            o_ref[...] = o

    return pl.pallas_call(
        body,
        grid=(N // _RB,),
        in_specs=[
            pl.BlockSpec((1, _RB, 128), lambda i: (0, i, 0)),
            pl.BlockSpec((1, _RB, 128), lambda i: (1, i, 0)),
            pl.BlockSpec((2, 128), lambda i: (0, 0)),
            pl.BlockSpec((2, 128, 512), lambda i: (0, 0, 0)),
            pl.BlockSpec((1, 512), lambda i: (0, 0)),
            pl.BlockSpec((512, 256), lambda i: (0, 0)),
            pl.BlockSpec((1, 256), lambda i: (0, 0)),
            pl.BlockSpec(wn.shape, lambda i: (0, 0, 0)),
        ],
        out_specs=out_spec,
        out_shape=out_shape,
    )(agg3, agg3, b2, M13, mb1r, M2, mb2r, wn)


def _mlp_narrow(partflat, b, M1, mb1, M2, mb2):
    p3 = partflat.reshape(2, NACC, 128)
    br = b.reshape(1, 32)
    mb1r = mb1.reshape(1, 64)
    mb2r = mb2.reshape(1, 32)

    def body(p0_ref, p1_ref, b_ref, m1_ref, mb1_ref, m2_ref, mb2_ref, o_ref):
        a = (p0_ref[0] + p1_ref[0])[:, :32]
        h = jnp.maximum(a + b_ref[0], 0.0)
        t = jnp.maximum(jnp.dot(h, m1_ref[...], preferred_element_type=F32) + mb1_ref[0], 0.0)
        o_ref[...] = jnp.dot(t, m2_ref[...], preferred_element_type=F32) + mb2_ref[0]

    return pl.pallas_call(
        body,
        grid=(N // _RB,),
        in_specs=[
            pl.BlockSpec((1, _RB, 128), lambda i: (0, i, 0)),
            pl.BlockSpec((1, _RB, 128), lambda i: (1, i, 0)),
            pl.BlockSpec((1, 32), lambda i: (0, 0)),
            pl.BlockSpec((32, 64), lambda i: (0, 0)),
            pl.BlockSpec((1, 64), lambda i: (0, 0)),
            pl.BlockSpec((64, 32), lambda i: (0, 0)),
            pl.BlockSpec((1, 32), lambda i: (0, 0)),
        ],
        out_specs=pl.BlockSpec((_RB, 32), lambda i: (i, 0)),
        out_shape=jax.ShapeDtypeStruct((N, 32), F32),
    )(p3, p3, br, M1, mb1r, M2, mb2r)


def _fc_enc(hflat, W, b):
    KB = 32000

    def body(x_ref, w_ref, b_ref, o_ref):
        @pl.when(pl.program_id(0) == 0)
        def _():
            o_ref[...] = b_ref[...]

        o_ref[...] += jnp.dot(x_ref[...], w_ref[...], preferred_element_type=F32)

    return pl.pallas_call(
        body,
        grid=(10,),
        in_specs=[
            pl.BlockSpec((1, KB), lambda i: (0, i)),
            pl.BlockSpec((KB, 64), lambda i: (i, 0)),
            pl.BlockSpec((1, 64), lambda i: (0, 0)),
        ],
        out_specs=pl.BlockSpec((1, 64), lambda i: (0, 0)),
        out_shape=jax.ShapeDtypeStruct((1, 64), F32),
    )(hflat, W, b)


def _fc_dec(z, W, b):
    NB = 32000

    def body(z_ref, w_ref, b_ref, o_ref):
        o_ref[...] = jnp.dot(z_ref[...], w_ref[...], preferred_element_type=F32) + b_ref[...]

    return pl.pallas_call(
        body,
        grid=(10,),
        in_specs=[
            pl.BlockSpec((1, 64), lambda i: (0, 0)),
            pl.BlockSpec((64, NB), lambda i: (0, i)),
            pl.BlockSpec((1, NB), lambda i: (0, i)),
        ],
        out_specs=pl.BlockSpec((1, NB), lambda i: (0, i)),
        out_shape=jax.ShapeDtypeStruct((1, 320000), F32),
    )(z, W, b)


def kernel(x, pos, enc_params, dec_params, fc_e_W, fc_e_b, fc_d_W, fc_d_b, edge_index):
    del pos
    src = edge_index[0]
    dst = edge_index[1]
    i32 = jnp.int32

    srcw = jnp.concatenate(
        [src.reshape(16, 10000), jnp.zeros((16, 112), i32)], axis=1
    ).reshape(16, 79, 128)
    srcw2 = jnp.concatenate([srcw, srcw + N], axis=0)
    dstw = jnp.concatenate(
        [dst.reshape(16, 10000), jnp.full((16, 112), N, i32)], axis=1
    ).reshape(16, 79, 128)
    dstw2 = jnp.concatenate([dstw, dstw], axis=0)
    srcn = jnp.concatenate(
        [src.reshape(32, 5000), jnp.zeros((32, 120), i32)], axis=1
    ).reshape(32, 40, 128)
    dstn = jnp.concatenate(
        [dst.reshape(32, 5000), jnp.full((32, 120), N, i32)], axis=1
    ).reshape(32, 40, 128)

    zeros_w = jnp.zeros((NACC, 128), F32)
    seg_wide = _seg_sum_make(128, 79)
    seg_narrow = _seg_sum_make(128, 40)

    def seg(yflat):
        return seg_wide(yflat, srcw2, dstw2, zeros_w)

    W1, b1, M11, mb11, M21, mb21 = enc_params[0]
    W2 = enc_params[1][0]
    W3p = jnp.concatenate(
        [enc_params[2][0], jnp.zeros((256, 96), F32)], axis=1
    )
    agg = seg(_matmul_split(x, W1))
    y2 = _mlp_wide(agg, b1, M11, mb11, M21, mb21, False, W_next=W2)
    agg = seg(y2.reshape(2 * N, 128))
    _, b2, M12, mb12, M22, mb22 = enc_params[1]
    y3 = _mlp_wide(agg, b2, M12, mb12, M22, mb22, False, W_next=W3p)
    part = seg_narrow(y3, srcn, dstn, zeros_w)
    _, b3, M13_, mb13, M23, mb23 = enc_params[2]
    h3 = _mlp_narrow(part, b3, M13_, mb13, M23, mb23)

    z = _fc_enc(h3.reshape(1, 32 * N), fc_e_W, fc_e_b.reshape(1, 64))
    d = _fc_dec(z, fc_d_W, fc_d_b.reshape(1, 320000)).reshape(N, 32)

    W4, b4, M14, mb14, M24, mb24 = dec_params[0]
    W5 = dec_params[1][0]
    W6 = dec_params[2][0]
    agg = seg(_matmul_split(d, W4))
    y5 = _mlp_wide(agg, b4, M14, mb14, M24, mb24, False, W_next=W5)
    agg = seg(y5.reshape(2 * N, 128))
    _, b5, M15, mb15, M25, mb25 = dec_params[1]
    y6 = _mlp_wide(agg, b5, M15, mb15, M25, mb25, False, W_next=W6)
    agg = seg(y6.reshape(2 * N, 128))
    _, b6, M16, mb16, M26, mb26 = dec_params[2]
    return _mlp_wide(agg, b6, M16, mb16, M26, mb26, True)

# --- scband reference (transcript-rebuilt; emitter-appended) ---
"""Pipeline reference for scband-autoencoder-11063835754884 (READ-ONLY COPY).

The authoritative reference and input builder live on the scoring server;
editing this copy changes nothing except your own understanding.
"""

import jax, jax.numpy as jnp
import numpy as np

N_NODES = 10000
IN_CH = 256
HID = 256
LAT = 32
NUM_FACTORS = 64
N_EDGES = 160000


def _qgrl_params(key, cin, cout):
    ks = jax.random.split(key, 6)
    W = jax.random.normal(ks[0], (cin, cout), jnp.float32) / np.sqrt(cin)
    b = jnp.zeros((cout,), jnp.float32)
    M1 = jax.random.normal(ks[1], (cout, 2 * cout), jnp.float32) / np.sqrt(cout)
    mb1 = jnp.zeros((2 * cout,), jnp.float32)
    M2 = jax.random.normal(ks[2], (2 * cout, cout), jnp.float32) / np.sqrt(2 * cout)
    mb2 = jnp.zeros((cout,), jnp.float32)
    return (W, b, M1, mb1, M2, mb2)


def setup_inputs(seed: int = 0):
    key = jax.random.key(seed)
    ks = jax.random.split(key, 12)
    x = jax.random.normal(ks[0], (N_NODES, IN_CH), jnp.float32)
    pos = jax.random.normal(ks[1], (N_NODES, 3), jnp.float32)
    edge_index = jax.random.randint(ks[2], (2, N_EDGES), 0, N_NODES, jnp.int32)
    enc_dims = [(IN_CH, HID), (HID, HID), (HID, LAT)]
    dec_dims = [(LAT, HID), (HID, HID), (HID, IN_CH)]
    enc_params = [_qgrl_params(ks[3 + i], ci, co) for i, (ci, co) in enumerate(enc_dims)]
    dec_params = [_qgrl_params(ks[6 + i], ci, co) for i, (ci, co) in enumerate(dec_dims)]
    fc_in = LAT * N_NODES
    fc_e_W = jax.random.normal(ks[9], (fc_in, NUM_FACTORS), jnp.float32) / np.sqrt(fc_in)
    fc_e_b = jnp.zeros((NUM_FACTORS,), jnp.float32)
    fc_d_W = jax.random.normal(ks[10], (NUM_FACTORS, fc_in), jnp.float32) / np.sqrt(NUM_FACTORS)
    fc_d_b = jnp.zeros((fc_in,), jnp.float32)
    return {"x": x, "pos": pos, "enc_params": enc_params, "dec_params": dec_params,
            "fc_e_W": fc_e_W, "fc_e_b": fc_e_b, "fc_d_W": fc_d_W, "fc_d_b": fc_d_b,
            "edge_index": edge_index}


def _qgrl_apply(params, x, edge_index):
    # QGRL with num_sub_kernels=1, edge_attr_dim=-1, pos_descr_dim=-1 degenerates to:
    # linear message on gathered source features, scatter-add aggregation (aggr='add'),
    # shared bias, then the mixture net (depth-2 MLP with expansion 2).
    W, b, M1, mb1, M2, mb2 = params
    src = edge_index[0]
    dst = edge_index[1]
    msg = jnp.take(x, src, axis=0) @ W
    agg = jax.ops.segment_sum(msg, dst, num_segments=x.shape[0])
    h = jax.nn.relu(agg + b)
    h = jax.nn.relu(h @ M1 + mb1) @ M2 + mb2
    return h


def reference(x, pos, enc_params, dec_params, fc_e_W, fc_e_b, fc_d_W, fc_d_b, edge_index):
    # encoder
    h = x
    for p in enc_params:
        h = _qgrl_apply(p, h, edge_index)
    z = h.reshape(-1, LAT * N_NODES) @ fc_e_W + fc_e_b
    # decoder
    d = (z @ fc_d_W + fc_d_b).reshape(-1, LAT)
    for p in dec_params:
        d = _qgrl_apply(p, d, edge_index)
    # F.softplus(h, beta=10)
    return jax.nn.softplus(10.0 * d) / 10.0

if __name__ == "__main__":
    import jax
    _d = setup_inputs()
    print(jax.jit(kernel)(*tuple(_d.values())))

</pallas_src>

<mosaic_0001>
#map = affine_map<(d0, d1) -> (0, 0)>
#map1 = affine_map<(d0, d1) -> (0, 0, 0)>
module attributes {stable_mosaic.version = 14 : i64} {
  func.func @k(%arg0: i32, %arg1: i32, %arg2: memref<10000x128xf32, #tpu.memory_space<hbm>>, %arg3: memref<32x40x128xi32, #tpu.memory_space<hbm>>, %arg4: memref<32x40x128xi32, #tpu.memory_space<hbm>>, %arg5: memref<10240x128xf32, #tpu.memory_space<hbm>>, %arg6: memref<20480x128xf32, #tpu.memory_space<hbm>>, %arg7: memref<40x128xi32, #tpu.memory_space<vmem>>, %arg8: memref<40x128xi32, #tpu.memory_space<vmem>>, %arg9: memref<128x128xf32, #tpu.memory_space<vmem>>, %arg10: memref<10240x128xf32, #tpu.memory_space<vmem_shared>>, %arg11: memref<!tpu.dma_semaphore, #tpu.memory_space<semaphore_mem>>) attributes {dimension_semantics = [#tpu.dimension_semantics<core_parallel>, #tpu.dimension_semantics<subcore_parallel>], iteration_bounds = array<i64: 2, 16>, scalar_prefetch = 0 : i64, scratch_operands = 5 : i64, tpu.core_type = #tpu.core_type<sc_vector_subcore>, window_params = [{transform_indices = #map}, {transform_indices = #map1}, {transform_indices = #map1}, {transform_indices = #map}, {transform_indices = #map}]} {
    %mul3A = arith.constant 16 : i32
    %mul3A_0 = arith.muli %arg0, %mul3A : i32
    %add3A = arith.addi %mul3A_0, %arg1 : i32
    "tpu.region"() ({
      %run_scoped3A = tpu.sem_alloc : memref<!tpu.dma_semaphore, #tpu.memory_space<semaphore_mem>>
      %dma_start3A = arith.constant 0 : i32
      %dma_start3A_18 = arith.constant 0 : i32
      %dma_start3A_19 = tpu.memref_slice %arg3[%add3A, %dma_start3A, %dma_start3A_18] : memref<32x40x128xi32, #tpu.memory_space<hbm>> -> memref<1x40x128xi32, #tpu.memory_space<hbm>>
      %dma_start3A_20 = tpu.memref_squeeze %dma_start3A_19 : memref<1x40x128xi32, #tpu.memory_space<hbm>> -> memref<40x128xi32, #tpu.memory_space<hbm>>
      %dma_start3A_21 = arith.constant 0 : i32
      %dma_start3A_22 = arith.constant 0 : i32
      %dma_start3A_23 = tpu.memref_slice %arg3[%add3A, %dma_start3A_21, %dma_start3A_22] : memref<32x40x128xi32, #tpu.memory_space<hbm>> -> memref<1x40x128xi32, #tpu.memory_space<hbm>>
      %dma_start3A_24 = tpu.memref_squeeze %dma_start3A_23 : memref<1x40x128xi32, #tpu.memory_space<hbm>> -> memref<40x128xi32, #tpu.memory_space<hbm>>
      tpu.enqueue_dma source(%dma_start3A_24 : memref<40x128xi32, #tpu.memory_space<hbm>>) target(%arg7 : memref<40x128xi32, #tpu.memory_space<vmem>>) target_semaphore(%run_scoped3A : memref<!tpu.dma_semaphore, #tpu.memory_space<semaphore_mem>>)
      %dma_wait3A = arith.constant 0 : i32
      %dma_wait3A_25 = arith.constant 0 : i32
      %dma_wait3A_26 = tpu.memref_slice %arg3[%add3A, %dma_wait3A, %dma_wait3A_25] : memref<32x40x128xi32, #tpu.memory_space<hbm>> -> memref<1x40x128xi32, #tpu.memory_space<hbm>>
      %dma_wait3A_27 = tpu.memref_squeeze %dma_wait3A_26 : memref<1x40x128xi32, #tpu.memory_space<hbm>> -> memref<40x128xi32, #tpu.memory_space<hbm>>
      %dma_wait3A_28 = arith.constant 0 : i32
      %dma_wait3A_29 = arith.constant 0 : i32
      %dma_wait3A_30 = tpu.memref_slice %arg3[%add3A, %dma_wait3A_28, %dma_wait3A_29] : memref<32x40x128xi32, #tpu.memory_space<hbm>> -> memref<1x40x128xi32, #tpu.memory_space<hbm>>
      %dma_wait3A_31 = tpu.memref_squeeze %dma_wait3A_30 : memref<1x40x128xi32, #tpu.memory_space<hbm>> -> memref<40x128xi32, #tpu.memory_space<hbm>>
      tpu.wait_dma2 semaphore(%run_scoped3A : memref<!tpu.dma_semaphore, #tpu.memory_space<semaphore_mem>>) src(%dma_wait3A_31 : memref<40x128xi32, #tpu.memory_space<hbm>>) dst(%arg7 : memref<40x128xi32, #tpu.memory_space<vmem>>)
      tpu.yield
    }) : () -> ()
    "tpu.region"() ({
      %run_scoped3A = tpu.sem_alloc : memref<!tpu.dma_semaphore, #tpu.memory_space<semaphore_mem>>
      %dma_start3A = arith.constant 0 : i32
      %dma_start3A_18 = arith.constant 0 : i32
      %dma_start3A_19 = tpu.memref_slice %arg4[%add3A, %dma_start3A, %dma_start3A_18] : memref<32x40x128xi32, #tpu.memory_space<hbm>> -> memref<1x40x128xi32, #tpu.memory_space<hbm>>
      %dma_start3A_20 = tpu.memref_squeeze %dma_start3A_19 : memref<1x40x128xi32, #tpu.memory_space<hbm>> -> memref<40x128xi32, #tpu.memory_space<hbm>>
      %dma_start3A_21 = arith.constant 0 : i32
      %dma_start3A_22 = arith.constant 0 : i32
      %dma_start3A_23 = tpu.memref_slice %arg4[%add3A, %dma_start3A_21, %dma_start3A_22] : memref<32x40x128xi32, #tpu.memory_space<hbm>> -> memref<1x40x128xi32, #tpu.memory_space<hbm>>
      %dma_start3A_24 = tpu.memref_squeeze %dma_start3A_23 : memref<1x40x128xi32, #tpu.memory_space<hbm>> -> memref<40x128xi32, #tpu.memory_space<hbm>>
      tpu.enqueue_dma source(%dma_start3A_24 : memref<40x128xi32, #tpu.memory_space<hbm>>) target(%arg8 : memref<40x128xi32, #tpu.memory_space<vmem>>) target_semaphore(%run_scoped3A : memref<!tpu.dma_semaphore, #tpu.memory_space<semaphore_mem>>)
      %dma_wait3A = arith.constant 0 : i32
      %dma_wait3A_25 = arith.constant 0 : i32
      %dma_wait3A_26 = tpu.memref_slice %arg4[%add3A, %dma_wait3A, %dma_wait3A_25] : memref<32x40x128xi32, #tpu.memory_space<hbm>> -> memref<1x40x128xi32, #tpu.memory_space<hbm>>
      %dma_wait3A_27 = tpu.memref_squeeze %dma_wait3A_26 : memref<1x40x128xi32, #tpu.memory_space<hbm>> -> memref<40x128xi32, #tpu.memory_space<hbm>>
      %dma_wait3A_28 = arith.constant 0 : i32
      %dma_wait3A_29 = arith.constant 0 : i32
      %dma_wait3A_30 = tpu.memref_slice %arg4[%add3A, %dma_wait3A_28, %dma_wait3A_29] : memref<32x40x128xi32, #tpu.memory_space<hbm>> -> memref<1x40x128xi32, #tpu.memory_space<hbm>>
      %dma_wait3A_31 = tpu.memref_squeeze %dma_wait3A_30 : memref<1x40x128xi32, #tpu.memory_space<hbm>> -> memref<40x128xi32, #tpu.memory_space<hbm>>
      tpu.wait_dma2 semaphore(%run_scoped3A : memref<!tpu.dma_semaphore, #tpu.memory_space<semaphore_mem>>) src(%dma_wait3A_31 : memref<40x128xi32, #tpu.memory_space<hbm>>) dst(%arg8 : memref<40x128xi32, #tpu.memory_space<vmem>>)
      tpu.yield
    }) : () -> ()
    %mul3A_1 = arith.constant 640 : i32
    %mul3A_2 = arith.muli %arg1, %mul3A_1 : i32
    %mul3A_3 = arith.constant 640 : i32
    %mul3A_4 = arith.muli %arg1, %mul3A_3 : i32
    "tpu.region"() ({
      %run_scoped3A = tpu.sem_alloc : memref<!tpu.dma_semaphore, #tpu.memory_space<semaphore_mem>>
      %dma_start3A = arith.constant 0 : i32
      %dma_start3A_18 = tpu.memref_slice %arg10[%mul3A_4, %dma_start3A] : memref<10240x128xf32, #tpu.memory_space<vmem_shared>> -> memref<640x128xf32, #tpu.memory_space<vmem_shared>>
      %dma_start3A_19 = arith.constant 0 : i32
      %dma_start3A_20 = tpu.memref_slice %arg5[%mul3A_2, %dma_start3A_19] : memref<10240x128xf32, #tpu.memory_space<hbm>> -> memref<640x128xf32, #tpu.memory_space<hbm>>
      tpu.enqueue_dma source(%dma_start3A_20 : memref<640x128xf32, #tpu.memory_space<hbm>>) target(%dma_start3A_18 : memref<640x128xf32, #tpu.memory_space<vmem_shared>>) target_semaphore(%run_scoped3A : memref<!tpu.dma_semaphore, #tpu.memory_space<semaphore_mem>>)
      %dma_wait3A = arith.constant 0 : i32
      %dma_wait3A_21 = tpu.memref_slice %arg10[%mul3A_4, %dma_wait3A] : memref<10240x128xf32, #tpu.memory_space<vmem_shared>> -> memref<640x128xf32, #tpu.memory_space<vmem_shared>>
      %dma_wait3A_22 = arith.constant 0 : i32
      %dma_wait3A_23 = tpu.memref_slice %arg5[%mul3A_2, %dma_wait3A_22] : memref<10240x128xf32, #tpu.memory_space<hbm>> -> memref<640x128xf32, #tpu.memory_space<hbm>>
      tpu.wait_dma2 semaphore(%run_scoped3A : memref<!tpu.dma_semaphore, #tpu.memory_space<semaphore_mem>>) src(%dma_wait3A_23 : memref<640x128xf32, #tpu.memory_space<hbm>>) dst(%dma_wait3A_21 : memref<640x128xf32, #tpu.memory_space<vmem_shared>>)
      tpu.yield
    }) : () -> ()
    %barrier3A = arith.constant 0 : index
    tpu.barrier barrier_id(%barrier3A)
    %scan3A = arith.constant 0 : i32
    %scan3A_5 = arith.constant 0 : i32
    %scan3A_6 = arith.constant 40 : i32
    %scan3A_7 = arith.addi %scan3A_5, %scan3A_6 : i32
    %scan3A_8 = arith.constant 1 : i32
    scf.for %scan3A_18 = %scan3A_5 to %scan3A_7 step %scan3A_8  : i32 {
      %dma_start3A = arith.constant 0 : i32
      %dma_start3A_19 = tpu.memref_slice %arg7[%scan3A_18, %dma_start3A] : memref<40x128xi32, #tpu.memory_space<vmem>> -> memref<1x128xi32, #tpu.memory_space<vmem>>
      %dma_start3A_20 = tpu.memref_squeeze %dma_start3A_19 : memref<1x128xi32, #tpu.memory_space<vmem>> -> memref<128xi32, #tpu.memory_space<vmem>>
      %dma_start3A_21 = arith.constant 0 : i32
      %dma_start3A_22 = arith.constant 0 : i32
      %dma_start3A_23 = tpu.memref_slice %arg2[%dma_start3A_21, %dma_start3A_22] : memref<10000x128xf32, #tpu.memory_space<hbm>> -> memref<10000x128xf32, #tpu.memory_space<hbm>>
      tpu.enqueue_indirect_dma source(%dma_start3A_23 : memref<10000x128xf32, #tpu.memory_space<hbm>>) target(%arg9 : memref<128x128xf32, #tpu.memory_space<vmem>>) offsets(%dma_start3A_20 : memref<128xi32, #tpu.memory_space<vmem>>) semaphore(%arg11 : memref<!tpu.dma_semaphore, #tpu.memory_space<semaphore_mem>>)
      %dma_wait3A = arith.constant 0 : i32
      %dma_wait3A_24 = tpu.memref_slice %arg7[%scan3A_18, %dma_wait3A] : memref<40x128xi32, #tpu.memory_space<vmem>> -> memref<1x128xi32, #tpu.memory_space<vmem>>
      %dma_wait3A_25 = tpu.memref_squeeze %dma_wait3A_24 : memref<1x128xi32, #tpu.memory_space<vmem>> -> memref<128xi32, #tpu.memory_space<vmem>>
      %dma_wait3A_26 = arith.constant 0 : i32
      %dma_wait3A_27 = arith.constant 0 : i32
      %dma_wait3A_28 = tpu.memref_slice %arg2[%dma_wait3A_26, %dma_wait3A_27] : memref<10000x128xf32, #tpu.memory_space<hbm>> -> memref<10000x128xf32, #tpu.memory_space<hbm>>
      tpu.wait_indirect_dma semaphore(%arg11 : memref<!tpu.dma_semaphore, #tpu.memory_space<semaphore_mem>>) src(%dma_wait3A_28 : memref<10000x128xf32, #tpu.memory_space<hbm>>) dst(%arg9 : memref<128x128xf32, #tpu.memory_space<vmem>>)
      "tpu.region"() ({
        %run_scoped3A = tpu.sem_alloc : memref<!tpu.dma_semaphore, #tpu.memory_space<semaphore_mem>>
        %dma_start3A_29 = arith.constant 0 : i32
        %dma_start3A_30 = tpu.memref_slice %arg8[%scan3A_18, %dma_start3A_29] : memref<40x128xi32, #tpu.memory_space<vmem>> -> memref<1x128xi32, #tpu.memory_space<vmem>>
        %dma_start3A_31 = tpu.memref_squeeze %dma_start3A_30 : memref<1x128xi32, #tpu.memory_space<vmem>> -> memref<128xi32, #tpu.memory_space<vmem>>
        %dma_start3A_32 = arith.constant 0 : i32
        %dma_start3A_33 = arith.constant 0 : i32
        %dma_start3A_34 = tpu.memref_slice %arg10[%dma_start3A_32, %dma_start3A_33] : memref<10240x128xf32, #tpu.memory_space<vmem_shared>> -> memref<10240x128xf32, #tpu.memory_space<vmem_shared>>
        tpu.enqueue_indirect_dma source(%arg9 : memref<128x128xf32, #tpu.memory_space<vmem>>) target(%dma_start3A_34 : memref<10240x128xf32, #tpu.memory_space<vmem_shared>>) offsets(%dma_start3A_31 : memref<128xi32, #tpu.memory_space<vmem>>) semaphore(%run_scoped3A : memref<!tpu.dma_semaphore, #tpu.memory_space<semaphore_mem>>) {add = true}
        %dma_wait3A_35 = arith.constant 0 : i32
        %dma_wait3A_36 = tpu.memref_slice %arg8[%scan3A_18, %dma_wait3A_35] : memref<40x128xi32, #tpu.memory_space<vmem>> -> memref<1x128xi32, #tpu.memory_space<vmem>>
        %dma_wait3A_37 = tpu.memref_squeeze %dma_wait3A_36 : memref<1x128xi32, #tpu.memory_space<vmem>> -> memref<128xi32, #tpu.memory_space<vmem>>
        %dma_wait3A_38 = arith.constant 0 : i32
        %dma_wait3A_39 = arith.constant 0 : i32
        %dma_wait3A_40 = tpu.memref_slice %arg10[%dma_wait3A_38, %dma_wait3A_39] : memref<10240x128xf32, #tpu.memory_space<vmem_shared>> -> memref<10240x128xf32, #tpu.memory_space<vmem_shared>>
        tpu.wait_indirect_dma semaphore(%run_scoped3A : memref<!tpu.dma_semaphore, #tpu.memory_space<semaphore_mem>>) src(%arg9 : memref<128x128xf32, #tpu.memory_space<vmem>>) dst(%dma_wait3A_40 : memref<10240x128xf32, #tpu.memory_space<vmem_shared>>)
        tpu.yield
      }) : () -> ()
    }
    %scan3A_9 = arith.constant 40 : i32
    %barrier3A_10 = arith.constant 0 : index
    tpu.barrier barrier_id(%barrier3A_10)
    %mul3A_11 = arith.constant 640 : i32
    %mul3A_12 = arith.muli %arg1, %mul3A_11 : i32
    %mul3A_13 = arith.constant 10240 : i32
    %mul3A_14 = arith.muli %arg0, %mul3A_13 : i32
    %mul3A_15 = arith.constant 640 : i32
    %mul3A_16 = arith.muli %arg1, %mul3A_15 : i32
    %add3A_17 = arith.addi %mul3A_14, %mul3A_16 : i32
    "tpu.region"() ({
      %run_scoped3A = tpu.sem_alloc : memref<!tpu.dma_semaphore, #tpu.memory_space<semaphore_mem>>
      %dma_start3A = arith.constant 0 : i32
      %dma_start3A_18 = tpu.memref_slice %arg6[%add3A_17, %dma_start3A] : memref<20480x128xf32, #tpu.memory_space<hbm>> -> memref<640x128xf32, #tpu.memory_space<hbm>>
      %dma_start3A_19 = arith.constant 0 : i32
      %dma_start3A_20 = tpu.memref_slice %arg10[%mul3A_12, %dma_start3A_19] : memref<10240x128xf32, #tpu.memory_space<vmem_shared>> -> memref<640x128xf32, #tpu.memory_space<vmem_shared>>
      tpu.enqueue_dma source(%dma_start3A_20 : memref<640x128xf32, #tpu.memory_space<vmem_shared>>) target(%dma_start3A_18 : memref<640x128xf32, #tpu.memory_space<hbm>>) target_semaphore(%run_scoped3A : memref<!tpu.dma_semaphore, #tpu.memory_space<semaphore_mem>>)
      %dma_wait3A = arith.constant 0 : i32
      %dma_wait3A_21 = tpu.memref_slice %arg6[%add3A_17, %dma_wait3A] : memref<20480x128xf32, #tpu.memory_space<hbm>> -> memref<640x128xf32, #tpu.memory_space<hbm>>
      %dma_wait3A_22 = arith.constant 0 : i32
      %dma_wait3A_23 = tpu.memref_slice %arg10[%mul3A_12, %dma_wait3A_22] : memref<10240x128xf32, #tpu.memory_space<vmem_shared>> -> memref<640x128xf32, #tpu.memory_space<vmem_shared>>
      tpu.wait_dma2 semaphore(%run_scoped3A : memref<!tpu.dma_semaphore, #tpu.memory_space<semaphore_mem>>) src(%dma_wait3A_23 : memref<640x128xf32, #tpu.memory_space<vmem_shared>>) dst(%dma_wait3A_21 : memref<640x128xf32, #tpu.memory_space<hbm>>)
      tpu.yield
    }) : () -> ()
    return
  }
}

#map = affine_map<(d0, d1) -> (0, 0)>
#map1 = affine_map<(d0, d1) -> (0, 0, 0)>
module attributes {stable_mosaic.version = 14 : i64} {
  func.func @k(%arg0: i32, %arg1: i32, %arg2: memref<20000x128xf32, #tpu.memory_space<hbm>>, %arg3: memref<32x79x128xi32, #tpu.memory_space<hbm>>, %arg4: memref<32x79x128xi32, #tpu.memory_space<hbm>>, %arg5: memref<10240x128xf32, #tpu.memory_space<hbm>>, %arg6: memref<20480x128xf32, #tpu.memory_space<hbm>>, %arg7: memref<79x128xi32, #tpu.memory_space<vmem>>, %arg8: memref<79x128xi32, #tpu.memory_space<vmem>>, %arg9: memref<128x128xf32, #tpu.memory_space<vmem>>, %arg10: memref<10240x128xf32, #tpu.memory_space<vmem_shared>>, %arg11: memref<!tpu.dma_semaphore, #tpu.memory_space<semaphore_mem>>) attributes {dimension_semantics = [#tpu.dimension_semantics<core_parallel>, #tpu.dimension_semantics<subcore_parallel>], iteration_bounds = array<i64: 2, 16>, scalar_prefetch = 0 : i64, scratch_operands = 5 : i64, tpu.core_type = #tpu.core_type<sc_vector_subcore>, window_params = [{transform_indices = #map}, {transform_indices = #map1}, {transform_indices = #map1}, {transform_indices = #map}, {transform_indices = #map}]} {
    %mul3A = arith.constant 16 : i32
    %mul3A_0 = arith.muli %arg0, %mul3A : i32
    %add3A = arith.addi %mul3A_0, %arg1 : i32
    "tpu.region"() ({
      %run_scoped3A = tpu.sem_alloc : memref<!tpu.dma_semaphore, #tpu.memory_space<semaphore_mem>>
      %dma_start3A = arith.constant 0 : i32
      %dma_start3A_18 = arith.constant 0 : i32
      %dma_start3A_19 = tpu.memref_slice %arg3[%add3A, %dma_start3A, %dma_start3A_18] : memref<32x79x128xi32, #tpu.memory_space<hbm>> -> memref<1x79x128xi32, #tpu.memory_space<hbm>>
      %dma_start3A_20 = tpu.memref_squeeze %dma_start3A_19 : memref<1x79x128xi32, #tpu.memory_space<hbm>> -> memref<79x128xi32, #tpu.memory_space<hbm>>
      %dma_start3A_21 = arith.constant 0 : i32
      %dma_start3A_22 = arith.constant 0 : i32
      %dma_start3A_23 = tpu.memref_slice %arg3[%add3A, %dma_start3A_21, %dma_start3A_22] : memref<32x79x128xi32, #tpu.memory_space<hbm>> -> memref<1x79x128xi32, #tpu.memory_space<hbm>>
      %dma_start3A_24 = tpu.memref_squeeze %dma_start3A_23 : memref<1x79x128xi32, #tpu.memory_space<hbm>> -> memref<79x128xi32, #tpu.memory_space<hbm>>
      tpu.enqueue_dma source(%dma_start3A_24 : memref<79x128xi32, #tpu.memory_space<hbm>>) target(%arg7 : memref<79x128xi32, #tpu.memory_space<vmem>>) target_semaphore(%run_scoped3A : memref<!tpu.dma_semaphore, #tpu.memory_space<semaphore_mem>>)
      %dma_wait3A = arith.constant 0 : i32
      %dma_wait3A_25 = arith.constant 0 : i32
      %dma_wait3A_26 = tpu.memref_slice %arg3[%add3A, %dma_wait3A, %dma_wait3A_25] : memref<32x79x128xi32, #tpu.memory_space<hbm>> -> memref<1x79x128xi32, #tpu.memory_space<hbm>>
      %dma_wait3A_27 = tpu.memref_squeeze %dma_wait3A_26 : memref<1x79x128xi32, #tpu.memory_space<hbm>> -> memref<79x128xi32, #tpu.memory_space<hbm>>
      %dma_wait3A_28 = arith.constant 0 : i32
      %dma_wait3A_29 = arith.constant 0 : i32
      %dma_wait3A_30 = tpu.memref_slice %arg3[%add3A, %dma_wait3A_28, %dma_wait3A_29] : memref<32x79x128xi32, #tpu.memory_space<hbm>> -> memref<1x79x128xi32, #tpu.memory_space<hbm>>
      %dma_wait3A_31 = tpu.memref_squeeze %dma_wait3A_30 : memref<1x79x128xi32, #tpu.memory_space<hbm>> -> memref<79x128xi32, #tpu.memory_space<hbm>>
      tpu.wait_dma2 semaphore(%run_scoped3A : memref<!tpu.dma_semaphore, #tpu.memory_space<semaphore_mem>>) src(%dma_wait3A_31 : memref<79x128xi32, #tpu.memory_space<hbm>>) dst(%arg7 : memref<79x128xi32, #tpu.memory_space<vmem>>)
      tpu.yield
    }) : () -> ()
    "tpu.region"() ({
      %run_scoped3A = tpu.sem_alloc : memref<!tpu.dma_semaphore, #tpu.memory_space<semaphore_mem>>
      %dma_start3A = arith.constant 0 : i32
      %dma_start3A_18 = arith.constant 0 : i32
      %dma_start3A_19 = tpu.memref_slice %arg4[%add3A, %dma_start3A, %dma_start3A_18] : memref<32x79x128xi32, #tpu.memory_space<hbm>> -> memref<1x79x128xi32, #tpu.memory_space<hbm>>
      %dma_start3A_20 = tpu.memref_squeeze %dma_start3A_19 : memref<1x79x128xi32, #tpu.memory_space<hbm>> -> memref<79x128xi32, #tpu.memory_space<hbm>>
      %dma_start3A_21 = arith.constant 0 : i32
      %dma_start3A_22 = arith.constant 0 : i32
      %dma_start3A_23 = tpu.memref_slice %arg4[%add3A, %dma_start3A_21, %dma_start3A_22] : memref<32x79x128xi32, #tpu.memory_space<hbm>> -> memref<1x79x128xi32, #tpu.memory_space<hbm>>
      %dma_start3A_24 = tpu.memref_squeeze %dma_start3A_23 : memref<1x79x128xi32, #tpu.memory_space<hbm>> -> memref<79x128xi32, #tpu.memory_space<hbm>>
      tpu.enqueue_dma source(%dma_start3A_24 : memref<79x128xi32, #tpu.memory_space<hbm>>) target(%arg8 : memref<79x128xi32, #tpu.memory_space<vmem>>) target_semaphore(%run_scoped3A : memref<!tpu.dma_semaphore, #tpu.memory_space<semaphore_mem>>)
      %dma_wait3A = arith.constant 0 : i32
      %dma_wait3A_25 = arith.constant 0 : i32
      %dma_wait3A_26 = tpu.memref_slice %arg4[%add3A, %dma_wait3A, %dma_wait3A_25] : memref<32x79x128xi32, #tpu.memory_space<hbm>> -> memref<1x79x128xi32, #tpu.memory_space<hbm>>
      %dma_wait3A_27 = tpu.memref_squeeze %dma_wait3A_26 : memref<1x79x128xi32, #tpu.memory_space<hbm>> -> memref<79x128xi32, #tpu.memory_space<hbm>>
      %dma_wait3A_28 = arith.constant 0 : i32
      %dma_wait3A_29 = arith.constant 0 : i32
      %dma_wait3A_30 = tpu.memref_slice %arg4[%add3A, %dma_wait3A_28, %dma_wait3A_29] : memref<32x79x128xi32, #tpu.memory_space<hbm>> -> memref<1x79x128xi32, #tpu.memory_space<hbm>>
      %dma_wait3A_31 = tpu.memref_squeeze %dma_wait3A_30 : memref<1x79x128xi32, #tpu.memory_space<hbm>> -> memref<79x128xi32, #tpu.memory_space<hbm>>
      tpu.wait_dma2 semaphore(%run_scoped3A : memref<!tpu.dma_semaphore, #tpu.memory_space<semaphore_mem>>) src(%dma_wait3A_31 : memref<79x128xi32, #tpu.memory_space<hbm>>) dst(%arg8 : memref<79x128xi32, #tpu.memory_space<vmem>>)
      tpu.yield
    }) : () -> ()
    %mul3A_1 = arith.constant 640 : i32
    %mul3A_2 = arith.muli %arg1, %mul3A_1 : i32
    %mul3A_3 = arith.constant 640 : i32
    %mul3A_4 = arith.muli %arg1, %mul3A_3 : i32
    "tpu.region"() ({
      %run_scoped3A = tpu.sem_alloc : memref<!tpu.dma_semaphore, #tpu.memory_space<semaphore_mem>>
      %dma_start3A = arith.constant 0 : i32
      %dma_start3A_18 = tpu.memref_slice %arg10[%mul3A_4, %dma_start3A] : memref<10240x128xf32, #tpu.memory_space<vmem_shared>> -> memref<640x128xf32, #tpu.memory_space<vmem_shared>>
      %dma_start3A_19 = arith.constant 0 : i32
      %dma_start3A_20 = tpu.memref_slice %arg5[%mul3A_2, %dma_start3A_19] : memref<10240x128xf32, #tpu.memory_space<hbm>> -> memref<640x128xf32, #tpu.memory_space<hbm>>
      tpu.enqueue_dma source(%dma_start3A_20 : memref<640x128xf32, #tpu.memory_space<hbm>>) target(%dma_start3A_18 : memref<640x128xf32, #tpu.memory_space<vmem_shared>>) target_semaphore(%run_scoped3A : memref<!tpu.dma_semaphore, #tpu.memory_space<semaphore_mem>>)
      %dma_wait3A = arith.constant 0 : i32
      %dma_wait3A_21 = tpu.memref_slice %arg10[%mul3A_4, %dma_wait3A] : memref<10240x128xf32, #tpu.memory_space<vmem_shared>> -> memref<640x128xf32, #tpu.memory_space<vmem_shared>>
      %dma_wait3A_22 = arith.constant 0 : i32
      %dma_wait3A_23 = tpu.memref_slice %arg5[%mul3A_2, %dma_wait3A_22] : memref<10240x128xf32, #tpu.memory_space<hbm>> -> memref<640x128xf32, #tpu.memory_space<hbm>>
      tpu.wait_dma2 semaphore(%run_scoped3A : memref<!tpu.dma_semaphore, #tpu.memory_space<semaphore_mem>>) src(%dma_wait3A_23 : memref<640x128xf32, #tpu.memory_space<hbm>>) dst(%dma_wait3A_21 : memref<640x128xf32, #tpu.memory_space<vmem_shared>>)
      tpu.yield
    }) : () -> ()
    %barrier3A = arith.constant 0 : index
    tpu.barrier barrier_id(%barrier3A)
    %scan3A = arith.constant 0 : i32
    %scan3A_5 = arith.constant 0 : i32
    %scan3A_6 = arith.constant 79 : i32
    %scan3A_7 = arith.addi %scan3A_5, %scan3A_6 : i32
    %scan3A_8 = arith.constant 1 : i32
    scf.for %scan3A_18 = %scan3A_5 to %scan3A_7 step %scan3A_8  : i32 {
      %dma_start3A = arith.constant 0 : i32
      %dma_start3A_19 = tpu.memref_slice %arg7[%scan3A_18, %dma_start3A] : memref<79x128xi32, #tpu.memory_space<vmem>> -> memref<1x128xi32, #tpu.memory_space<vmem>>
      %dma_start3A_20 = tpu.memref_squeeze %dma_start3A_19 : memref<1x128xi32, #tpu.memory_space<vmem>> -> memref<128xi32, #tpu.memory_space<vmem>>
      %dma_start3A_21 = arith.constant 0 : i32
      %dma_start3A_22 = arith.constant 0 : i32
      %dma_start3A_23 = tpu.memref_slice %arg2[%dma_start3A_21, %dma_start3A_22] : memref<20000x128xf32, #tpu.memory_space<hbm>> -> memref<20000x128xf32, #tpu.memory_space<hbm>>
      tpu.enqueue_indirect_dma source(%dma_start3A_23 : memref<20000x128xf32, #tpu.memory_space<hbm>>) target(%arg9 : memref<128x128xf32, #tpu.memory_space<vmem>>) offsets(%dma_start3A_20 : memref<128xi32, #tpu.memory_space<vmem>>) semaphore(%arg11 : memref<!tpu.dma_semaphore, #tpu.memory_space<semaphore_mem>>)
      %dma_wait3A = arith.constant 0 : i32
      %dma_wait3A_24 = tpu.memref_slice %arg7[%scan3A_18, %dma_wait3A] : memref<79x128xi32, #tpu.memory_space<vmem>> -> memref<1x128xi32, #tpu.memory_space<vmem>>
      %dma_wait3A_25 = tpu.memref_squeeze %dma_wait3A_24 : memref<1x128xi32, #tpu.memory_space<vmem>> -> memref<128xi32, #tpu.memory_space<vmem>>
      %dma_wait3A_26 = arith.constant 0 : i32
      %dma_wait3A_27 = arith.constant 0 : i32
      %dma_wait3A_28 = tpu.memref_slice %arg2[%dma_wait3A_26, %dma_wait3A_27] : memref<20000x128xf32, #tpu.memory_space<hbm>> -> memref<20000x128xf32, #tpu.memory_space<hbm>>
      tpu.wait_indirect_dma semaphore(%arg11 : memref<!tpu.dma_semaphore, #tpu.memory_space<semaphore_mem>>) src(%dma_wait3A_28 : memref<20000x128xf32, #tpu.memory_space<hbm>>) dst(%arg9 : memref<128x128xf32, #tpu.memory_space<vmem>>)
      "tpu.region"() ({
        %run_scoped3A = tpu.sem_alloc : memref<!tpu.dma_semaphore, #tpu.memory_space<semaphore_mem>>
        %dma_start3A_29 = arith.constant 0 : i32
        %dma_start3A_30 = tpu.memref_slice %arg8[%scan3A_18, %dma_start3A_29] : memref<79x128xi32, #tpu.memory_space<vmem>> -> memref<1x128xi32, #tpu.memory_space<vmem>>
        %dma_start3A_31 = tpu.memref_squeeze %dma_start3A_30 : memref<1x128xi32, #tpu.memory_space<vmem>> -> memref<128xi32, #tpu.memory_space<vmem>>
        %dma_start3A_32 = arith.constant 0 : i32
        %dma_start3A_33 = arith.constant 0 : i32
        %dma_start3A_34 = tpu.memref_slice %arg10[%dma_start3A_32, %dma_start3A_33] : memref<10240x128xf32, #tpu.memory_space<vmem_shared>> -> memref<10240x128xf32, #tpu.memory_space<vmem_shared>>
        tpu.enqueue_indirect_dma source(%arg9 : memref<128x128xf32, #tpu.memory_space<vmem>>) target(%dma_start3A_34 : memref<10240x128xf32, #tpu.memory_space<vmem_shared>>) offsets(%dma_start3A_31 : memref<128xi32, #tpu.memory_space<vmem>>) semaphore(%run_scoped3A : memref<!tpu.dma_semaphore, #tpu.memory_space<semaphore_mem>>) {add = true}
        %dma_wait3A_35 = arith.constant 0 : i32
        %dma_wait3A_36 = tpu.memref_slice %arg8[%scan3A_18, %dma_wait3A_35] : memref<79x128xi32, #tpu.memory_space<vmem>> -> memref<1x128xi32, #tpu.memory_space<vmem>>
        %dma_wait3A_37 = tpu.memref_squeeze %dma_wait3A_36 : memref<1x128xi32, #tpu.memory_space<vmem>> -> memref<128xi32, #tpu.memory_space<vmem>>
        %dma_wait3A_38 = arith.constant 0 : i32
        %dma_wait3A_39 = arith.constant 0 : i32
        %dma_wait3A_40 = tpu.memref_slice %arg10[%dma_wait3A_38, %dma_wait3A_39] : memref<10240x128xf32, #tpu.memory_space<vmem_shared>> -> memref<10240x128xf32, #tpu.memory_space<vmem_shared>>
        tpu.wait_indirect_dma semaphore(%run_scoped3A : memref<!tpu.dma_semaphore, #tpu.memory_space<semaphore_mem>>) src(%arg9 : memref<128x128xf32, #tpu.memory_space<vmem>>) dst(%dma_wait3A_40 : memref<10240x128xf32, #tpu.memory_space<vmem_shared>>)
        tpu.yield
      }) : () -> ()
    }
    %scan3A_9 = arith.constant 79 : i32
    %barrier3A_10 = arith.constant 0 : index
    tpu.barrier barrier_id(%barrier3A_10)
    %mul3A_11 = arith.constant 640 : i32
    %mul3A_12 = arith.muli %arg1, %mul3A_11 : i32
    %mul3A_13 = arith.constant 10240 : i32
    %mul3A_14 = arith.muli %arg0, %mul3A_13 : i32
    %mul3A_15 = arith.constant 640 : i32
    %mul3A_16 = arith.muli %arg1, %mul3A_15 : i32
    %add3A_17 = arith.addi %mul3A_14, %mul3A_16 : i32
    "tpu.region"() ({
      %run_scoped3A = tpu.sem_alloc : memref<!tpu.dma_semaphore, #tpu.memory_space<semaphore_mem>>
      %dma_start3A = arith.constant 0 : i32
      %dma_start3A_18 = tpu.memref_slice %arg6[%add3A_17, %dma_start3A] : memref<20480x128xf32, #tpu.memory_space<hbm>> -> memref<640x128xf32, #tpu.memory_space<hbm>>
      %dma_start3A_19 = arith.constant 0 : i32
      %dma_start3A_20 = tpu.memref_slice %arg10[%mul3A_12, %dma_start3A_19] : memref<10240x128xf32, #tpu.memory_space<vmem_shared>> -> memref<640x128xf32, #tpu.memory_space<vmem_shared>>
      tpu.enqueue_dma source(%dma_start3A_20 : memref<640x128xf32, #tpu.memory_space<vmem_shared>>) target(%dma_start3A_18 : memref<640x128xf32, #tpu.memory_space<hbm>>) target_semaphore(%run_scoped3A : memref<!tpu.dma_semaphore, #tpu.memory_space<semaphore_mem>>)
      %dma_wait3A = arith.constant 0 : i32
      %dma_wait3A_21 = tpu.memref_slice %arg6[%add3A_17, %dma_wait3A] : memref<20480x128xf32, #tpu.memory_space<hbm>> -> memref<640x128xf32, #tpu.memory_space<hbm>>
      %dma_wait3A_22 = arith.constant 0 : i32
      %dma_wait3A_23 = tpu.memref_slice %arg10[%mul3A_12, %dma_wait3A_22] : memref<10240x128xf32, #tpu.memory_space<vmem_shared>> -> memref<640x128xf32, #tpu.memory_space<vmem_shared>>
      tpu.wait_dma2 semaphore(%run_scoped3A : memref<!tpu.dma_semaphore, #tpu.memory_space<semaphore_mem>>) src(%dma_wait3A_23 : memref<640x128xf32, #tpu.memory_space<vmem_shared>>) dst(%dma_wait3A_21 : memref<640x128xf32, #tpu.memory_space<hbm>>)
      tpu.yield
    }) : () -> ()
    return
  }
}

#map = affine_map<(d0, d1) -> (0, 0)>
#map1 = affine_map<(d0, d1) -> (0, 0, 0)>
module attributes {stable_mosaic.version = 14 : i64} {
  func.func @k(%arg0: i32, %arg1: i32, %arg2: memref<20000x128xf32, #tpu.memory_space<hbm>>, %arg3: memref<32x79x128xi32, #tpu.memory_space<hbm>>, %arg4: memref<32x79x128xi32, #tpu.memory_space<hbm>>, %arg5: memref<10240x128xf32, #tpu.memory_space<hbm>>, %arg6: memref<20480x128xf32, #tpu.memory_space<hbm>>, %arg7: memref<79x128xi32, #tpu.memory_space<vmem>>, %arg8: memref<79x128xi32, #tpu.memory_space<vmem>>, %arg9: memref<128x128xf32, #tpu.memory_space<vmem>>, %arg10: memref<10240x128xf32, #tpu.memory_space<vmem_shared>>, %arg11: memref<!tpu.dma_semaphore, #tpu.memory_space<semaphore_mem>>) attributes {dimension_semantics = [#tpu.dimension_semantics<core_parallel>, #tpu.dimension_semantics<subcore_parallel>], iteration_bounds = array<i64: 2, 16>, scalar_prefetch = 0 : i64, scratch_operands = 5 : i64, tpu.core_type = #tpu.core_type<sc_vector_subcore>, window_params = [{transform_indices = #map}, {transform_indices = #map1}, {transform_indices = #map1}, {transform_indices = #map}, {transform_indices = #map}]} {
    %mul3A = arith.constant 16 : i32
    %mul3A_0 = arith.muli %arg0, %mul3A : i32
    %add3A = arith.addi %mul3A_0, %arg1 : i32
    "tpu.region"() ({
      %run_scoped3A = tpu.sem_alloc : memref<!tpu.dma_semaphore, #tpu.memory_space<semaphore_mem>>
      %dma_start3A = arith.constant 0 : i32
      %dma_start3A_18 = arith.constant 0 : i32
      %dma_start3A_19 = tpu.memref_slice %arg3[%add3A, %dma_start3A, %dma_start3A_18] : memref<32x79x128xi32, #tpu.memory_space<hbm>> -> memref<1x79x128xi32, #tpu.memory_space<hbm>>
      %dma_start3A_20 = tpu.memref_squeeze %dma_start3A_19 : memref<1x79x128xi32, #tpu.memory_space<hbm>> -> memref<79x128xi32, #tpu.memory_space<hbm>>
      %dma_start3A_21 = arith.constant 0 : i32
      %dma_start3A_22 = arith.constant 0 : i32
      %dma_start3A_23 = tpu.memref_slice %arg3[%add3A, %dma_start3A_21, %dma_start3A_22] : memref<32x79x128xi32, #tpu.memory_space<hbm>> -> memref<1x79x128xi32, #tpu.memory_space<hbm>>
      %dma_start3A_24 = tpu.memref_squeeze %dma_start3A_23 : memref<1x79x128xi32, #tpu.memory_space<hbm>> -> memref<79x128xi32, #tpu.memory_space<hbm>>
      tpu.enqueue_dma source(%dma_start3A_24 : memref<79x128xi32, #tpu.memory_space<hbm>>) target(%arg7 : memref<79x128xi32, #tpu.memory_space<vmem>>) target_semaphore(%run_scoped3A : memref<!tpu.dma_semaphore, #tpu.memory_space<semaphore_mem>>)
      %dma_wait3A = arith.constant 0 : i32
      %dma_wait3A_25 = arith.constant 0 : i32
      %dma_wait3A_26 = tpu.memref_slice %arg3[%add3A, %dma_wait3A, %dma_wait3A_25] : memref<32x79x128xi32, #tpu.memory_space<hbm>> -> memref<1x79x128xi32, #tpu.memory_space<hbm>>
      %dma_wait3A_27 = tpu.memref_squeeze %dma_wait3A_26 : memref<1x79x128xi32, #tpu.memory_space<hbm>> -> memref<79x128xi32, #tpu.memory_space<hbm>>
      %dma_wait3A_28 = arith.constant 0 : i32
      %dma_wait3A_29 = arith.constant 0 : i32
      %dma_wait3A_30 = tpu.memref_slice %arg3[%add3A, %dma_wait3A_28, %dma_wait3A_29] : memref<32x79x128xi32, #tpu.memory_space<hbm>> -> memref<1x79x128xi32, #tpu.memory_space<hbm>>
      %dma_wait3A_31 = tpu.memref_squeeze %dma_wait3A_30 : memref<1x79x128xi32, #tpu.memory_space<hbm>> -> memref<79x128xi32, #tpu.memory_space<hbm>>
      tpu.wait_dma2 semaphore(%run_scoped3A : memref<!tpu.dma_semaphore, #tpu.memory_space<semaphore_mem>>) src(%dma_wait3A_31 : memref<79x128xi32, #tpu.memory_space<hbm>>) dst(%arg7 : memref<79x128xi32, #tpu.memory_space<vmem>>)
      tpu.yield
    }) : () -> ()
    "tpu.region"() ({
      %run_scoped3A = tpu.sem_alloc : memref<!tpu.dma_semaphore, #tpu.memory_space<semaphore_mem>>
      %dma_start3A = arith.constant 0 : i32
      %dma_start3A_18 = arith.constant 0 : i32
      %dma_start3A_19 = tpu.memref_slice %arg4[%add3A, %dma_start3A, %dma_start3A_18] : memref<32x79x128xi32, #tpu.memory_space<hbm>> -> memref<1x79x128xi32, #tpu.memory_space<hbm>>
      %dma_start3A_20 = tpu.memref_squeeze %dma_start3A_19 : memref<1x79x128xi32, #tpu.memory_space<hbm>> -> memref<79x128xi32, #tpu.memory_space<hbm>>
      %dma_start3A_21 = arith.constant 0 : i32
      %dma_start3A_22 = arith.constant 0 : i32
      %dma_start3A_23 = tpu.memref_slice %arg4[%add3A, %dma_start3A_21, %dma_start3A_22] : memref<32x79x128xi32, #tpu.memory_space<hbm>> -> memref<1x79x128xi32, #tpu.memory_space<hbm>>
      %dma_start3A_24 = tpu.memref_squeeze %dma_start3A_23 : memref<1x79x128xi32, #tpu.memory_space<hbm>> -> memref<79x128xi32, #tpu.memory_space<hbm>>
      tpu.enqueue_dma source(%dma_start3A_24 : memref<79x128xi32, #tpu.memory_space<hbm>>) target(%arg8 : memref<79x128xi32, #tpu.memory_space<vmem>>) target_semaphore(%run_scoped3A : memref<!tpu.dma_semaphore, #tpu.memory_space<semaphore_mem>>)
      %dma_wait3A = arith.constant 0 : i32
      %dma_wait3A_25 = arith.constant 0 : i32
      %dma_wait3A_26 = tpu.memref_slice %arg4[%add3A, %dma_wait3A, %dma_wait3A_25] : memref<32x79x128xi32, #tpu.memory_space<hbm>> -> memref<1x79x128xi32, #tpu.memory_space<hbm>>
      %dma_wait3A_27 = tpu.memref_squeeze %dma_wait3A_26 : memref<1x79x128xi32, #tpu.memory_space<hbm>> -> memref<79x128xi32, #tpu.memory_space<hbm>>
      %dma_wait3A_28 = arith.constant 0 : i32
      %dma_wait3A_29 = arith.constant 0 : i32
      %dma_wait3A_30 = tpu.memref_slice %arg4[%add3A, %dma_wait3A_28, %dma_wait3A_29] : memref<32x79x128xi32, #tpu.memory_space<hbm>> -> memref<1x79x128xi32, #tpu.memory_space<hbm>>
      %dma_wait3A_31 = tpu.memref_squeeze %dma_wait3A_30 : memref<1x79x128xi32, #tpu.memory_space<hbm>> -> memref<79x128xi32, #tpu.memory_space<hbm>>
      tpu.wait_dma2 semaphore(%run_scoped3A : memref<!tpu.dma_semaphore, #tpu.memory_space<semaphore_mem>>) src(%dma_wait3A_31 : memref<79x128xi32, #tpu.memory_space<hbm>>) dst(%arg8 : memref<79x128xi32, #tpu.memory_space<vmem>>)
      tpu.yield
    }) : () -> ()
    %mul3A_1 = arith.constant 640 : i32
    %mul3A_2 = arith.muli %arg1, %mul3A_1 : i32
    %mul3A_3 = arith.constant 640 : i32
    %mul3A_4 = arith.muli %arg1, %mul3A_3 : i32
    "tpu.region"() ({
      %run_scoped3A = tpu.sem_alloc : memref<!tpu.dma_semaphore, #tpu.memory_space<semaphore_mem>>
      %dma_start3A = arith.constant 0 : i32
      %dma_start3A_18 = tpu.memref_slice %arg10[%mul3A_4, %dma_start3A] : memref<10240x128xf32, #tpu.memory_space<vmem_shared>> -> memref<640x128xf32, #tpu.memory_space<vmem_shared>>
      %dma_start3A_19 = arith.constant 0 : i32
      %dma_start3A_20 = tpu.memref_slice %arg5[%mul3A_2, %dma_start3A_19] : memref<10240x128xf32, #tpu.memory_space<hbm>> -> memref<640x128xf32, #tpu.memory_space<hbm>>
      tpu.enqueue_dma source(%dma_start3A_20 : memref<640x128xf32, #tpu.memory_space<hbm>>) target(%dma_start3A_18 : memref<640x128xf32, #tpu.memory_space<vmem_shared>>) target_semaphore(%run_scoped3A : memref<!tpu.dma_semaphore, #tpu.memory_space<semaphore_mem>>)
      %dma_wait3A = arith.constant 0 : i32
      %dma_wait3A_21 = tpu.memref_slice %arg10[%mul3A_4, %dma_wait3A] : memref<10240x128xf32, #tpu.memory_space<vmem_shared>> -> memref<640x128xf32, #tpu.memory_space<vmem_shared>>
      %dma_wait3A_22 = arith.constant 0 : i32
      %dma_wait3A_23 = tpu.memref_slice %arg5[%mul3A_2, %dma_wait3A_22] : memref<10240x128xf32, #tpu.memory_space<hbm>> -> memref<640x128xf32, #tpu.memory_space<hbm>>
      tpu.wait_dma2 semaphore(%run_scoped3A : memref<!tpu.dma_semaphore, #tpu.memory_space<semaphore_mem>>) src(%dma_wait3A_23 : memref<640x128xf32, #tpu.memory_space<hbm>>) dst(%dma_wait3A_21 : memref<640x128xf32, #tpu.memory_space<vmem_shared>>)
      tpu.yield
    }) : () -> ()
    %barrier3A = arith.constant 0 : index
    tpu.barrier barrier_id(%barrier3A)
    %scan3A = arith.constant 0 : i32
    %scan3A_5 = arith.constant 0 : i32
    %scan3A_6 = arith.constant 79 : i32
    %scan3A_7 = arith.addi %scan3A_5, %scan3A_6 : i32
    %scan3A_8 = arith.constant 1 : i32
    scf.for %scan3A_18 = %scan3A_5 to %scan3A_7 step %scan3A_8  : i32 {
      %dma_start3A = arith.constant 0 : i32
      %dma_start3A_19 = tpu.memref_slice %arg7[%scan3A_18, %dma_start3A] : memref<79x128xi32, #tpu.memory_space<vmem>> -> memref<1x128xi32, #tpu.memory_space<vmem>>
      %dma_start3A_20 = tpu.memref_squeeze %dma_start3A_19 : memref<1x128xi32, #tpu.memory_space<vmem>> -> memref<128xi32, #tpu.memory_space<vmem>>
      %dma_start3A_21 = arith.constant 0 : i32
      %dma_start3A_22 = arith.constant 0 : i32
      %dma_start3A_23 = tpu.memref_slice %arg2[%dma_start3A_21, %dma_start3A_22] : memref<20000x128xf32, #tpu.memory_space<hbm>> -> memref<20000x128xf32, #tpu.memory_space<hbm>>
      tpu.enqueue_indirect_dma source(%dma_start3A_23 : memref<20000x128xf32, #tpu.memory_space<hbm>>) target(%arg9 : memref<128x128xf32, #tpu.memory_space<vmem>>) offsets(%dma_start3A_20 : memref<128xi32, #tpu.memory_space<vmem>>) semaphore(%arg11 : memref<!tpu.dma_semaphore, #tpu.memory_space<semaphore_mem>>)
      %dma_wait3A = arith.constant 0 : i32
      %dma_wait3A_24 = tpu.memref_slice %arg7[%scan3A_18, %dma_wait3A] : memref<79x128xi32, #tpu.memory_space<vmem>> -> memref<1x128xi32, #tpu.memory_space<vmem>>
      %dma_wait3A_25 = tpu.memref_squeeze %dma_wait3A_24 : memref<1x128xi32, #tpu.memory_space<vmem>> -> memref<128xi32, #tpu.memory_space<vmem>>
      %dma_wait3A_26 = arith.constant 0 : i32
      %dma_wait3A_27 = arith.constant 0 : i32
      %dma_wait3A_28 = tpu.memref_slice %arg2[%dma_wait3A_26, %dma_wait3A_27] : memref<20000x128xf32, #tpu.memory_space<hbm>> -> memref<20000x128xf32, #tpu.memory_space<hbm>>
      tpu.wait_indirect_dma semaphore(%arg11 : memref<!tpu.dma_semaphore, #tpu.memory_space<semaphore_mem>>) src(%dma_wait3A_28 : memref<20000x128xf32, #tpu.memory_space<hbm>>) dst(%arg9 : memref<128x128xf32, #tpu.memory_space<vmem>>)
      "tpu.region"() ({
        %run_scoped3A = tpu.sem_alloc : memref<!tpu.dma_semaphore, #tpu.memory_space<semaphore_mem>>
        %dma_start3A_29 = arith.constant 0 : i32
        %dma_start3A_30 = tpu.memref_slice %arg8[%scan3A_18, %dma_start3A_29] : memref<79x128xi32, #tpu.memory_space<vmem>> -> memref<1x128xi32, #tpu.memory_space<vmem>>
        %dma_start3A_31 = tpu.memref_squeeze %dma_start3A_30 : memref<1x128xi32, #tpu.memory_space<vmem>> -> memref<128xi32, #tpu.memory_space<vmem>>
        %dma_start3A_32 = arith.constant 0 : i32
        %dma_start3A_33 = arith.constant 0 : i32
        %dma_start3A_34 = tpu.memref_slice %arg10[%dma_start3A_32, %dma_start3A_33] : memref<10240x128xf32, #tpu.memory_space<vmem_shared>> -> memref<10240x128xf32, #tpu.memory_space<vmem_shared>>
        tpu.enqueue_indirect_dma source(%arg9 : memref<128x128xf32, #tpu.memory_space<vmem>>) target(%dma_start3A_34 : memref<10240x128xf32, #tpu.memory_space<vmem_shared>>) offsets(%dma_start3A_31 : memref<128xi32, #tpu.memory_space<vmem>>) semaphore(%run_scoped3A : memref<!tpu.dma_semaphore, #tpu.memory_space<semaphore_mem>>) {add = true}
        %dma_wait3A_35 = arith.constant 0 : i32
        %dma_wait3A_36 = tpu.memref_slice %arg8[%scan3A_18, %dma_wait3A_35] : memref<79x128xi32, #tpu.memory_space<vmem>> -> memref<1x128xi32, #tpu.memory_space<vmem>>
        %dma_wait3A_37 = tpu.memref_squeeze %dma_wait3A_36 : memref<1x128xi32, #tpu.memory_space<vmem>> -> memref<128xi32, #tpu.memory_space<vmem>>
        %dma_wait3A_38 = arith.constant 0 : i32
        %dma_wait3A_39 = arith.constant 0 : i32
        %dma_wait3A_40 = tpu.memref_slice %arg10[%dma_wait3A_38, %dma_wait3A_39] : memref<10240x128xf32, #tpu.memory_space<vmem_shared>> -> memref<10240x128xf32, #tpu.memory_space<vmem_shared>>
        tpu.wait_indirect_dma semaphore(%run_scoped3A : memref<!tpu.dma_semaphore, #tpu.memory_space<semaphore_mem>>) src(%arg9 : memref<128x128xf32, #tpu.memory_space<vmem>>) dst(%dma_wait3A_40 : memref<10240x128xf32, #tpu.memory_space<vmem_shared>>)
        tpu.yield
      }) : () -> ()
    }
    %scan3A_9 = arith.constant 79 : i32
    %barrier3A_10 = arith.constant 0 : index
    tpu.barrier barrier_id(%barrier3A_10)
    %mul3A_11 = arith.constant 640 : i32
    %mul3A_12 = arith.muli %arg1, %mul3A_11 : i32
    %mul3A_13 = arith.constant 10240 : i32
    %mul3A_14 = arith.muli %arg0, %mul3A_13 : i32
    %mul3A_15 = arith.constant 640 : i32
    %mul3A_16 = arith.muli %arg1, %mul3A_15 : i32
    %add3A_17 = arith.addi %mul3A_14, %mul3A_16 : i32
    "tpu.region"() ({
      %run_scoped3A = tpu.sem_alloc : memref<!tpu.dma_semaphore, #tpu.memory_space<semaphore_mem>>
      %dma_start3A = arith.constant 0 : i32
      %dma_start3A_18 = tpu.memref_slice %arg6[%add3A_17, %dma_start3A] : memref<20480x128xf32, #tpu.memory_space<hbm>> -> memref<640x128xf32, #tpu.memory_space<hbm>>
      %dma_start3A_19 = arith.constant 0 : i32
      %dma_start3A_20 = tpu.memref_slice %arg10[%mul3A_12, %dma_start3A_19] : memref<10240x128xf32, #tpu.memory_space<vmem_shared>> -> memref<640x128xf32, #tpu.memory_space<vmem_shared>>
      tpu.enqueue_dma source(%dma_start3A_20 : memref<640x128xf32, #tpu.memory_space<vmem_shared>>) target(%dma_start3A_18 : memref<640x128xf32, #tpu.memory_space<hbm>>) target_semaphore(%run_scoped3A : memref<!tpu.dma_semaphore, #tpu.memory_space<semaphore_mem>>)
      %dma_wait3A = arith.constant 0 : i32
      %dma_wait3A_21 = tpu.memref_slice %arg6[%add3A_17, %dma_wait3A] : memref<20480x128xf32, #tpu.memory_space<hbm>> -> memref<640x128xf32, #tpu.memory_space<hbm>>
      %dma_wait3A_22 = arith.constant 0 : i32
      %dma_wait3A_23 = tpu.memref_slice %arg10[%mul3A_12, %dma_wait3A_22] : memref<10240x128xf32, #tpu.memory_space<vmem_shared>> -> memref<640x128xf32, #tpu.memory_space<vmem_shared>>
      tpu.wait_dma2 semaphore(%run_scoped3A : memref<!tpu.dma_semaphore, #tpu.memory_space<semaphore_mem>>) src(%dma_wait3A_23 : memref<640x128xf32, #tpu.memory_space<vmem_shared>>) dst(%dma_wait3A_21 : memref<640x128xf32, #tpu.memory_space<hbm>>)
      tpu.yield
    }) : () -> ()
    return
  }
}

#map = affine_map<(d0, d1) -> (0, 0)>
#map1 = affine_map<(d0, d1) -> (0, 0, 0)>
module attributes {stable_mosaic.version = 14 : i64} {
  func.func @k(%arg0: i32, %arg1: i32, %arg2: memref<20000x128xf32, #tpu.memory_space<hbm>>, %arg3: memref<32x79x128xi32, #tpu.memory_space<hbm>>, %arg4: memref<32x79x128xi32, #tpu.memory_space<hbm>>, %arg5: memref<10240x128xf32, #tpu.memory_space<hbm>>, %arg6: memref<20480x128xf32, #tpu.memory_space<hbm>>, %arg7: memref<79x128xi32, #tpu.memory_space<vmem>>, %arg8: memref<79x128xi32, #tpu.memory_space<vmem>>, %arg9: memref<128x128xf32, #tpu.memory_space<vmem>>, %arg10: memref<10240x128xf32, #tpu.memory_space<vmem_shared>>, %arg11: memref<!tpu.dma_semaphore, #tpu.memory_space<semaphore_mem>>) attributes {dimension_semantics = [#tpu.dimension_semantics<core_parallel>, #tpu.dimension_semantics<subcore_parallel>], iteration_bounds = array<i64: 2, 16>, scalar_prefetch = 0 : i64, scratch_operands = 5 : i64, tpu.core_type = #tpu.core_type<sc_vector_subcore>, window_params = [{transform_indices = #map}, {transform_indices = #map1}, {transform_indices = #map1}, {transform_indices = #map}, {transform_indices = #map}]} {
    %mul3A = arith.constant 16 : i32
    %mul3A_0 = arith.muli %arg0, %mul3A : i32
    %add3A = arith.addi %mul3A_0, %arg1 : i32
    "tpu.region"() ({
      %run_scoped3A = tpu.sem_alloc : memref<!tpu.dma_semaphore, #tpu.memory_space<semaphore_mem>>
      %dma_start3A = arith.constant 0 : i32
      %dma_start3A_18 = arith.constant 0 : i32
      %dma_start3A_19 = tpu.memref_slice %arg3[%add3A, %dma_start3A, %dma_start3A_18] : memref<32x79x128xi32, #tpu.memory_space<hbm>> -> memref<1x79x128xi32, #tpu.memory_space<hbm>>
      %dma_start3A_20 = tpu.memref_squeeze %dma_start3A_19 : memref<1x79x128xi32, #tpu.memory_space<hbm>> -> memref<79x128xi32, #tpu.memory_space<hbm>>
      %dma_start3A_21 = arith.constant 0 : i32
      %dma_start3A_22 = arith.constant 0 : i32
      %dma_start3A_23 = tpu.memref_slice %arg3[%add3A, %dma_start3A_21, %dma_start3A_22] : memref<32x79x128xi32, #tpu.memory_space<hbm>> -> memref<1x79x128xi32, #tpu.memory_space<hbm>>
      %dma_start3A_24 = tpu.memref_squeeze %dma_start3A_23 : memref<1x79x128xi32, #tpu.memory_space<hbm>> -> memref<79x128xi32, #tpu.memory_space<hbm>>
      tpu.enqueue_dma source(%dma_start3A_24 : memref<79x128xi32, #tpu.memory_space<hbm>>) target(%arg7 : memref<79x128xi32, #tpu.memory_space<vmem>>) target_semaphore(%run_scoped3A : memref<!tpu.dma_semaphore, #tpu.memory_space<semaphore_mem>>)
      %dma_wait3A = arith.constant 0 : i32
      %dma_wait3A_25 = arith.constant 0 : i32
      %dma_wait3A_26 = tpu.memref_slice %arg3[%add3A, %dma_wait3A, %dma_wait3A_25] : memref<32x79x128xi32, #tpu.memory_space<hbm>> -> memref<1x79x128xi32, #tpu.memory_space<hbm>>
      %dma_wait3A_27 = tpu.memref_squeeze %dma_wait3A_26 : memref<1x79x128xi32, #tpu.memory_space<hbm>> -> memref<79x128xi32, #tpu.memory_space<hbm>>
      %dma_wait3A_28 = arith.constant 0 : i32
      %dma_wait3A_29 = arith.constant 0 : i32
      %dma_wait3A_30 = tpu.memref_slice %arg3[%add3A, %dma_wait3A_28, %dma_wait3A_29] : memref<32x79x128xi32, #tpu.memory_space<hbm>> -> memref<1x79x128xi32, #tpu.memory_space<hbm>>
      %dma_wait3A_31 = tpu.memref_squeeze %dma_wait3A_30 : memref<1x79x128xi32, #tpu.memory_space<hbm>> -> memref<79x128xi32, #tpu.memory_space<hbm>>
      tpu.wait_dma2 semaphore(%run_scoped3A : memref<!tpu.dma_semaphore, #tpu.memory_space<semaphore_mem>>) src(%dma_wait3A_31 : memref<79x128xi32, #tpu.memory_space<hbm>>) dst(%arg7 : memref<79x128xi32, #tpu.memory_space<vmem>>)
      tpu.yield
    }) : () -> ()
    "tpu.region"() ({
      %run_scoped3A = tpu.sem_alloc : memref<!tpu.dma_semaphore, #tpu.memory_space<semaphore_mem>>
      %dma_start3A = arith.constant 0 : i32
      %dma_start3A_18 = arith.constant 0 : i32
      %dma_start3A_19 = tpu.memref_slice %arg4[%add3A, %dma_start3A, %dma_start3A_18] : memref<32x79x128xi32, #tpu.memory_space<hbm>> -> memref<1x79x128xi32, #tpu.memory_space<hbm>>
      %dma_start3A_20 = tpu.memref_squeeze %dma_start3A_19 : memref<1x79x128xi32, #tpu.memory_space<hbm>> -> memref<79x128xi32, #tpu.memory_space<hbm>>
      %dma_start3A_21 = arith.constant 0 : i32
      %dma_start3A_22 = arith.constant 0 : i32
      %dma_start3A_23 = tpu.memref_slice %arg4[%add3A, %dma_start3A_21, %dma_start3A_22] : memref<32x79x128xi32, #tpu.memory_space<hbm>> -> memref<1x79x128xi32, #tpu.memory_space<hbm>>
      %dma_start3A_24 = tpu.memref_squeeze %dma_start3A_23 : memref<1x79x128xi32, #tpu.memory_space<hbm>> -> memref<79x128xi32, #tpu.memory_space<hbm>>
      tpu.enqueue_dma source(%dma_start3A_24 : memref<79x128xi32, #tpu.memory_space<hbm>>) target(%arg8 : memref<79x128xi32, #tpu.memory_space<vmem>>) target_semaphore(%run_scoped3A : memref<!tpu.dma_semaphore, #tpu.memory_space<semaphore_mem>>)
      %dma_wait3A = arith.constant 0 : i32
      %dma_wait3A_25 = arith.constant 0 : i32
      %dma_wait3A_26 = tpu.memref_slice %arg4[%add3A, %dma_wait3A, %dma_wait3A_25] : memref<32x79x128xi32, #tpu.memory_space<hbm>> -> memref<1x79x128xi32, #tpu.memory_space<hbm>>
      %dma_wait3A_27 = tpu.memref_squeeze %dma_wait3A_26 : memref<1x79x128xi32, #tpu.memory_space<hbm>> -> memref<79x128xi32, #tpu.memory_space<hbm>>
      %dma_wait3A_28 = arith.constant 0 : i32
      %dma_wait3A_29 = arith.constant 0 : i32
      %dma_wait3A_30 = tpu.memref_slice %arg4[%add3A, %dma_wait3A_28, %dma_wait3A_29] : memref<32x79x128xi32, #tpu.memory_space<hbm>> -> memref<1x79x128xi32, #tpu.memory_space<hbm>>
      %dma_wait3A_31 = tpu.memref_squeeze %dma_wait3A_30 : memref<1x79x128xi32, #tpu.memory_space<hbm>> -> memref<79x128xi32, #tpu.memory_space<hbm>>
      tpu.wait_dma2 semaphore(%run_scoped3A : memref<!tpu.dma_semaphore, #tpu.memory_space<semaphore_mem>>) src(%dma_wait3A_31 : memref<79x128xi32, #tpu.memory_space<hbm>>) dst(%arg8 : memref<79x128xi32, #tpu.memory_space<vmem>>)
      tpu.yield
    }) : () -> ()
    %mul3A_1 = arith.constant 640 : i32
    %mul3A_2 = arith.muli %arg1, %mul3A_1 : i32
    %mul3A_3 = arith.constant 640 : i32
    %mul3A_4 = arith.muli %arg1, %mul3A_3 : i32
    "tpu.region"() ({
      %run_scoped3A = tpu.sem_alloc : memref<!tpu.dma_semaphore, #tpu.memory_space<semaphore_mem>>
      %dma_start3A = arith.constant 0 : i32
      %dma_start3A_18 = tpu.memref_slice %arg10[%mul3A_4, %dma_start3A] : memref<10240x128xf32, #tpu.memory_space<vmem_shared>> -> memref<640x128xf32, #tpu.memory_space<vmem_shared>>
      %dma_start3A_19 = arith.constant 0 : i32
      %dma_start3A_20 = tpu.memref_slice %arg5[%mul3A_2, %dma_start3A_19] : memref<10240x128xf32, #tpu.memory_space<hbm>> -> memref<640x128xf32, #tpu.memory_space<hbm>>
      tpu.enqueue_dma source(%dma_start3A_20 : memref<640x128xf32, #tpu.memory_space<hbm>>) target(%dma_start3A_18 : memref<640x128xf32, #tpu.memory_space<vmem_shared>>) target_semaphore(%run_scoped3A : memref<!tpu.dma_semaphore, #tpu.memory_space<semaphore_mem>>)
      %dma_wait3A = arith.constant 0 : i32
      %dma_wait3A_21 = tpu.memref_slice %arg10[%mul3A_4, %dma_wait3A] : memref<10240x128xf32, #tpu.memory_space<vmem_shared>> -> memref<640x128xf32, #tpu.memory_space<vmem_shared>>
      %dma_wait3A_22 = arith.constant 0 : i32
      %dma_wait3A_23 = tpu.memref_slice %arg5[%mul3A_2, %dma_wait3A_22] : memref<10240x128xf32, #tpu.memory_space<hbm>> -> memref<640x128xf32, #tpu.memory_space<hbm>>
      tpu.wait_dma2 semaphore(%run_scoped3A : memref<!tpu.dma_semaphore, #tpu.memory_space<semaphore_mem>>) src(%dma_wait3A_23 : memref<640x128xf32, #tpu.memory_space<hbm>>) dst(%dma_wait3A_21 : memref<640x128xf32, #tpu.memory_space<vmem_shared>>)
      tpu.yield
    }) : () -> ()
    %barrier3A = arith.constant 0 : index
    tpu.barrier barrier_id(%barrier3A)
    %scan3A = arith.constant 0 : i32
    %scan3A_5 = arith.constant 0 : i32
    %scan3A_6 = arith.constant 79 : i32
    %scan3A_7 = arith.addi %scan3A_5, %scan3A_6 : i32
    %scan3A_8 = arith.constant 1 : i32
    scf.for %scan3A_18 = %scan3A_5 to %scan3A_7 step %scan3A_8  : i32 {
      %dma_start3A = arith.constant 0 : i32
      %dma_start3A_19 = tpu.memref_slice %arg7[%scan3A_18, %dma_start3A] : memref<79x128xi32, #tpu.memory_space<vmem>> -> memref<1x128xi32, #tpu.memory_space<vmem>>
      %dma_start3A_20 = tpu.memref_squeeze %dma_start3A_19 : memref<1x128xi32, #tpu.memory_space<vmem>> -> memref<128xi32, #tpu.memory_space<vmem>>
      %dma_start3A_21 = arith.constant 0 : i32
      %dma_start3A_22 = arith.constant 0 : i32
      %dma_start3A_23 = tpu.memref_slice %arg2[%dma_start3A_21, %dma_start3A_22] : memref<20000x128xf32, #tpu.memory_space<hbm>> -> memref<20000x128xf32, #tpu.memory_space<hbm>>
      tpu.enqueue_indirect_dma source(%dma_start3A_23 : memref<20000x128xf32, #tpu.memory_space<hbm>>) target(%arg9 : memref<128x128xf32, #tpu.memory_space<vmem>>) offsets(%dma_start3A_20 : memref<128xi32, #tpu.memory_space<vmem>>) semaphore(%arg11 : memref<!tpu.dma_semaphore, #tpu.memory_space<semaphore_mem>>)
      %dma_wait3A = arith.constant 0 : i32
      %dma_wait3A_24 = tpu.memref_slice %arg7[%scan3A_18, %dma_wait3A] : memref<79x128xi32, #tpu.memory_space<vmem>> -> memref<1x128xi32, #tpu.memory_space<vmem>>
      %dma_wait3A_25 = tpu.memref_squeeze %dma_wait3A_24 : memref<1x128xi32, #tpu.memory_space<vmem>> -> memref<128xi32, #tpu.memory_space<vmem>>
      %dma_wait3A_26 = arith.constant 0 : i32
      %dma_wait3A_27 = arith.constant 0 : i32
      %dma_wait3A_28 = tpu.memref_slice %arg2[%dma_wait3A_26, %dma_wait3A_27] : memref<20000x128xf32, #tpu.memory_space<hbm>> -> memref<20000x128xf32, #tpu.memory_space<hbm>>
      tpu.wait_indirect_dma semaphore(%arg11 : memref<!tpu.dma_semaphore, #tpu.memory_space<semaphore_mem>>) src(%dma_wait3A_28 : memref<20000x128xf32, #tpu.memory_space<hbm>>) dst(%arg9 : memref<128x128xf32, #tpu.memory_space<vmem>>)
      "tpu.region"() ({
        %run_scoped3A = tpu.sem_alloc : memref<!tpu.dma_semaphore, #tpu.memory_space<semaphore_mem>>
        %dma_start3A_29 = arith.constant 0 : i32
        %dma_start3A_30 = tpu.memref_slice %arg8[%scan3A_18, %dma_start3A_29] : memref<79x128xi32, #tpu.memory_space<vmem>> -> memref<1x128xi32, #tpu.memory_space<vmem>>
        %dma_start3A_31 = tpu.memref_squeeze %dma_start3A_30 : memref<1x128xi32, #tpu.memory_space<vmem>> -> memref<128xi32, #tpu.memory_space<vmem>>
        %dma_start3A_32 = arith.constant 0 : i32
        %dma_start3A_33 = arith.constant 0 : i32
        %dma_start3A_34 = tpu.memref_slice %arg10[%dma_start3A_32, %dma_start3A_33] : memref<10240x128xf32, #tpu.memory_space<vmem_shared>> -> memref<10240x128xf32, #tpu.memory_space<vmem_shared>>
        tpu.enqueue_indirect_dma source(%arg9 : memref<128x128xf32, #tpu.memory_space<vmem>>) target(%dma_start3A_34 : memref<10240x128xf32, #tpu.memory_space<vmem_shared>>) offsets(%dma_start3A_31 : memref<128xi32, #tpu.memory_space<vmem>>) semaphore(%run_scoped3A : memref<!tpu.dma_semaphore, #tpu.memory_space<semaphore_mem>>) {add = true}
        %dma_wait3A_35 = arith.constant 0 : i32
        %dma_wait3A_36 = tpu.memref_slice %arg8[%scan3A_18, %dma_wait3A_35] : memref<79x128xi32, #tpu.memory_space<vmem>> -> memref<1x128xi32, #tpu.memory_space<vmem>>
        %dma_wait3A_37 = tpu.memref_squeeze %dma_wait3A_36 : memref<1x128xi32, #tpu.memory_space<vmem>> -> memref<128xi32, #tpu.memory_space<vmem>>
        %dma_wait3A_38 = arith.constant 0 : i32
        %dma_wait3A_39 = arith.constant 0 : i32
        %dma_wait3A_40 = tpu.memref_slice %arg10[%dma_wait3A_38, %dma_wait3A_39] : memref<10240x128xf32, #tpu.memory_space<vmem_shared>> -> memref<10240x128xf32, #tpu.memory_space<vmem_shared>>
        tpu.wait_indirect_dma semaphore(%run_scoped3A : memref<!tpu.dma_semaphore, #tpu.memory_space<semaphore_mem>>) src(%arg9 : memref<128x128xf32, #tpu.memory_space<vmem>>) dst(%dma_wait3A_40 : memref<10240x128xf32, #tpu.memory_space<vmem_shared>>)
        tpu.yield
      }) : () -> ()
    }
    %scan3A_9 = arith.constant 79 : i32
    %barrier3A_10 = arith.constant 0 : index
    tpu.barrier barrier_id(%barrier3A_10)
    %mul3A_11 = arith.constant 640 : i32
    %mul3A_12 = arith.muli %arg1, %mul3A_11 : i32
    %mul3A_13 = arith.constant 10240 : i32
    %mul3A_14 = arith.muli %arg0, %mul3A_13 : i32
    %mul3A_15 = arith.constant 640 : i32
    %mul3A_16 = arith.muli %arg1, %mul3A_15 : i32
    %add3A_17 = arith.addi %mul3A_14, %mul3A_16 : i32
    "tpu.region"() ({
      %run_scoped3A = tpu.sem_alloc : memref<!tpu.dma_semaphore, #tpu.memory_space<semaphore_mem>>
      %dma_start3A = arith.constant 0 : i32
      %dma_start3A_18 = tpu.memref_slice %arg6[%add3A_17, %dma_start3A] : memref<20480x128xf32, #tpu.memory_space<hbm>> -> memref<640x128xf32, #tpu.memory_space<hbm>>
      %dma_start3A_19 = arith.constant 0 : i32
      %dma_start3A_20 = tpu.memref_slice %arg10[%mul3A_12, %dma_start3A_19] : memref<10240x128xf32, #tpu.memory_space<vmem_shared>> -> memref<640x128xf32, #tpu.memory_space<vmem_shared>>
      tpu.enqueue_dma source(%dma_start3A_20 : memref<640x128xf32, #tpu.memory_space<vmem_shared>>) target(%dma_start3A_18 : memref<640x128xf32, #tpu.memory_space<hbm>>) target_semaphore(%run_scoped3A : memref<!tpu.dma_semaphore, #tpu.memory_space<semaphore_mem>>)
      %dma_wait3A = arith.constant 0 : i32
      %dma_wait3A_21 = tpu.memref_slice %arg6[%add3A_17, %dma_wait3A] : memref<20480x128xf32, #tpu.memory_space<hbm>> -> memref<640x128xf32, #tpu.memory_space<hbm>>
      %dma_wait3A_22 = arith.constant 0 : i32
      %dma_wait3A_23 = tpu.memref_slice %arg10[%mul3A_12, %dma_wait3A_22] : memref<10240x128xf32, #tpu.memory_space<vmem_shared>> -> memref<640x128xf32, #tpu.memory_space<vmem_shared>>
      tpu.wait_dma2 semaphore(%run_scoped3A : memref<!tpu.dma_semaphore, #tpu.memory_space<semaphore_mem>>) src(%dma_wait3A_23 : memref<640x128xf32, #tpu.memory_space<vmem_shared>>) dst(%dma_wait3A_21 : memref<640x128xf32, #tpu.memory_space<hbm>>)
      tpu.yield
    }) : () -> ()
    return
  }
}

#map = affine_map<(d0, d1) -> (0, 0)>
#map1 = affine_map<(d0, d1) -> (0, 0, 0)>
module attributes {stable_mosaic.version = 14 : i64} {
  func.func @k(%arg0: i32, %arg1: i32, %arg2: memref<20000x128xf32, #tpu.memory_space<hbm>>, %arg3: memref<32x79x128xi32, #tpu.memory_space<hbm>>, %arg4: memref<32x79x128xi32, #tpu.memory_space<hbm>>, %arg5: memref<10240x128xf32, #tpu.memory_space<hbm>>, %arg6: memref<20480x128xf32, #tpu.memory_space<hbm>>, %arg7: memref<79x128xi32, #tpu.memory_space<vmem>>, %arg8: memref<79x128xi32, #tpu.memory_space<vmem>>, %arg9: memref<128x128xf32, #tpu.memory_space<vmem>>, %arg10: memref<10240x128xf32, #tpu.memory_space<vmem_shared>>, %arg11: memref<!tpu.dma_semaphore, #tpu.memory_space<semaphore_mem>>) attributes {dimension_semantics = [#tpu.dimension_semantics<core_parallel>, #tpu.dimension_semantics<subcore_parallel>], iteration_bounds = array<i64: 2, 16>, scalar_prefetch = 0 : i64, scratch_operands = 5 : i64, tpu.core_type = #tpu.core_type<sc_vector_subcore>, window_params = [{transform_indices = #map}, {transform_indices = #map1}, {transform_indices = #map1}, {transform_indices = #map}, {transform_indices = #map}]} {
    %mul3A = arith.constant 16 : i32
    %mul3A_0 = arith.muli %arg0, %mul3A : i32
    %add3A = arith.addi %mul3A_0, %arg1 : i32
    "tpu.region"() ({
      %run_scoped3A = tpu.sem_alloc : memref<!tpu.dma_semaphore, #tpu.memory_space<semaphore_mem>>
      %dma_start3A = arith.constant 0 : i32
      %dma_start3A_18 = arith.constant 0 : i32
      %dma_start3A_19 = tpu.memref_slice %arg3[%add3A, %dma_start3A, %dma_start3A_18] : memref<32x79x128xi32, #tpu.memory_space<hbm>> -> memref<1x79x128xi32, #tpu.memory_space<hbm>>
      %dma_start3A_20 = tpu.memref_squeeze %dma_start3A_19 : memref<1x79x128xi32, #tpu.memory_space<hbm>> -> memref<79x128xi32, #tpu.memory_space<hbm>>
      %dma_start3A_21 = arith.constant 0 : i32
      %dma_start3A_22 = arith.constant 0 : i32
      %dma_start3A_23 = tpu.memref_slice %arg3[%add3A, %dma_start3A_21, %dma_start3A_22] : memref<32x79x128xi32, #tpu.memory_space<hbm>> -> memref<1x79x128xi32, #tpu.memory_space<hbm>>
      %dma_start3A_24 = tpu.memref_squeeze %dma_start3A_23 : memref<1x79x128xi32, #tpu.memory_space<hbm>> -> memref<79x128xi32, #tpu.memory_space<hbm>>
      tpu.enqueue_dma source(%dma_start3A_24 : memref<79x128xi32, #tpu.memory_space<hbm>>) target(%arg7 : memref<79x128xi32, #tpu.memory_space<vmem>>) target_semaphore(%run_scoped3A : memref<!tpu.dma_semaphore, #tpu.memory_space<semaphore_mem>>)
      %dma_wait3A = arith.constant 0 : i32
      %dma_wait3A_25 = arith.constant 0 : i32
      %dma_wait3A_26 = tpu.memref_slice %arg3[%add3A, %dma_wait3A, %dma_wait3A_25] : memref<32x79x128xi32, #tpu.memory_space<hbm>> -> memref<1x79x128xi32, #tpu.memory_space<hbm>>
      %dma_wait3A_27 = tpu.memref_squeeze %dma_wait3A_26 : memref<1x79x128xi32, #tpu.memory_space<hbm>> -> memref<79x128xi32, #tpu.memory_space<hbm>>
      %dma_wait3A_28 = arith.constant 0 : i32
      %dma_wait3A_29 = arith.constant 0 : i32
      %dma_wait3A_30 = tpu.memref_slice %arg3[%add3A, %dma_wait3A_28, %dma_wait3A_29] : memref<32x79x128xi32, #tpu.memory_space<hbm>> -> memref<1x79x128xi32, #tpu.memory_space<hbm>>
      %dma_wait3A_31 = tpu.memref_squeeze %dma_wait3A_30 : memref<1x79x128xi32, #tpu.memory_space<hbm>> -> memref<79x128xi32, #tpu.memory_space<hbm>>
      tpu.wait_dma2 semaphore(%run_scoped3A : memref<!tpu.dma_semaphore, #tpu.memory_space<semaphore_mem>>) src(%dma_wait3A_31 : memref<79x128xi32, #tpu.memory_space<hbm>>) dst(%arg7 : memref<79x128xi32, #tpu.memory_space<vmem>>)
      tpu.yield
    }) : () -> ()
    "tpu.region"() ({
      %run_scoped3A = tpu.sem_alloc : memref<!tpu.dma_semaphore, #tpu.memory_space<semaphore_mem>>
      %dma_start3A = arith.constant 0 : i32
      %dma_start3A_18 = arith.constant 0 : i32
      %dma_start3A_19 = tpu.memref_slice %arg4[%add3A, %dma_start3A, %dma_start3A_18] : memref<32x79x128xi32, #tpu.memory_space<hbm>> -> memref<1x79x128xi32, #tpu.memory_space<hbm>>
      %dma_start3A_20 = tpu.memref_squeeze %dma_start3A_19 : memref<1x79x128xi32, #tpu.memory_space<hbm>> -> memref<79x128xi32, #tpu.memory_space<hbm>>
      %dma_start3A_21 = arith.constant 0 : i32
      %dma_start3A_22 = arith.constant 0 : i32
      %dma_start3A_23 = tpu.memref_slice %arg4[%add3A, %dma_start3A_21, %dma_start3A_22] : memref<32x79x128xi32, #tpu.memory_space<hbm>> -> memref<1x79x128xi32, #tpu.memory_space<hbm>>
      %dma_start3A_24 = tpu.memref_squeeze %dma_start3A_23 : memref<1x79x128xi32, #tpu.memory_space<hbm>> -> memref<79x128xi32, #tpu.memory_space<hbm>>
      tpu.enqueue_dma source(%dma_start3A_24 : memref<79x128xi32, #tpu.memory_space<hbm>>) target(%arg8 : memref<79x128xi32, #tpu.memory_space<vmem>>) target_semaphore(%run_scoped3A : memref<!tpu.dma_semaphore, #tpu.memory_space<semaphore_mem>>)
      %dma_wait3A = arith.constant 0 : i32
      %dma_wait3A_25 = arith.constant 0 : i32
      %dma_wait3A_26 = tpu.memref_slice %arg4[%add3A, %dma_wait3A, %dma_wait3A_25] : memref<32x79x128xi32, #tpu.memory_space<hbm>> -> memref<1x79x128xi32, #tpu.memory_space<hbm>>
      %dma_wait3A_27 = tpu.memref_squeeze %dma_wait3A_26 : memref<1x79x128xi32, #tpu.memory_space<hbm>> -> memref<79x128xi32, #tpu.memory_space<hbm>>
      %dma_wait3A_28 = arith.constant 0 : i32
      %dma_wait3A_29 = arith.constant 0 : i32
      %dma_wait3A_30 = tpu.memref_slice %arg4[%add3A, %dma_wait3A_28, %dma_wait3A_29] : memref<32x79x128xi32, #tpu.memory_space<hbm>> -> memref<1x79x128xi32, #tpu.memory_space<hbm>>
      %dma_wait3A_31 = tpu.memref_squeeze %dma_wait3A_30 : memref<1x79x128xi32, #tpu.memory_space<hbm>> -> memref<79x128xi32, #tpu.memory_space<hbm>>
      tpu.wait_dma2 semaphore(%run_scoped3A : memref<!tpu.dma_semaphore, #tpu.memory_space<semaphore_mem>>) src(%dma_wait3A_31 : memref<79x128xi32, #tpu.memory_space<hbm>>) dst(%arg8 : memref<79x128xi32, #tpu.memory_space<vmem>>)
      tpu.yield
    }) : () -> ()
    %mul3A_1 = arith.constant 640 : i32
    %mul3A_2 = arith.muli %arg1, %mul3A_1 : i32
    %mul3A_3 = arith.constant 640 : i32
    %mul3A_4 = arith.muli %arg1, %mul3A_3 : i32
    "tpu.region"() ({
      %run_scoped3A = tpu.sem_alloc : memref<!tpu.dma_semaphore, #tpu.memory_space<semaphore_mem>>
      %dma_start3A = arith.constant 0 : i32
      %dma_start3A_18 = tpu.memref_slice %arg10[%mul3A_4, %dma_start3A] : memref<10240x128xf32, #tpu.memory_space<vmem_shared>> -> memref<640x128xf32, #tpu.memory_space<vmem_shared>>
      %dma_start3A_19 = arith.constant 0 : i32
      %dma_start3A_20 = tpu.memref_slice %arg5[%mul3A_2, %dma_start3A_19] : memref<10240x128xf32, #tpu.memory_space<hbm>> -> memref<640x128xf32, #tpu.memory_space<hbm>>
      tpu.enqueue_dma source(%dma_start3A_20 : memref<640x128xf32, #tpu.memory_space<hbm>>) target(%dma_start3A_18 : memref<640x128xf32, #tpu.memory_space<vmem_shared>>) target_semaphore(%run_scoped3A : memref<!tpu.dma_semaphore, #tpu.memory_space<semaphore_mem>>)
      %dma_wait3A = arith.constant 0 : i32
      %dma_wait3A_21 = tpu.memref_slice %arg10[%mul3A_4, %dma_wait3A] : memref<10240x128xf32, #tpu.memory_space<vmem_shared>> -> memref<640x128xf32, #tpu.memory_space<vmem_shared>>
      %dma_wait3A_22 = arith.constant 0 : i32
      %dma_wait3A_23 = tpu.memref_slice %arg5[%mul3A_2, %dma_wait3A_22] : memref<10240x128xf32, #tpu.memory_space<hbm>> -> memref<640x128xf32, #tpu.memory_space<hbm>>
      tpu.wait_dma2 semaphore(%run_scoped3A : memref<!tpu.dma_semaphore, #tpu.memory_space<semaphore_mem>>) src(%dma_wait3A_23 : memref<640x128xf32, #tpu.memory_space<hbm>>) dst(%dma_wait3A_21 : memref<640x128xf32, #tpu.memory_space<vmem_shared>>)
      tpu.yield
    }) : () -> ()
    %barrier3A = arith.constant 0 : index
    tpu.barrier barrier_id(%barrier3A)
    %scan3A = arith.constant 0 : i32
    %scan3A_5 = arith.constant 0 : i32
    %scan3A_6 = arith.constant 79 : i32
    %scan3A_7 = arith.addi %scan3A_5, %scan3A_6 : i32
    %scan3A_8 = arith.constant 1 : i32
    scf.for %scan3A_18 = %scan3A_5 to %scan3A_7 step %scan3A_8  : i32 {
      %dma_start3A = arith.constant 0 : i32
      %dma_start3A_19 = tpu.memref_slice %arg7[%scan3A_18, %dma_start3A] : memref<79x128xi32, #tpu.memory_space<vmem>> -> memref<1x128xi32, #tpu.memory_space<vmem>>
      %dma_start3A_20 = tpu.memref_squeeze %dma_start3A_19 : memref<1x128xi32, #tpu.memory_space<vmem>> -> memref<128xi32, #tpu.memory_space<vmem>>
      %dma_start3A_21 = arith.constant 0 : i32
      %dma_start3A_22 = arith.constant 0 : i32
      %dma_start3A_23 = tpu.memref_slice %arg2[%dma_start3A_21, %dma_start3A_22] : memref<20000x128xf32, #tpu.memory_space<hbm>> -> memref<20000x128xf32, #tpu.memory_space<hbm>>
      tpu.enqueue_indirect_dma source(%dma_start3A_23 : memref<20000x128xf32, #tpu.memory_space<hbm>>) target(%arg9 : memref<128x128xf32, #tpu.memory_space<vmem>>) offsets(%dma_start3A_20 : memref<128xi32, #tpu.memory_space<vmem>>) semaphore(%arg11 : memref<!tpu.dma_semaphore, #tpu.memory_space<semaphore_mem>>)
      %dma_wait3A = arith.constant 0 : i32
      %dma_wait3A_24 = tpu.memref_slice %arg7[%scan3A_18, %dma_wait3A] : memref<79x128xi32, #tpu.memory_space<vmem>> -> memref<1x128xi32, #tpu.memory_space<vmem>>
      %dma_wait3A_25 = tpu.memref_squeeze %dma_wait3A_24 : memref<1x128xi32, #tpu.memory_space<vmem>> -> memref<128xi32, #tpu.memory_space<vmem>>
      %dma_wait3A_26 = arith.constant 0 : i32
      %dma_wait3A_27 = arith.constant 0 : i32
      %dma_wait3A_28 = tpu.memref_slice %arg2[%dma_wait3A_26, %dma_wait3A_27] : memref<20000x128xf32, #tpu.memory_space<hbm>> -> memref<20000x128xf32, #tpu.memory_space<hbm>>
      tpu.wait_indirect_dma semaphore(%arg11 : memref<!tpu.dma_semaphore, #tpu.memory_space<semaphore_mem>>) src(%dma_wait3A_28 : memref<20000x128xf32, #tpu.memory_space<hbm>>) dst(%arg9 : memref<128x128xf32, #tpu.memory_space<vmem>>)
      "tpu.region"() ({
        %run_scoped3A = tpu.sem_alloc : memref<!tpu.dma_semaphore, #tpu.memory_space<semaphore_mem>>
        %dma_start3A_29 = arith.constant 0 : i32
        %dma_start3A_30 = tpu.memref_slice %arg8[%scan3A_18, %dma_start3A_29] : memref<79x128xi32, #tpu.memory_space<vmem>> -> memref<1x128xi32, #tpu.memory_space<vmem>>
        %dma_start3A_31 = tpu.memref_squeeze %dma_start3A_30 : memref<1x128xi32, #tpu.memory_space<vmem>> -> memref<128xi32, #tpu.memory_space<vmem>>
        %dma_start3A_32 = arith.constant 0 : i32
        %dma_start3A_33 = arith.constant 0 : i32
        %dma_start3A_34 = tpu.memref_slice %arg10[%dma_start3A_32, %dma_start3A_33] : memref<10240x128xf32, #tpu.memory_space<vmem_shared>> -> memref<10240x128xf32, #tpu.memory_space<vmem_shared>>
        tpu.enqueue_indirect_dma source(%arg9 : memref<128x128xf32, #tpu.memory_space<vmem>>) target(%dma_start3A_34 : memref<10240x128xf32, #tpu.memory_space<vmem_shared>>) offsets(%dma_start3A_31 : memref<128xi32, #tpu.memory_space<vmem>>) semaphore(%run_scoped3A : memref<!tpu.dma_semaphore, #tpu.memory_space<semaphore_mem>>) {add = true}
        %dma_wait3A_35 = arith.constant 0 : i32
        %dma_wait3A_36 = tpu.memref_slice %arg8[%scan3A_18, %dma_wait3A_35] : memref<79x128xi32, #tpu.memory_space<vmem>> -> memref<1x128xi32, #tpu.memory_space<vmem>>
        %dma_wait3A_37 = tpu.memref_squeeze %dma_wait3A_36 : memref<1x128xi32, #tpu.memory_space<vmem>> -> memref<128xi32, #tpu.memory_space<vmem>>
        %dma_wait3A_38 = arith.constant 0 : i32
        %dma_wait3A_39 = arith.constant 0 : i32
        %dma_wait3A_40 = tpu.memref_slice %arg10[%dma_wait3A_38, %dma_wait3A_39] : memref<10240x128xf32, #tpu.memory_space<vmem_shared>> -> memref<10240x128xf32, #tpu.memory_space<vmem_shared>>
        tpu.wait_indirect_dma semaphore(%run_scoped3A : memref<!tpu.dma_semaphore, #tpu.memory_space<semaphore_mem>>) src(%arg9 : memref<128x128xf32, #tpu.memory_space<vmem>>) dst(%dma_wait3A_40 : memref<10240x128xf32, #tpu.memory_space<vmem_shared>>)
        tpu.yield
      }) : () -> ()
    }
    %scan3A_9 = arith.constant 79 : i32
    %barrier3A_10 = arith.constant 0 : index
    tpu.barrier barrier_id(%barrier3A_10)
    %mul3A_11 = arith.constant 640 : i32
    %mul3A_12 = arith.muli %arg1, %mul3A_11 : i32
    %mul3A_13 = arith.constant 10240 : i32
    %mul3A_14 = arith.muli %arg0, %mul3A_13 : i32
    %mul3A_15 = arith.constant 640 : i32
    %mul3A_16 = arith.muli %arg1, %mul3A_15 : i32
    %add3A_17 = arith.addi %mul3A_14, %mul3A_16 : i32
    "tpu.region"() ({
      %run_scoped3A = tpu.sem_alloc : memref<!tpu.dma_semaphore, #tpu.memory_space<semaphore_mem>>
      %dma_start3A = arith.constant 0 : i32
      %dma_start3A_18 = tpu.memref_slice %arg6[%add3A_17, %dma_start3A] : memref<20480x128xf32, #tpu.memory_space<hbm>> -> memref<640x128xf32, #tpu.memory_space<hbm>>
      %dma_start3A_19 = arith.constant 0 : i32
      %dma_start3A_20 = tpu.memref_slice %arg10[%mul3A_12, %dma_start3A_19] : memref<10240x128xf32, #tpu.memory_space<vmem_shared>> -> memref<640x128xf32, #tpu.memory_space<vmem_shared>>
      tpu.enqueue_dma source(%dma_start3A_20 : memref<640x128xf32, #tpu.memory_space<vmem_shared>>) target(%dma_start3A_18 : memref<640x128xf32, #tpu.memory_space<hbm>>) target_semaphore(%run_scoped3A : memref<!tpu.dma_semaphore, #tpu.memory_space<semaphore_mem>>)
      %dma_wait3A = arith.constant 0 : i32
      %dma_wait3A_21 = tpu.memref_slice %arg6[%add3A_17, %dma_wait3A] : memref<20480x128xf32, #tpu.memory_space<hbm>> -> memref<640x128xf32, #tpu.memory_space<hbm>>
      %dma_wait3A_22 = arith.constant 0 : i32
      %dma_wait3A_23 = tpu.memref_slice %arg10[%mul3A_12, %dma_wait3A_22] : memref<10240x128xf32, #tpu.memory_space<vmem_shared>> -> memref<640x128xf32, #tpu.memory_space<vmem_shared>>
      tpu.wait_dma2 semaphore(%run_scoped3A : memref<!tpu.dma_semaphore, #tpu.memory_space<semaphore_mem>>) src(%dma_wait3A_23 : memref<640x128xf32, #tpu.memory_space<vmem_shared>>) dst(%dma_wait3A_21 : memref<640x128xf32, #tpu.memory_space<hbm>>)
      tpu.yield
    }) : () -> ()
    return
  }
}

#map = affine_map<(d0, d1) -> (0, 0)>
#map1 = affine_map<(d0, d1) -> (0, 0, 0)>
module attributes {stable_mosaic.version = 14 : i64} {
  func.func @k(%arg0: i32, %arg1: i32, %arg2: memref<20000x128xf32, #tpu.memory_space<hbm>>, %arg3: memref<32x79x128xi32, #tpu.memory_space<hbm>>, %arg4: memref<32x79x128xi32, #tpu.memory_space<hbm>>, %arg5: memref<10240x128xf32, #tpu.memory_space<hbm>>, %arg6: memref<20480x128xf32, #tpu.memory_space<hbm>>, %arg7: memref<79x128xi32, #tpu.memory_space<vmem>>, %arg8: memref<79x128xi32, #tpu.memory_space<vmem>>, %arg9: memref<128x128xf32, #tpu.memory_space<vmem>>, %arg10: memref<10240x128xf32, #tpu.memory_space<vmem_shared>>, %arg11: memref<!tpu.dma_semaphore, #tpu.memory_space<semaphore_mem>>) attributes {dimension_semantics = [#tpu.dimension_semantics<core_parallel>, #tpu.dimension_semantics<subcore_parallel>], iteration_bounds = array<i64: 2, 16>, scalar_prefetch = 0 : i64, scratch_operands = 5 : i64, tpu.core_type = #tpu.core_type<sc_vector_subcore>, window_params = [{transform_indices = #map}, {transform_indices = #map1}, {transform_indices = #map1}, {transform_indices = #map}, {transform_indices = #map}]} {
    %mul3A = arith.constant 16 : i32
    %mul3A_0 = arith.muli %arg0, %mul3A : i32
    %add3A = arith.addi %mul3A_0, %arg1 : i32
    "tpu.region"() ({
      %run_scoped3A = tpu.sem_alloc : memref<!tpu.dma_semaphore, #tpu.memory_space<semaphore_mem>>
      %dma_start3A = arith.constant 0 : i32
      %dma_start3A_18 = arith.constant 0 : i32
      %dma_start3A_19 = tpu.memref_slice %arg3[%add3A, %dma_start3A, %dma_start3A_18] : memref<32x79x128xi32, #tpu.memory_space<hbm>> -> memref<1x79x128xi32, #tpu.memory_space<hbm>>
      %dma_start3A_20 = tpu.memref_squeeze %dma_start3A_19 : memref<1x79x128xi32, #tpu.memory_space<hbm>> -> memref<79x128xi32, #tpu.memory_space<hbm>>
      %dma_start3A_21 = arith.constant 0 : i32
      %dma_start3A_22 = arith.constant 0 : i32
      %dma_start3A_23 = tpu.memref_slice %arg3[%add3A, %dma_start3A_21, %dma_start3A_22] : memref<32x79x128xi32, #tpu.memory_space<hbm>> -> memref<1x79x128xi32, #tpu.memory_space<hbm>>
      %dma_start3A_24 = tpu.memref_squeeze %dma_start3A_23 : memref<1x79x128xi32, #tpu.memory_space<hbm>> -> memref<79x128xi32, #tpu.memory_space<hbm>>
      tpu.enqueue_dma source(%dma_start3A_24 : memref<79x128xi32, #tpu.memory_space<hbm>>) target(%arg7 : memref<79x128xi32, #tpu.memory_space<vmem>>) target_semaphore(%run_scoped3A : memref<!tpu.dma_semaphore, #tpu.memory_space<semaphore_mem>>)
      %dma_wait3A = arith.constant 0 : i32
      %dma_wait3A_25 = arith.constant 0 : i32
      %dma_wait3A_26 = tpu.memref_slice %arg3[%add3A, %dma_wait3A, %dma_wait3A_25] : memref<32x79x128xi32, #tpu.memory_space<hbm>> -> memref<1x79x128xi32, #tpu.memory_space<hbm>>
      %dma_wait3A_27 = tpu.memref_squeeze %dma_wait3A_26 : memref<1x79x128xi32, #tpu.memory_space<hbm>> -> memref<79x128xi32, #tpu.memory_space<hbm>>
      %dma_wait3A_28 = arith.constant 0 : i32
      %dma_wait3A_29 = arith.constant 0 : i32
      %dma_wait3A_30 = tpu.memref_slice %arg3[%add3A, %dma_wait3A_28, %dma_wait3A_29] : memref<32x79x128xi32, #tpu.memory_space<hbm>> -> memref<1x79x128xi32, #tpu.memory_space<hbm>>
      %dma_wait3A_31 = tpu.memref_squeeze %dma_wait3A_30 : memref<1x79x128xi32, #tpu.memory_space<hbm>> -> memref<79x128xi32, #tpu.memory_space<hbm>>
      tpu.wait_dma2 semaphore(%run_scoped3A : memref<!tpu.dma_semaphore, #tpu.memory_space<semaphore_mem>>) src(%dma_wait3A_31 : memref<79x128xi32, #tpu.memory_space<hbm>>) dst(%arg7 : memref<79x128xi32, #tpu.memory_space<vmem>>)
      tpu.yield
    }) : () -> ()
    "tpu.region"() ({
      %run_scoped3A = tpu.sem_alloc : memref<!tpu.dma_semaphore, #tpu.memory_space<semaphore_mem>>
      %dma_start3A = arith.constant 0 : i32
      %dma_start3A_18 = arith.constant 0 : i32
      %dma_start3A_19 = tpu.memref_slice %arg4[%add3A, %dma_start3A, %dma_start3A_18] : memref<32x79x128xi32, #tpu.memory_space<hbm>> -> memref<1x79x128xi32, #tpu.memory_space<hbm>>
      %dma_start3A_20 = tpu.memref_squeeze %dma_start3A_19 : memref<1x79x128xi32, #tpu.memory_space<hbm>> -> memref<79x128xi32, #tpu.memory_space<hbm>>
      %dma_start3A_21 = arith.constant 0 : i32
      %dma_start3A_22 = arith.constant 0 : i32
      %dma_start3A_23 = tpu.memref_slice %arg4[%add3A, %dma_start3A_21, %dma_start3A_22] : memref<32x79x128xi32, #tpu.memory_space<hbm>> -> memref<1x79x128xi32, #tpu.memory_space<hbm>>
      %dma_start3A_24 = tpu.memref_squeeze %dma_start3A_23 : memref<1x79x128xi32, #tpu.memory_space<hbm>> -> memref<79x128xi32, #tpu.memory_space<hbm>>
      tpu.enqueue_dma source(%dma_start3A_24 : memref<79x128xi32, #tpu.memory_space<hbm>>) target(%arg8 : memref<79x128xi32, #tpu.memory_space<vmem>>) target_semaphore(%run_scoped3A : memref<!tpu.dma_semaphore, #tpu.memory_space<semaphore_mem>>)
      %dma_wait3A = arith.constant 0 : i32
      %dma_wait3A_25 = arith.constant 0 : i32
      %dma_wait3A_26 = tpu.memref_slice %arg4[%add3A, %dma_wait3A, %dma_wait3A_25] : memref<32x79x128xi32, #tpu.memory_space<hbm>> -> memref<1x79x128xi32, #tpu.memory_space<hbm>>
      %dma_wait3A_27 = tpu.memref_squeeze %dma_wait3A_26 : memref<1x79x128xi32, #tpu.memory_space<hbm>> -> memref<79x128xi32, #tpu.memory_space<hbm>>
      %dma_wait3A_28 = arith.constant 0 : i32
      %dma_wait3A_29 = arith.constant 0 : i32
      %dma_wait3A_30 = tpu.memref_slice %arg4[%add3A, %dma_wait3A_28, %dma_wait3A_29] : memref<32x79x128xi32, #tpu.memory_space<hbm>> -> memref<1x79x128xi32, #tpu.memory_space<hbm>>
      %dma_wait3A_31 = tpu.memref_squeeze %dma_wait3A_30 : memref<1x79x128xi32, #tpu.memory_space<hbm>> -> memref<79x128xi32, #tpu.memory_space<hbm>>
      tpu.wait_dma2 semaphore(%run_scoped3A : memref<!tpu.dma_semaphore, #tpu.memory_space<semaphore_mem>>) src(%dma_wait3A_31 : memref<79x128xi32, #tpu.memory_space<hbm>>) dst(%arg8 : memref<79x128xi32, #tpu.memory_space<vmem>>)
      tpu.yield
    }) : () -> ()
    %mul3A_1 = arith.constant 640 : i32
    %mul3A_2 = arith.muli %arg1, %mul3A_1 : i32
    %mul3A_3 = arith.constant 640 : i32
    %mul3A_4 = arith.muli %arg1, %mul3A_3 : i32
    "tpu.region"() ({
      %run_scoped3A = tpu.sem_alloc : memref<!tpu.dma_semaphore, #tpu.memory_space<semaphore_mem>>
      %dma_start3A = arith.constant 0 : i32
      %dma_start3A_18 = tpu.memref_slice %arg10[%mul3A_4, %dma_start3A] : memref<10240x128xf32, #tpu.memory_space<vmem_shared>> -> memref<640x128xf32, #tpu.memory_space<vmem_shared>>
      %dma_start3A_19 = arith.constant 0 : i32
      %dma_start3A_20 = tpu.memref_slice %arg5[%mul3A_2, %dma_start3A_19] : memref<10240x128xf32, #tpu.memory_space<hbm>> -> memref<640x128xf32, #tpu.memory_space<hbm>>
      tpu.enqueue_dma source(%dma_start3A_20 : memref<640x128xf32, #tpu.memory_space<hbm>>) target(%dma_start3A_18 : memref<640x128xf32, #tpu.memory_space<vmem_shared>>) target_semaphore(%run_scoped3A : memref<!tpu.dma_semaphore, #tpu.memory_space<semaphore_mem>>)
      %dma_wait3A = arith.constant 0 : i32
      %dma_wait3A_21 = tpu.memref_slice %arg10[%mul3A_4, %dma_wait3A] : memref<10240x128xf32, #tpu.memory_space<vmem_shared>> -> memref<640x128xf32, #tpu.memory_space<vmem_shared>>
      %dma_wait3A_22 = arith.constant 0 : i32
      %dma_wait3A_23 = tpu.memref_slice %arg5[%mul3A_2, %dma_wait3A_22] : memref<10240x128xf32, #tpu.memory_space<hbm>> -> memref<640x128xf32, #tpu.memory_space<hbm>>
      tpu.wait_dma2 semaphore(%run_scoped3A : memref<!tpu.dma_semaphore, #tpu.memory_space<semaphore_mem>>) src(%dma_wait3A_23 : memref<640x128xf32, #tpu.memory_space<hbm>>) dst(%dma_wait3A_21 : memref<640x128xf32, #tpu.memory_space<vmem_shared>>)
      tpu.yield
    }) : () -> ()
    %barrier3A = arith.constant 0 : index
    tpu.barrier barrier_id(%barrier3A)
    %scan3A = arith.constant 0 : i32
    %scan3A_5 = arith.constant 0 : i32
    %scan3A_6 = arith.constant 79 : i32
    %scan3A_7 = arith.addi %scan3A_5, %scan3A_6 : i32
    %scan3A_8 = arith.constant 1 : i32
    scf.for %scan3A_18 = %scan3A_5 to %scan3A_7 step %scan3A_8  : i32 {
      %dma_start3A = arith.constant 0 : i32
      %dma_start3A_19 = tpu.memref_slice %arg7[%scan3A_18, %dma_start3A] : memref<79x128xi32, #tpu.memory_space<vmem>> -> memref<1x128xi32, #tpu.memory_space<vmem>>
      %dma_start3A_20 = tpu.memref_squeeze %dma_start3A_19 : memref<1x128xi32, #tpu.memory_space<vmem>> -> memref<128xi32, #tpu.memory_space<vmem>>
      %dma_start3A_21 = arith.constant 0 : i32
      %dma_start3A_22 = arith.constant 0 : i32
      %dma_start3A_23 = tpu.memref_slice %arg2[%dma_start3A_21, %dma_start3A_22] : memref<20000x128xf32, #tpu.memory_space<hbm>> -> memref<20000x128xf32, #tpu.memory_space<hbm>>
      tpu.enqueue_indirect_dma source(%dma_start3A_23 : memref<20000x128xf32, #tpu.memory_space<hbm>>) target(%arg9 : memref<128x128xf32, #tpu.memory_space<vmem>>) offsets(%dma_start3A_20 : memref<128xi32, #tpu.memory_space<vmem>>) semaphore(%arg11 : memref<!tpu.dma_semaphore, #tpu.memory_space<semaphore_mem>>)
      %dma_wait3A = arith.constant 0 : i32
      %dma_wait3A_24 = tpu.memref_slice %arg7[%scan3A_18, %dma_wait3A] : memref<79x128xi32, #tpu.memory_space<vmem>> -> memref<1x128xi32, #tpu.memory_space<vmem>>
      %dma_wait3A_25 = tpu.memref_squeeze %dma_wait3A_24 : memref<1x128xi32, #tpu.memory_space<vmem>> -> memref<128xi32, #tpu.memory_space<vmem>>
      %dma_wait3A_26 = arith.constant 0 : i32
      %dma_wait3A_27 = arith.constant 0 : i32
      %dma_wait3A_28 = tpu.memref_slice %arg2[%dma_wait3A_26, %dma_wait3A_27] : memref<20000x128xf32, #tpu.memory_space<hbm>> -> memref<20000x128xf32, #tpu.memory_space<hbm>>
      tpu.wait_indirect_dma semaphore(%arg11 : memref<!tpu.dma_semaphore, #tpu.memory_space<semaphore_mem>>) src(%dma_wait3A_28 : memref<20000x128xf32, #tpu.memory_space<hbm>>) dst(%arg9 : memref<128x128xf32, #tpu.memory_space<vmem>>)
      "tpu.region"() ({
        %run_scoped3A = tpu.sem_alloc : memref<!tpu.dma_semaphore, #tpu.memory_space<semaphore_mem>>
        %dma_start3A_29 = arith.constant 0 : i32
        %dma_start3A_30 = tpu.memref_slice %arg8[%scan3A_18, %dma_start3A_29] : memref<79x128xi32, #tpu.memory_space<vmem>> -> memref<1x128xi32, #tpu.memory_space<vmem>>
        %dma_start3A_31 = tpu.memref_squeeze %dma_start3A_30 : memref<1x128xi32, #tpu.memory_space<vmem>> -> memref<128xi32, #tpu.memory_space<vmem>>
        %dma_start3A_32 = arith.constant 0 : i32
        %dma_start3A_33 = arith.constant 0 : i32
        %dma_start3A_34 = tpu.memref_slice %arg10[%dma_start3A_32, %dma_start3A_33] : memref<10240x128xf32, #tpu.memory_space<vmem_shared>> -> memref<10240x128xf32, #tpu.memory_space<vmem_shared>>
        tpu.enqueue_indirect_dma source(%arg9 : memref<128x128xf32, #tpu.memory_space<vmem>>) target(%dma_start3A_34 : memref<10240x128xf32, #tpu.memory_space<vmem_shared>>) offsets(%dma_start3A_31 : memref<128xi32, #tpu.memory_space<vmem>>) semaphore(%run_scoped3A : memref<!tpu.dma_semaphore, #tpu.memory_space<semaphore_mem>>) {add = true}
        %dma_wait3A_35 = arith.constant 0 : i32
        %dma_wait3A_36 = tpu.memref_slice %arg8[%scan3A_18, %dma_wait3A_35] : memref<79x128xi32, #tpu.memory_space<vmem>> -> memref<1x128xi32, #tpu.memory_space<vmem>>
        %dma_wait3A_37 = tpu.memref_squeeze %dma_wait3A_36 : memref<1x128xi32, #tpu.memory_space<vmem>> -> memref<128xi32, #tpu.memory_space<vmem>>
        %dma_wait3A_38 = arith.constant 0 : i32
        %dma_wait3A_39 = arith.constant 0 : i32
        %dma_wait3A_40 = tpu.memref_slice %arg10[%dma_wait3A_38, %dma_wait3A_39] : memref<10240x128xf32, #tpu.memory_space<vmem_shared>> -> memref<10240x128xf32, #tpu.memory_space<vmem_shared>>
        tpu.wait_indirect_dma semaphore(%run_scoped3A : memref<!tpu.dma_semaphore, #tpu.memory_space<semaphore_mem>>) src(%arg9 : memref<128x128xf32, #tpu.memory_space<vmem>>) dst(%dma_wait3A_40 : memref<10240x128xf32, #tpu.memory_space<vmem_shared>>)
        tpu.yield
      }) : () -> ()
    }
    %scan3A_9 = arith.constant 79 : i32
    %barrier3A_10 = arith.constant 0 : index
    tpu.barrier barrier_id(%barrier3A_10)
    %mul3A_11 = arith.constant 640 : i32
    %mul3A_12 = arith.muli %arg1, %mul3A_11 : i32
    %mul3A_13 = arith.constant 10240 : i32
    %mul3A_14 = arith.muli %arg0, %mul3A_13 : i32
    %mul3A_15 = arith.constant 640 : i32
    %mul3A_16 = arith.muli %arg1, %mul3A_15 : i32
    %add3A_17 = arith.addi %mul3A_14, %mul3A_16 : i32
    "tpu.region"() ({
      %run_scoped3A = tpu.sem_alloc : memref<!tpu.dma_semaphore, #tpu.memory_space<semaphore_mem>>
      %dma_start3A = arith.constant 0 : i32
      %dma_start3A_18 = tpu.memref_slice %arg6[%add3A_17, %dma_start3A] : memref<20480x128xf32, #tpu.memory_space<hbm>> -> memref<640x128xf32, #tpu.memory_space<hbm>>
      %dma_start3A_19 = arith.constant 0 : i32
      %dma_start3A_20 = tpu.memref_slice %arg10[%mul3A_12, %dma_start3A_19] : memref<10240x128xf32, #tpu.memory_space<vmem_shared>> -> memref<640x128xf32, #tpu.memory_space<vmem_shared>>
      tpu.enqueue_dma source(%dma_start3A_20 : memref<640x128xf32, #tpu.memory_space<vmem_shared>>) target(%dma_start3A_18 : memref<640x128xf32, #tpu.memory_space<hbm>>) target_semaphore(%run_scoped3A : memref<!tpu.dma_semaphore, #tpu.memory_space<semaphore_mem>>)
      %dma_wait3A = arith.constant 0 : i32
      %dma_wait3A_21 = tpu.memref_slice %arg6[%add3A_17, %dma_wait3A] : memref<20480x128xf32, #tpu.memory_space<hbm>> -> memref<640x128xf32, #tpu.memory_space<hbm>>
      %dma_wait3A_22 = arith.constant 0 : i32
      %dma_wait3A_23 = tpu.memref_slice %arg10[%mul3A_12, %dma_wait3A_22] : memref<10240x128xf32, #tpu.memory_space<vmem_shared>> -> memref<640x128xf32, #tpu.memory_space<vmem_shared>>
      tpu.wait_dma2 semaphore(%run_scoped3A : memref<!tpu.dma_semaphore, #tpu.memory_space<semaphore_mem>>) src(%dma_wait3A_23 : memref<640x128xf32, #tpu.memory_space<vmem_shared>>) dst(%dma_wait3A_21 : memref<640x128xf32, #tpu.memory_space<hbm>>)
      tpu.yield
    }) : () -> ()
    return
  }
}

module attributes {stable_mosaic.version = 14 : i64} {
  func.func @body(%arg0: i32, %arg1: i32, %arg2: memref<2000x256xf32, #tpu.memory_space<vmem>>, %arg3: memref<256x128xf32, #tpu.memory_space<vmem>>, %arg4: memref<2000x128xf32, #tpu.memory_space<vmem>>) attributes {dimension_semantics = [#tpu.dimension_semantics<arbitrary>, #tpu.dimension_semantics<arbitrary>], iteration_bounds = array<i64: 2, 5>, scalar_prefetch = 0 : i64, scratch_operands = 0 : i64, tpu.core_type = #tpu.core_type<tc>, window_params = [{transform_indices = @transform_0, window_bounds = array<i64: 2000, 256>}, {transform_indices = @transform_1, window_bounds = array<i64: 256, 128>}, {transform_indices = @transform_2, window_bounds = array<i64: 2000, 128>}]} {
    %get3A = arith.constant 0 : index
    %get3A_0 = arith.constant 0 : index
    %get3A_1 = vector.load %arg2[%get3A, %get3A_0] : memref<2000x256xf32, #tpu.memory_space<vmem>>, vector<2000x256xf32>
    %get3A_2 = arith.constant 0 : index
    %get3A_3 = arith.constant 0 : index
    %get3A_4 = vector.load %arg3[%get3A_2, %get3A_3] : memref<256x128xf32, #tpu.memory_space<vmem>>, vector<256x128xf32>
    %dot_general3A = arith.constant dense<0.000000e+00> : vector<2000x128xf32>
    %dot_general3A_5 = tpu.matmul %get3A_1, %get3A_4, %dot_general3A {dimension_numbers = #tpu.dot_dimension_numbers<[1], [0], [0], [1], [0, 0, 1, 1], [], []>, transpose_lhs_hint = false} : vector<2000x256xf32>, vector<256x128xf32>, vector<2000x128xf32> -> vector<2000x128xf32>
    %swap3A = arith.constant 0 : index
    %swap3A_6 = arith.constant 0 : index
    %swap3A_7 = vector.load %arg4[%swap3A, %swap3A_6] : memref<2000x128xf32, #tpu.memory_space<vmem>>, vector<2000x128xf32>
    tpu.vector_store %arg4[%swap3A, %swap3A_6], %dot_general3A_5 {strides = array<i32>} : memref<2000x128xf32, #tpu.memory_space<vmem>>, vector<2000x128xf32>,
    return
  }
  func.func @transform_0(%arg0: i32, %arg1: i32) -> (i32, i32) {
    %c0_i32 = arith.constant 0 : i32
    %c0_i32_0 = arith.constant 0 : i32
    return %arg1, %c0_i32 : i32, i32
  }
  func.func @transform_1(%arg0: i32, %arg1: i32) -> (i32, i32) {
    %c0_i32 = arith.constant 0 : i32
    %c0_i32_0 = arith.constant 0 : i32
    return %c0_i32, %arg0 : i32, i32
  }
  func.func @transform_2(%arg0: i32, %arg1: i32) -> (i32, i32) {
    %mul3A = arith.constant 5 : i32
    %mul3A_0 = arith.muli %arg0, %mul3A : i32
    %add3A = arith.addi %mul3A_0, %arg1 : i32
    %c0_i32 = arith.constant 0 : i32
    %c0_i32_1 = arith.constant 0 : i32
    return %add3A, %c0_i32 : i32, i32
  }
}

module attributes {stable_mosaic.version = 14 : i64} {
  func.func @body(%arg0: i32, %arg1: memref<1x2000x128xf32, #tpu.memory_space<vmem>>, %arg2: memref<1x2000x128xf32, #tpu.memory_space<vmem>>, %arg3: memref<2x128xf32, #tpu.memory_space<vmem>>, %arg4: memref<2x128x512xf32, #tpu.memory_space<vmem>>, %arg5: memref<1x512xf32, #tpu.memory_space<vmem>>, %arg6: memref<512x256xf32, #tpu.memory_space<vmem>>, %arg7: memref<1x256xf32, #tpu.memory_space<vmem>>, %arg8: memref<1x256x256xf32, #tpu.memory_space<vmem>>, %arg9: memref<2x2000x128xf32, #tpu.memory_space<vmem>>) attributes {dimension_semantics = [#tpu.dimension_semantics<arbitrary>], iteration_bounds = array<i64: 5>, scalar_prefetch = 0 : i64, scratch_operands = 0 : i64, tpu.core_type = #tpu.core_type<tc>, window_params = [{transform_indices = @transform_0, window_bounds = array<i64: 1, 2000, 128>}, {transform_indices = @transform_1, window_bounds = array<i64: 1, 2000, 128>}, {pipeline_mode = #tpu.pipeline_mode<synchronous>, transform_indices = @transform_2, window_bounds = array<i64: 2, 128>}, {pipeline_mode = #tpu.pipeline_mode<synchronous>, transform_indices = @transform_3, window_bounds = array<i64: 2, 128, 512>}, {pipeline_mode = #tpu.pipeline_mode<synchronous>, transform_indices = @transform_4, window_bounds = array<i64: 1, 512>}, {pipeline_mode = #tpu.pipeline_mode<synchronous>, transform_indices = @transform_5, window_bounds = array<i64: 512, 256>}, {pipeline_mode = #tpu.pipeline_mode<synchronous>, transform_indices = @transform_6, window_bounds = array<i64: 1, 256>}, {pipeline_mode = #tpu.pipeline_mode<synchronous>, transform_indices = @transform_7, window_bounds = array<i64: 1, 256, 256>}, {transform_indices = @transform_8, window_bounds = array<i64: 2, 2000, 128>}]} {
    %get3A = arith.constant 0 : index
    %get3A_0 = arith.constant 0 : index
    %get3A_1 = arith.constant 0 : index
    %get3A_2 = vector.load %arg1[%get3A, %get3A_0, %get3A_1] : memref<1x2000x128xf32, #tpu.memory_space<vmem>>, vector<1x2000x128xf32>
    %get3A_3 = vector.shape_cast %get3A_2 : vector<1x2000x128xf32> to vector<2000x128xf32>
    %get3A_4 = arith.constant 0 : index
    %get3A_5 = arith.constant 0 : index
    %get3A_6 = vector.load %arg3[%get3A_4, %get3A_5] : memref<2x128xf32, #tpu.memory_space<vmem>>, vector<1x128xf32>
    %get3A_7 = vector.shape_cast %get3A_6 : vector<1x128xf32> to vector<128xf32>
    %broadcast_in_dim3A = vector.shape_cast %get3A_7 : vector<128xf32> to vector<1x128xf32>
    %add3A = vector.broadcast %broadcast_in_dim3A : vector<1x128xf32> to vector<2000x128xf32>
    %add3A_8 = arith.addf %get3A_3, %add3A : vector<2000x128xf32>
    %max3A = arith.constant 0.000000e+00 : f32
    %max3A_9 = vector.broadcast %max3A : f32 to vector<2000x128xf32>
    %max3A_10 = arith.maximumf %add3A_8, %max3A_9 : vector<2000x128xf32>
    %get3A_11 = arith.constant 0 : index
    %get3A_12 = arith.constant 0 : index
    %get3A_13 = arith.constant 0 : index
    %get3A_14 = vector.load %arg2[%get3A_11, %get3A_12, %get3A_13] : memref<1x2000x128xf32, #tpu.memory_space<vmem>>, vector<1x2000x128xf32>
    %get3A_15 = vector.shape_cast %get3A_14 : vector<1x2000x128xf32> to vector<2000x128xf32>
    %get3A_16 = arith.constant 1 : index
    %get3A_17 = arith.constant 0 : index
    %get3A_18 = vector.load %arg3[%get3A_16, %get3A_17] : memref<2x128xf32, #tpu.memory_space<vmem>>, vector<1x128xf32>
    %get3A_19 = vector.shape_cast %get3A_18 : vector<1x128xf32> to vector<128xf32>
    %broadcast_in_dim3A_20 = vector.shape_cast %get3A_19 : vector<128xf32> to vector<1x128xf32>
    %add3A_21 = vector.broadcast %broadcast_in_dim3A_20 : vector<1x128xf32> to vector<2000x128xf32>
    %add3A_22 = arith.addf %get3A_15, %add3A_21 : vector<2000x128xf32>
    %max3A_23 = arith.constant 0.000000e+00 : f32
    %max3A_24 = vector.broadcast %max3A_23 : f32 to vector<2000x128xf32>
    %max3A_25 = arith.maximumf %add3A_22, %max3A_24 : vector<2000x128xf32>
    %get3A_26 = arith.constant 0 : index
    %get3A_27 = arith.constant 0 : index
    %get3A_28 = arith.constant 0 : index
    %get3A_29 = vector.load %arg4[%get3A_26, %get3A_27, %get3A_28] : memref<2x128x512xf32, #tpu.memory_space<vmem>>, vector<1x128x512xf32>
    %get3A_30 = vector.shape_cast %get3A_29 : vector<1x128x512xf32> to vector<128x512xf32>
    %dot_general3A = arith.constant dense<0.000000e+00> : vector<2000x512xf32>
    %dot_general3A_31 = tpu.matmul %max3A_10, %get3A_30, %dot_general3A {dimension_numbers = #tpu.dot_dimension_numbers<[1], [0], [0], [1], [0, 0, 1, 1], [], []>, transpose_lhs_hint = false} : vector<2000x128xf32>, vector<128x512xf32>, vector<2000x512xf32> -> vector<2000x512xf32>
    %get3A_32 = arith.constant 1 : index
    %get3A_33 = arith.constant 0 : index
    %get3A_34 = arith.constant 0 : index
    %get3A_35 = vector.load %arg4[%get3A_32, %get3A_33, %get3A_34] : memref<2x128x512xf32, #tpu.memory_space<vmem>>, vector<1x128x512xf32>
    %get3A_36 = vector.shape_cast %get3A_35 : vector<1x128x512xf32> to vector<128x512xf32>
    %dot_general3A_37 = arith.constant dense<0.000000e+00> : vector<2000x512xf32>
    %dot_general3A_38 = tpu.matmul %max3A_25, %get3A_36, %dot_general3A_37 {dimension_numbers = #tpu.dot_dimension_numbers<[1], [0], [0], [1], [0, 0, 1, 1], [], []>, transpose_lhs_hint = false} : vector<2000x128xf32>, vector<128x512xf32>, vector<2000x512xf32> -> vector<2000x512xf32>
    %add3A_39 = arith.addf %dot_general3A_31, %dot_general3A_38 : vector<2000x512xf32>
    %get3A_40 = arith.constant 0 : index
    %get3A_41 = arith.constant 0 : index
    %get3A_42 = vector.load %arg5[%get3A_40, %get3A_41] : memref<1x512xf32, #tpu.memory_space<vmem>>, vector<1x512xf32>
    %get3A_43 = vector.shape_cast %get3A_42 : vector<1x512xf32> to vector<512xf32>
    %broadcast_in_dim3A_44 = vector.shape_cast %get3A_43 : vector<512xf32> to vector<1x512xf32>
    %add3A_45 = vector.broadcast %broadcast_in_dim3A_44 : vector<1x512xf32> to vector<2000x512xf32>
    %add3A_46 = arith.addf %add3A_39, %add3A_45 : vector<2000x512xf32>
    %max3A_47 = arith.constant 0.000000e+00 : f32
    %max3A_48 = vector.broadcast %max3A_47 : f32 to vector<2000x512xf32>
    %max3A_49 = arith.maximumf %add3A_46, %max3A_48 : vector<2000x512xf32>
    %get3A_50 = arith.constant 0 : index
    %get3A_51 = arith.constant 0 : index
    %get3A_52 = vector.load %arg6[%get3A_50, %get3A_51] : memref<512x256xf32, #tpu.memory_space<vmem>>, vector<512x256xf32>
    %dot_general3A_53 = arith.constant dense<0.000000e+00> : vector<2000x256xf32>
    %dot_general3A_54 = tpu.matmul %max3A_49, %get3A_52, %dot_general3A_53 {dimension_numbers = #tpu.dot_dimension_numbers<[1], [0], [0], [1], [0, 0, 1, 1], [], []>, transpose_lhs_hint = false} : vector<2000x512xf32>, vector<512x256xf32>, vector<2000x256xf32> -> vector<2000x256xf32>
    %get3A_55 = arith.constant 0 : index
    %get3A_56 = arith.constant 0 : index
    %get3A_57 = vector.load %arg7[%get3A_55, %get3A_56] : memref<1x256xf32, #tpu.memory_space<vmem>>, vector<1x256xf32>
    %get3A_58 = vector.shape_cast %get3A_57 : vector<1x256xf32> to vector<256xf32>
    %broadcast_in_dim3A_59 = vector.shape_cast %get3A_58 : vector<256xf32> to vector<1x256xf32>
    %add3A_60 = vector.broadcast %broadcast_in_dim3A_59 : vector<1x256xf32> to vector<2000x256xf32>
    %add3A_61 = arith.addf %dot_general3A_54, %add3A_60 : vector<2000x256xf32>
    %get3A_62 = arith.constant 0 : index
    %get3A_63 = arith.constant 0 : index
    %get3A_64 = arith.constant 0 : index
    %get3A_65 = vector.load %arg8[%get3A_62, %get3A_63, %get3A_64] : memref<1x256x256xf32, #tpu.memory_space<vmem>>, vector<1x256x256xf32>
    %get3A_66 = vector.shape_cast %get3A_65 : vector<1x256x256xf32> to vector<256x256xf32>
    %dot_general3A_67 = arith.constant dense<0.000000e+00> : vector<2000x256xf32>
    %dot_general3A_68 = tpu.matmul %add3A_61, %get3A_66, %dot_general3A_67 {dimension_numbers = #tpu.dot_dimension_numbers<[1], [0], [0], [1], [0, 0, 1, 1], [], []>, transpose_lhs_hint = false} : vector<2000x256xf32>, vector<256x256xf32>, vector<2000x256xf32> -> vector<2000x256xf32>
    %slice3A = vector.extract_strided_slice %dot_general3A_68 {offsets = [0, 0], sizes = [2000, 128], strides = [1, 1]} : vector<2000x256xf32> to vector<2000x128xf32>
    %swap3A = arith.constant 0 : index
    %swap3A_69 = arith.constant 0 : index
    %swap3A_70 = arith.constant 0 : index
    %swap3A_71 = vector.load %arg9[%swap3A, %swap3A_69, %swap3A_70] : memref<2x2000x128xf32, #tpu.memory_space<vmem>>, vector<1x2000x128xf32>
    %swap3A_72 = vector.shape_cast %swap3A_71 : vector<1x2000x128xf32> to vector<2000x128xf32>
    %swap3A_73 = vector.shape_cast %slice3A : vector<2000x128xf32> to vector<1x2000x128xf32>
    tpu.vector_store %arg9[%swap3A, %swap3A_69, %swap3A_70], %swap3A_73 {strides = array<i32>} : memref<2x2000x128xf32, #tpu.memory_space<vmem>>, vector<1x2000x128xf32>,
    %slice3A_74 = vector.extract_strided_slice %dot_general3A_68 {offsets = [0, 128], sizes = [2000, 128], strides = [1, 1]} : vector<2000x256xf32> to vector<2000x128xf32>
    %swap3A_75 = arith.constant 1 : index
    %swap3A_76 = arith.constant 0 : index
    %swap3A_77 = arith.constant 0 : index
    %swap3A_78 = vector.load %arg9[%swap3A_75, %swap3A_76, %swap3A_77] : memref<2x2000x128xf32, #tpu.memory_space<vmem>>, vector<1x2000x128xf32>
    %swap3A_79 = vector.shape_cast %swap3A_78 : vector<1x2000x128xf32> to vector<2000x128xf32>
    %swap3A_80 = vector.shape_cast %slice3A_74 : vector<2000x128xf32> to vector<1x2000x128xf32>
    tpu.vector_store %arg9[%swap3A_75, %swap3A_76, %swap3A_77], %swap3A_80 {strides = array<i32>} : memref<2x2000x128xf32, #tpu.memory_space<vmem>>, vector<1x2000x128xf32>,
    return
  }
  func.func @transform_0(%arg0: i32) -> (i32, i32, i32) {
    %c0_i32 = arith.constant 0 : i32
    %c0_i32_0 = arith.constant 0 : i32
    %c0_i32_1 = arith.constant 0 : i32
    return %c0_i32, %arg0, %c0_i32_0 : i32, i32, i32
  }
  func.func @transform_1(%arg0: i32) -> (i32, i32, i32) {
    %c1_i32 = arith.constant 1 : i32
    %c0_i32 = arith.constant 0 : i32
    %c0_i32_0 = arith.constant 0 : i32
    return %c1_i32, %arg0, %c0_i32 : i32, i32, i32
  }
  func.func @transform_2(%arg0: i32) -> (i32, i32) {
    %c0_i32 = arith.constant 0 : i32
    %c0_i32_0 = arith.constant 0 : i32
    %c0_i32_1 = arith.constant 0 : i32
    return %c0_i32, %c0_i32_0 : i32, i32
  }
  func.func @transform_3(%arg0: i32) -> (i32, i32, i32) {
    %c0_i32 = arith.constant 0 : i32
    %c0_i32_0 = arith.constant 0 : i32
    %c0_i32_1 = arith.constant 0 : i32
    %c0_i32_2 = arith.constant 0 : i32
    return %c0_i32, %c0_i32_0, %c0_i32_1 : i32, i32, i32
  }
  func.func @transform_4(%arg0: i32) -> (i32, i32) {
    %c0_i32 = arith.constant 0 : i32
    %c0_i32_0 = arith.constant 0 : i32
    %c0_i32_1 = arith.constant 0 : i32
    return %c0_i32, %c0_i32_0 : i32, i32
  }
  func.func @transform_5(%arg0: i32) -> (i32, i32) {
    %c0_i32 = arith.constant 0 : i32
    %c0_i32_0 = arith.constant 0 : i32
    %c0_i32_1 = arith.constant 0 : i32
    return %c0_i32, %c0_i32_0 : i32, i32
  }
  func.func @transform_6(%arg0: i32) -> (i32, i32) {
    %c0_i32 = arith.constant 0 : i32
    %c0_i32_0 = arith.constant 0 : i32
    %c0_i32_1 = arith.constant 0 : i32
    return %c0_i32, %c0_i32_0 : i32, i32
  }
  func.func @transform_7(%arg0: i32) -> (i32, i32, i32) {
    %c0_i32 = arith.constant 0 : i32
    %c0_i32_0 = arith.constant 0 : i32
    %c0_i32_1 = arith.constant 0 : i32
    %c0_i32_2 = arith.constant 0 : i32
    return %c0_i32, %c0_i32_0, %c0_i32_1 : i32, i32, i32
  }
  func.func @transform_8(%arg0: i32) -> (i32, i32, i32) {
    %c0_i32 = arith.constant 0 : i32
    %c0_i32_0 = arith.constant 0 : i32
    %c0_i32_1 = arith.constant 0 : i32
    return %c0_i32, %arg0, %c0_i32_0 : i32, i32, i32
  }
}

module attributes {stable_mosaic.version = 14 : i64} {
  func.func @body(%arg0: i32, %arg1: memref<1x2000x128xf32, #tpu.memory_space<vmem>>, %arg2: memref<1x2000x128xf32, #tpu.memory_space<vmem>>, %arg3: memref<2x128xf32, #tpu.memory_space<vmem>>, %arg4: memref<2x128x512xf32, #tpu.memory_space<vmem>>, %arg5: memref<1x512xf32, #tpu.memory_space<vmem>>, %arg6: memref<512x256xf32, #tpu.memory_space<vmem>>, %arg7: memref<1x256xf32, #tpu.memory_space<vmem>>, %arg8: memref<1x256x128xf32, #tpu.memory_space<vmem>>, %arg9: memref<2000x128xf32, #tpu.memory_space<vmem>>) attributes {dimension_semantics = [#tpu.dimension_semantics<arbitrary>], iteration_bounds = array<i64: 5>, scalar_prefetch = 0 : i64, scratch_operands = 0 : i64, tpu.core_type = #tpu.core_type<tc>, window_params = [{transform_indices = @transform_0, window_bounds = array<i64: 1, 2000, 128>}, {transform_indices = @transform_1, window_bounds = array<i64: 1, 2000, 128>}, {pipeline_mode = #tpu.pipeline_mode<synchronous>, transform_indices = @transform_2, window_bounds = array<i64: 2, 128>}, {pipeline_mode = #tpu.pipeline_mode<synchronous>, transform_indices = @transform_3, window_bounds = array<i64: 2, 128, 512>}, {pipeline_mode = #tpu.pipeline_mode<synchronous>, transform_indices = @transform_4, window_bounds = array<i64: 1, 512>}, {pipeline_mode = #tpu.pipeline_mode<synchronous>, transform_indices = @transform_5, window_bounds = array<i64: 512, 256>}, {pipeline_mode = #tpu.pipeline_mode<synchronous>, transform_indices = @transform_6, window_bounds = array<i64: 1, 256>}, {pipeline_mode = #tpu.pipeline_mode<synchronous>, transform_indices = @transform_7, window_bounds = array<i64: 1, 256, 128>}, {transform_indices = @transform_8, window_bounds = array<i64: 2000, 128>}]} {
    %get3A = arith.constant 0 : index
    %get3A_0 = arith.constant 0 : index
    %get3A_1 = arith.constant 0 : index
    %get3A_2 = vector.load %arg1[%get3A, %get3A_0, %get3A_1] : memref<1x2000x128xf32, #tpu.memory_space<vmem>>, vector<1x2000x128xf32>
    %get3A_3 = vector.shape_cast %get3A_2 : vector<1x2000x128xf32> to vector<2000x128xf32>
    %get3A_4 = arith.constant 0 : index
    %get3A_5 = arith.constant 0 : index
    %get3A_6 = vector.load %arg3[%get3A_4, %get3A_5] : memref<2x128xf32, #tpu.memory_space<vmem>>, vector<1x128xf32>
    %get3A_7 = vector.shape_cast %get3A_6 : vector<1x128xf32> to vector<128xf32>
    %broadcast_in_dim3A = vector.shape_cast %get3A_7 : vector<128xf32> to vector<1x128xf32>
    %add3A = vector.broadcast %broadcast_in_dim3A : vector<1x128xf32> to vector<2000x128xf32>
    %add3A_8 = arith.addf %get3A_3, %add3A : vector<2000x128xf32>
    %max3A = arith.constant 0.000000e+00 : f32
    %max3A_9 = vector.broadcast %max3A : f32 to vector<2000x128xf32>
    %max3A_10 = arith.maximumf %add3A_8, %max3A_9 : vector<2000x128xf32>
    %get3A_11 = arith.constant 0 : index
    %get3A_12 = arith.constant 0 : index
    %get3A_13 = arith.constant 0 : index
    %get3A_14 = vector.load %arg2[%get3A_11, %get3A_12, %get3A_13] : memref<1x2000x128xf32, #tpu.memory_space<vmem>>, vector<1x2000x128xf32>
    %get3A_15 = vector.shape_cast %get3A_14 : vector<1x2000x128xf32> to vector<2000x128xf32>
    %get3A_16 = arith.constant 1 : index
    %get3A_17 = arith.constant 0 : index
    %get3A_18 = vector.load %arg3[%get3A_16, %get3A_17] : memref<2x128xf32, #tpu.memory_space<vmem>>, vector<1x128xf32>
    %get3A_19 = vector.shape_cast %get3A_18 : vector<1x128xf32> to vector<128xf32>
    %broadcast_in_dim3A_20 = vector.shape_cast %get3A_19 : vector<128xf32> to vector<1x128xf32>
    %add3A_21 = vector.broadcast %broadcast_in_dim3A_20 : vector<1x128xf32> to vector<2000x128xf32>
    %add3A_22 = arith.addf %get3A_15, %add3A_21 : vector<2000x128xf32>
    %max3A_23 = arith.constant 0.000000e+00 : f32
    %max3A_24 = vector.broadcast %max3A_23 : f32 to vector<2000x128xf32>
    %max3A_25 = arith.maximumf %add3A_22, %max3A_24 : vector<2000x128xf32>
    %get3A_26 = arith.constant 0 : index
    %get3A_27 = arith.constant 0 : index
    %get3A_28 = arith.constant 0 : index
    %get3A_29 = vector.load %arg4[%get3A_26, %get3A_27, %get3A_28] : memref<2x128x512xf32, #tpu.memory_space<vmem>>, vector<1x128x512xf32>
    %get3A_30 = vector.shape_cast %get3A_29 : vector<1x128x512xf32> to vector<128x512xf32>
    %dot_general3A = arith.constant dense<0.000000e+00> : vector<2000x512xf32>
    %dot_general3A_31 = tpu.matmul %max3A_10, %get3A_30, %dot_general3A {dimension_numbers = #tpu.dot_dimension_numbers<[1], [0], [0], [1], [0, 0, 1, 1], [], []>, transpose_lhs_hint = false} : vector<2000x128xf32>, vector<128x512xf32>, vector<2000x512xf32> -> vector<2000x512xf32>
    %get3A_32 = arith.constant 1 : index
    %get3A_33 = arith.constant 0 : index
    %get3A_34 = arith.constant 0 : index
    %get3A_35 = vector.load %arg4[%get3A_32, %get3A_33, %get3A_34] : memref<2x128x512xf32, #tpu.memory_space<vmem>>, vector<1x128x512xf32>
    %get3A_36 = vector.shape_cast %get3A_35 : vector<1x128x512xf32> to vector<128x512xf32>
    %dot_general3A_37 = arith.constant dense<0.000000e+00> : vector<2000x512xf32>
    %dot_general3A_38 = tpu.matmul %max3A_25, %get3A_36, %dot_general3A_37 {dimension_numbers = #tpu.dot_dimension_numbers<[1], [0], [0], [1], [0, 0, 1, 1], [], []>, transpose_lhs_hint = false} : vector<2000x128xf32>, vector<128x512xf32>, vector<2000x512xf32> -> vector<2000x512xf32>
    %add3A_39 = arith.addf %dot_general3A_31, %dot_general3A_38 : vector<2000x512xf32>
    %get3A_40 = arith.constant 0 : index
    %get3A_41 = arith.constant 0 : index
    %get3A_42 = vector.load %arg5[%get3A_40, %get3A_41] : memref<1x512xf32, #tpu.memory_space<vmem>>, vector<1x512xf32>
    %get3A_43 = vector.shape_cast %get3A_42 : vector<1x512xf32> to vector<512xf32>
    %broadcast_in_dim3A_44 = vector.shape_cast %get3A_43 : vector<512xf32> to vector<1x512xf32>
    %add3A_45 = vector.broadcast %broadcast_in_dim3A_44 : vector<1x512xf32> to vector<2000x512xf32>
    %add3A_46 = arith.addf %add3A_39, %add3A_45 : vector<2000x512xf32>
    %max3A_47 = arith.constant 0.000000e+00 : f32
    %max3A_48 = vector.broadcast %max3A_47 : f32 to vector<2000x512xf32>
    %max3A_49 = arith.maximumf %add3A_46, %max3A_48 : vector<2000x512xf32>
    %get3A_50 = arith.constant 0 : index
    %get3A_51 = arith.constant 0 : index
    %get3A_52 = vector.load %arg6[%get3A_50, %get3A_51] : memref<512x256xf32, #tpu.memory_space<vmem>>, vector<512x256xf32>
    %dot_general3A_53 = arith.constant dense<0.000000e+00> : vector<2000x256xf32>
    %dot_general3A_54 = tpu.matmul %max3A_49, %get3A_52, %dot_general3A_53 {dimension_numbers = #tpu.dot_dimension_numbers<[1], [0], [0], [1], [0, 0, 1, 1], [], []>, transpose_lhs_hint = false} : vector<2000x512xf32>, vector<512x256xf32>, vector<2000x256xf32> -> vector<2000x256xf32>
    %get3A_55 = arith.constant 0 : index
    %get3A_56 = arith.constant 0 : index
    %get3A_57 = vector.load %arg7[%get3A_55, %get3A_56] : memref<1x256xf32, #tpu.memory_space<vmem>>, vector<1x256xf32>
    %get3A_58 = vector.shape_cast %get3A_57 : vector<1x256xf32> to vector<256xf32>
    %broadcast_in_dim3A_59 = vector.shape_cast %get3A_58 : vector<256xf32> to vector<1x256xf32>
    %add3A_60 = vector.broadcast %broadcast_in_dim3A_59 : vector<1x256xf32> to vector<2000x256xf32>
    %add3A_61 = arith.addf %dot_general3A_54, %add3A_60 : vector<2000x256xf32>
    %get3A_62 = arith.constant 0 : index
    %get3A_63 = arith.constant 0 : index
    %get3A_64 = arith.constant 0 : index
    %get3A_65 = vector.load %arg8[%get3A_62, %get3A_63, %get3A_64] : memref<1x256x128xf32, #tpu.memory_space<vmem>>, vector<1x256x128xf32>
    %get3A_66 = vector.shape_cast %get3A_65 : vector<1x256x128xf32> to vector<256x128xf32>
    %dot_general3A_67 = arith.constant dense<0.000000e+00> : vector<2000x128xf32>
    %dot_general3A_68 = tpu.matmul %add3A_61, %get3A_66, %dot_general3A_67 {dimension_numbers = #tpu.dot_dimension_numbers<[1], [0], [0], [1], [0, 0, 1, 1], [], []>, transpose_lhs_hint = false} : vector<2000x256xf32>, vector<256x128xf32>, vector<2000x128xf32> -> vector<2000x128xf32>
    %swap3A = arith.constant 0 : index
    %swap3A_69 = arith.constant 0 : index
    %swap3A_70 = vector.load %arg9[%swap3A, %swap3A_69] : memref<2000x128xf32, #tpu.memory_space<vmem>>, vector<2000x128xf32>
    tpu.vector_store %arg9[%swap3A, %swap3A_69], %dot_general3A_68 {strides = array<i32>} : memref<2000x128xf32, #tpu.memory_space<vmem>>, vector<2000x128xf32>,
    return
  }
  func.func @transform_0(%arg0: i32) -> (i32, i32, i32) {
    %c0_i32 = arith.constant 0 : i32
    %c0_i32_0 = arith.constant 0 : i32
    %c0_i32_1 = arith.constant 0 : i32
    return %c0_i32, %arg0, %c0_i32_0 : i32, i32, i32
  }
  func.func @transform_1(%arg0: i32) -> (i32, i32, i32) {
    %c1_i32 = arith.constant 1 : i32
    %c0_i32 = arith.constant 0 : i32
    %c0_i32_0 = arith.constant 0 : i32
    return %c1_i32, %arg0, %c0_i32 : i32, i32, i32
  }
  func.func @transform_2(%arg0: i32) -> (i32, i32) {
    %c0_i32 = arith.constant 0 : i32
    %c0_i32_0 = arith.constant 0 : i32
    %c0_i32_1 = arith.constant 0 : i32
    return %c0_i32, %c0_i32_0 : i32, i32
  }
  func.func @transform_3(%arg0: i32) -> (i32, i32, i32) {
    %c0_i32 = arith.constant 0 : i32
    %c0_i32_0 = arith.constant 0 : i32
    %c0_i32_1 = arith.constant 0 : i32
    %c0_i32_2 = arith.constant 0 : i32
    return %c0_i32, %c0_i32_0, %c0_i32_1 : i32, i32, i32
  }
  func.func @transform_4(%arg0: i32) -> (i32, i32) {
    %c0_i32 = arith.constant 0 : i32
    %c0_i32_0 = arith.constant 0 : i32
    %c0_i32_1 = arith.constant 0 : i32
    return %c0_i32, %c0_i32_0 : i32, i32
  }
  func.func @transform_5(%arg0: i32) -> (i32, i32) {
    %c0_i32 = arith.constant 0 : i32
    %c0_i32_0 = arith.constant 0 : i32
    %c0_i32_1 = arith.constant 0 : i32
    return %c0_i32, %c0_i32_0 : i32, i32
  }
  func.func @transform_6(%arg0: i32) -> (i32, i32) {
    %c0_i32 = arith.constant 0 : i32
    %c0_i32_0 = arith.constant 0 : i32
    %c0_i32_1 = arith.constant 0 : i32
    return %c0_i32, %c0_i32_0 : i32, i32
  }
  func.func @transform_7(%arg0: i32) -> (i32, i32, i32) {
    %c0_i32 = arith.constant 0 : i32
    %c0_i32_0 = arith.constant 0 : i32
    %c0_i32_1 = arith.constant 0 : i32
    %c0_i32_2 = arith.constant 0 : i32
    return %c0_i32, %c0_i32_0, %c0_i32_1 : i32, i32, i32
  }
  func.func @transform_8(%arg0: i32) -> (i32, i32) {
    %c0_i32 = arith.constant 0 : i32
    %c0_i32_0 = arith.constant 0 : i32
    return %arg0, %c0_i32 : i32, i32
  }
}

module attributes {stable_mosaic.version = 14 : i64} {
  func.func @body(%arg0: i32, %arg1: memref<1x2000x128xf32, #tpu.memory_space<vmem>>, %arg2: memref<1x2000x128xf32, #tpu.memory_space<vmem>>, %arg3: memref<1x32xf32, #tpu.memory_space<vmem>>, %arg4: memref<32x64xf32, #tpu.memory_space<vmem>>, %arg5: memref<1x64xf32, #tpu.memory_space<vmem>>, %arg6: memref<64x32xf32, #tpu.memory_space<vmem>>, %arg7: memref<1x32xf32, #tpu.memory_space<vmem>>, %arg8: memref<2000x32xf32, #tpu.memory_space<vmem>>) attributes {dimension_semantics = [#tpu.dimension_semantics<arbitrary>], iteration_bounds = array<i64: 5>, scalar_prefetch = 0 : i64, scratch_operands = 0 : i64, tpu.core_type = #tpu.core_type<tc>, window_params = [{transform_indices = @transform_0, window_bounds = array<i64: 1, 2000, 128>}, {transform_indices = @transform_1, window_bounds = array<i64: 1, 2000, 128>}, {pipeline_mode = #tpu.pipeline_mode<synchronous>, transform_indices = @transform_2, window_bounds = array<i64: 1, 32>}, {pipeline_mode = #tpu.pipeline_mode<synchronous>, transform_indices = @transform_3, window_bounds = array<i64: 32, 64>}, {pipeline_mode = #tpu.pipeline_mode<synchronous>, transform_indices = @transform_4, window_bounds = array<i64: 1, 64>}, {pipeline_mode = #tpu.pipeline_mode<synchronous>, transform_indices = @transform_5, window_bounds = array<i64: 64, 32>}, {pipeline_mode = #tpu.pipeline_mode<synchronous>, transform_indices = @transform_6, window_bounds = array<i64: 1, 32>}, {transform_indices = @transform_7, window_bounds = array<i64: 2000, 32>}]} {
    %get3A = arith.constant 0 : index
    %get3A_0 = arith.constant 0 : index
    %get3A_1 = arith.constant 0 : index
    %get3A_2 = vector.load %arg1[%get3A, %get3A_0, %get3A_1] : memref<1x2000x128xf32, #tpu.memory_space<vmem>>, vector<1x2000x128xf32>
    %get3A_3 = vector.shape_cast %get3A_2 : vector<1x2000x128xf32> to vector<2000x128xf32>
    %get3A_4 = arith.constant 0 : index
    %get3A_5 = arith.constant 0 : index
    %get3A_6 = arith.constant 0 : index
    %get3A_7 = vector.load %arg2[%get3A_4, %get3A_5, %get3A_6] : memref<1x2000x128xf32, #tpu.memory_space<vmem>>, vector<1x2000x128xf32>
    %get3A_8 = vector.shape_cast %get3A_7 : vector<1x2000x128xf32> to vector<2000x128xf32>
    %add3A = arith.addf %get3A_3, %get3A_8 : vector<2000x128xf32>
    %slice3A = vector.extract_strided_slice %add3A {offsets = [0, 0], sizes = [2000, 32], strides = [1, 1]} : vector<2000x128xf32> to vector<2000x32xf32>
    %get3A_9 = arith.constant 0 : index
    %get3A_10 = arith.constant 0 : index
    %get3A_11 = vector.load %arg3[%get3A_9, %get3A_10] : memref<1x32xf32, #tpu.memory_space<vmem>>, vector<1x32xf32>
    %get3A_12 = vector.shape_cast %get3A_11 : vector<1x32xf32> to vector<32xf32>
    %broadcast_in_dim3A = vector.shape_cast %get3A_12 : vector<32xf32> to vector<1x32xf32>
    %add3A_13 = vector.broadcast %broadcast_in_dim3A : vector<1x32xf32> to vector<2000x32xf32>
    %add3A_14 = arith.addf %slice3A, %add3A_13 : vector<2000x32xf32>
    %max3A = arith.constant 0.000000e+00 : f32
    %max3A_15 = vector.broadcast %max3A : f32 to vector<2000x32xf32>
    %max3A_16 = arith.maximumf %add3A_14, %max3A_15 : vector<2000x32xf32>
    %get3A_17 = arith.constant 0 : index
    %get3A_18 = arith.constant 0 : index
    %get3A_19 = vector.load %arg4[%get3A_17, %get3A_18] : memref<32x64xf32, #tpu.memory_space<vmem>>, vector<32x64xf32>
    %dot_general3A = arith.constant dense<0.000000e+00> : vector<2000x64xf32>
    %dot_general3A_20 = tpu.matmul %max3A_16, %get3A_19, %dot_general3A {dimension_numbers = #tpu.dot_dimension_numbers<[1], [0], [0], [1], [0, 0, 1, 1], [], []>, transpose_lhs_hint = false} : vector<2000x32xf32>, vector<32x64xf32>, vector<2000x64xf32> -> vector<2000x64xf32>
    %get3A_21 = arith.constant 0 : index
    %get3A_22 = arith.constant 0 : index
    %get3A_23 = vector.load %arg5[%get3A_21, %get3A_22] : memref<1x64xf32, #tpu.memory_space<vmem>>, vector<1x64xf32>
    %get3A_24 = vector.shape_cast %get3A_23 : vector<1x64xf32> to vector<64xf32>
    %broadcast_in_dim3A_25 = vector.shape_cast %get3A_24 : vector<64xf32> to vector<1x64xf32>
    %add3A_26 = vector.broadcast %broadcast_in_dim3A_25 : vector<1x64xf32> to vector<2000x64xf32>
    %add3A_27 = arith.addf %dot_general3A_20, %add3A_26 : vector<2000x64xf32>
    %max3A_28 = arith.constant 0.000000e+00 : f32
    %max3A_29 = vector.broadcast %max3A_28 : f32 to vector<2000x64xf32>
    %max3A_30 = arith.maximumf %add3A_27, %max3A_29 : vector<2000x64xf32>
    %get3A_31 = arith.constant 0 : index
    %get3A_32 = arith.constant 0 : index
    %get3A_33 = vector.load %arg6[%get3A_31, %get3A_32] : memref<64x32xf32, #tpu.memory_space<vmem>>, vector<64x32xf32>
    %dot_general3A_34 = arith.constant dense<0.000000e+00> : vector<2000x32xf32>
    %dot_general3A_35 = tpu.matmul %max3A_30, %get3A_33, %dot_general3A_34 {dimension_numbers = #tpu.dot_dimension_numbers<[1], [0], [0], [1], [0, 0, 1, 1], [], []>, transpose_lhs_hint = false} : vector<2000x64xf32>, vector<64x32xf32>, vector<2000x32xf32> -> vector<2000x32xf32>
    %get3A_36 = arith.constant 0 : index
    %get3A_37 = arith.constant 0 : index
    %get3A_38 = vector.load %arg7[%get3A_36, %get3A_37] : memref<1x32xf32, #tpu.memory_space<vmem>>, vector<1x32xf32>
    %get3A_39 = vector.shape_cast %get3A_38 : vector<1x32xf32> to vector<32xf32>
    %broadcast_in_dim3A_40 = vector.shape_cast %get3A_39 : vector<32xf32> to vector<1x32xf32>
    %add3A_41 = vector.broadcast %broadcast_in_dim3A_40 : vector<1x32xf32> to vector<2000x32xf32>
    %add3A_42 = arith.addf %dot_general3A_35, %add3A_41 : vector<2000x32xf32>
    %swap3A = arith.constant 0 : index
    %swap3A_43 = arith.constant 0 : index
    %swap3A_44 = vector.load %arg8[%swap3A, %swap3A_43] : memref<2000x32xf32, #tpu.memory_space<vmem>>, vector<2000x32xf32>
    tpu.vector_store %arg8[%swap3A, %swap3A_43], %add3A_42 {strides = array<i32>} : memref<2000x32xf32, #tpu.memory_space<vmem>>, vector<2000x32xf32>,
    return
  }
  func.func @transform_0(%arg0: i32) -> (i32, i32, i32) {
    %c0_i32 = arith.constant 0 : i32
    %c0_i32_0 = arith.constant 0 : i32
    %c0_i32_1 = arith.constant 0 : i32
    return %c0_i32, %arg0, %c0_i32_0 : i32, i32, i32
  }
  func.func @transform_1(%arg0: i32) -> (i32, i32, i32) {
    %c1_i32 = arith.constant 1 : i32
    %c0_i32 = arith.constant 0 : i32
    %c0_i32_0 = arith.constant 0 : i32
    return %c1_i32, %arg0, %c0_i32 : i32, i32, i32
  }
  func.func @transform_2(%arg0: i32) -> (i32, i32) {
    %c0_i32 = arith.constant 0 : i32
    %c0_i32_0 = arith.constant 0 : i32
    %c0_i32_1 = arith.constant 0 : i32
    return %c0_i32, %c0_i32_0 : i32, i32
  }
  func.func @transform_3(%arg0: i32) -> (i32, i32) {
    %c0_i32 = arith.constant 0 : i32
    %c0_i32_0 = arith.constant 0 : i32
    %c0_i32_1 = arith.constant 0 : i32
    return %c0_i32, %c0_i32_0 : i32, i32
  }
  func.func @transform_4(%arg0: i32) -> (i32, i32) {
    %c0_i32 = arith.constant 0 : i32
    %c0_i32_0 = arith.constant 0 : i32
    %c0_i32_1 = arith.constant 0 : i32
    return %c0_i32, %c0_i32_0 : i32, i32
  }
  func.func @transform_5(%arg0: i32) -> (i32, i32) {
    %c0_i32 = arith.constant 0 : i32
    %c0_i32_0 = arith.constant 0 : i32
    %c0_i32_1 = arith.constant 0 : i32
    return %c0_i32, %c0_i32_0 : i32, i32
  }
  func.func @transform_6(%arg0: i32) -> (i32, i32) {
    %c0_i32 = arith.constant 0 : i32
    %c0_i32_0 = arith.constant 0 : i32
    %c0_i32_1 = arith.constant 0 : i32
    return %c0_i32, %c0_i32_0 : i32, i32
  }
  func.func @transform_7(%arg0: i32) -> (i32, i32) {
    %c0_i32 = arith.constant 0 : i32
    %c0_i32_0 = arith.constant 0 : i32
    return %arg0, %c0_i32 : i32, i32
  }
}

module attributes {stable_mosaic.version = 14 : i64} {
  func.func @body(%arg0: i32, %arg1: memref<1x32000xf32, #tpu.memory_space<vmem>>, %arg2: memref<32000x64xf32, #tpu.memory_space<vmem>>, %arg3: memref<1x64xf32, #tpu.memory_space<vmem>>, %arg4: memref<1x64xf32, #tpu.memory_space<vmem>>) attributes {dimension_semantics = [#tpu.dimension_semantics<arbitrary>], iteration_bounds = array<i64: 10>, scalar_prefetch = 0 : i64, scratch_operands = 0 : i64, tpu.core_type = #tpu.core_type<tc>, window_params = [{transform_indices = @transform_0, window_bounds = array<i64: 1, 32000>}, {transform_indices = @transform_1, window_bounds = array<i64: 32000, 64>}, {pipeline_mode = #tpu.pipeline_mode<synchronous>, transform_indices = @transform_2, window_bounds = array<i64: 1, 64>}, {pipeline_mode = #tpu.pipeline_mode<synchronous>, transform_indices = @transform_3, window_bounds = array<i64: 1, 64>}]} {
    %eq3A = arith.constant 0 : i32
    %eq3A_0 = arith.cmpi eq, %arg0, %eq3A : i32
    %convert_element_type3A = arith.extui %eq3A_0 : i1 to i32
    %cond3A = arith.constant 0 : i32
    %cond3A_1 = arith.cmpi ne, %convert_element_type3A, %cond3A : i32
    scf.if %cond3A_1 {
      %get3A_13 = arith.constant 0 : index
      %get3A_14 = arith.constant 0 : index
      %get3A_15 = vector.load %arg3[%get3A_13, %get3A_14] : memref<1x64xf32, #tpu.memory_space<vmem>>, vector<1x64xf32>
      %swap3A_16 = arith.constant 0 : index
      %swap3A_17 = arith.constant 0 : index
      %swap3A_18 = vector.load %arg4[%swap3A_16, %swap3A_17] : memref<1x64xf32, #tpu.memory_space<vmem>>, vector<1x64xf32>
      tpu.vector_store %arg4[%swap3A_16, %swap3A_17], %get3A_15 {strides = array<i32>} : memref<1x64xf32, #tpu.memory_space<vmem>>, vector<1x64xf32>,
    } else {
    }
    %get3A = arith.constant 0 : index
    %get3A_2 = arith.constant 0 : index
    %get3A_3 = vector.load %arg4[%get3A, %get3A_2] : memref<1x64xf32, #tpu.memory_space<vmem>>, vector<1x64xf32>
    %get3A_4 = arith.constant 0 : index
    %get3A_5 = arith.constant 0 : index
    %get3A_6 = vector.load %arg1[%get3A_4, %get3A_5] : memref<1x32000xf32, #tpu.memory_space<vmem>>, vector<1x32000xf32>
    %get3A_7 = arith.constant 0 : index
    %get3A_8 = arith.constant 0 : index
    %get3A_9 = vector.load %arg2[%get3A_7, %get3A_8] : memref<32000x64xf32, #tpu.memory_space<vmem>>, vector<32000x64xf32>
    %dot_general3A = arith.constant dense<0.000000e+00> : vector<1x64xf32>
    %dot_general3A_10 = tpu.matmul %get3A_6, %get3A_9, %dot_general3A {dimension_numbers = #tpu.dot_dimension_numbers<[1], [0], [0], [1], [0, 0, 1, 1], [], []>, transpose_lhs_hint = false} : vector<1x32000xf32>, vector<32000x64xf32>, vector<1x64xf32> -> vector<1x64xf32>
    %add3A = arith.addf %get3A_3, %dot_general3A_10 : vector<1x64xf32>
    %swap3A = arith.constant 0 : index
    %swap3A_11 = arith.constant 0 : index
    %swap3A_12 = vector.load %arg4[%swap3A, %swap3A_11] : memref<1x64xf32, #tpu.memory_space<vmem>>, vector<1x64xf32>
    tpu.vector_store %arg4[%swap3A, %swap3A_11], %add3A {strides = array<i32>} : memref<1x64xf32, #tpu.memory_space<vmem>>, vector<1x64xf32>,
    return
  }
  func.func @transform_0(%arg0: i32) -> (i32, i32) {
    %c0_i32 = arith.constant 0 : i32
    %c0_i32_0 = arith.constant 0 : i32
    return %c0_i32, %arg0 : i32, i32
  }
  func.func @transform_1(%arg0: i32) -> (i32, i32) {
    %c0_i32 = arith.constant 0 : i32
    %c0_i32_0 = arith.constant 0 : i32
    return %arg0, %c0_i32 : i32, i32
  }
  func.func @transform_2(%arg0: i32) -> (i32, i32) {
    %c0_i32 = arith.constant 0 : i32
    %c0_i32_0 = arith.constant 0 : i32
    %c0_i32_1 = arith.constant 0 : i32
    return %c0_i32, %c0_i32_0 : i32, i32
  }
  func.func @transform_3(%arg0: i32) -> (i32, i32) {
    %c0_i32 = arith.constant 0 : i32
    %c0_i32_0 = arith.constant 0 : i32
    %c0_i32_1 = arith.constant 0 : i32
    return %c0_i32, %c0_i32_0 : i32, i32
  }
}

module attributes {stable_mosaic.version = 14 : i64} {
  func.func @body(%arg0: i32, %arg1: memref<1x64xf32, #tpu.memory_space<vmem>>, %arg2: memref<64x32000xf32, #tpu.memory_space<vmem>>, %arg3: memref<1x32000xf32, #tpu.memory_space<vmem>>, %arg4: memref<1x32000xf32, #tpu.memory_space<vmem>>) attributes {dimension_semantics = [#tpu.dimension_semantics<arbitrary>], iteration_bounds = array<i64: 10>, scalar_prefetch = 0 : i64, scratch_operands = 0 : i64, tpu.core_type = #tpu.core_type<tc>, window_params = [{pipeline_mode = #tpu.pipeline_mode<synchronous>, transform_indices = @transform_0, window_bounds = array<i64: 1, 64>}, {transform_indices = @transform_1, window_bounds = array<i64: 64, 32000>}, {transform_indices = @transform_2, window_bounds = array<i64: 1, 32000>}, {transform_indices = @transform_3, window_bounds = array<i64: 1, 32000>}]} {
    %get3A = arith.constant 0 : index
    %get3A_0 = arith.constant 0 : index
    %get3A_1 = vector.load %arg1[%get3A, %get3A_0] : memref<1x64xf32, #tpu.memory_space<vmem>>, vector<1x64xf32>
    %get3A_2 = arith.constant 0 : index
    %get3A_3 = arith.constant 0 : index
    %get3A_4 = vector.load %arg2[%get3A_2, %get3A_3] : memref<64x32000xf32, #tpu.memory_space<vmem>>, vector<64x32000xf32>
    %dot_general3A = arith.constant dense<0.000000e+00> : vector<1x32000xf32>
    %dot_general3A_5 = tpu.matmul %get3A_1, %get3A_4, %dot_general3A {dimension_numbers = #tpu.dot_dimension_numbers<[1], [0], [0], [1], [0, 0, 1, 1], [], []>, transpose_lhs_hint = false} : vector<1x64xf32>, vector<64x32000xf32>, vector<1x32000xf32> -> vector<1x32000xf32>
    %get3A_6 = arith.constant 0 : index
    %get3A_7 = arith.constant 0 : index
    %get3A_8 = vector.load %arg3[%get3A_6, %get3A_7] : memref<1x32000xf32, #tpu.memory_space<vmem>>, vector<1x32000xf32>
    %add3A = arith.addf %dot_general3A_5, %get3A_8 : vector<1x32000xf32>
    %swap3A = arith.constant 0 : index
    %swap3A_9 = arith.constant 0 : index
    %swap3A_10 = vector.load %arg4[%swap3A, %swap3A_9] : memref<1x32000xf32, #tpu.memory_space<vmem>>, vector<1x32000xf32>
    tpu.vector_store %arg4[%swap3A, %swap3A_9], %add3A {strides = array<i32>} : memref<1x32000xf32, #tpu.memory_space<vmem>>, vector<1x32000xf32>,
    return
  }
  func.func @transform_0(%arg0: i32) -> (i32, i32) {
    %c0_i32 = arith.constant 0 : i32
    %c0_i32_0 = arith.constant 0 : i32
    %c0_i32_1 = arith.constant 0 : i32
    return %c0_i32, %c0_i32_0 : i32, i32
  }
  func.func @transform_1(%arg0: i32) -> (i32, i32) {
    %c0_i32 = arith.constant 0 : i32
    %c0_i32_0 = arith.constant 0 : i32
    return %c0_i32, %arg0 : i32, i32
  }
  func.func @transform_2(%arg0: i32) -> (i32, i32) {
    %c0_i32 = arith.constant 0 : i32
    %c0_i32_0 = arith.constant 0 : i32
    return %c0_i32, %arg0 : i32, i32
  }
  func.func @transform_3(%arg0: i32) -> (i32, i32) {
    %c0_i32 = arith.constant 0 : i32
    %c0_i32_0 = arith.constant 0 : i32
    return %c0_i32, %arg0 : i32, i32
  }
}

module attributes {stable_mosaic.version = 14 : i64} {
  func.func @body(%arg0: i32, %arg1: i32, %arg2: memref<2000x32xf32, #tpu.memory_space<vmem>>, %arg3: memref<32x128xf32, #tpu.memory_space<vmem>>, %arg4: memref<2000x128xf32, #tpu.memory_space<vmem>>) attributes {dimension_semantics = [#tpu.dimension_semantics<arbitrary>, #tpu.dimension_semantics<arbitrary>], iteration_bounds = array<i64: 2, 5>, scalar_prefetch = 0 : i64, scratch_operands = 0 : i64, tpu.core_type = #tpu.core_type<tc>, window_params = [{transform_indices = @transform_0, window_bounds = array<i64: 2000, 32>}, {transform_indices = @transform_1, window_bounds = array<i64: 32, 128>}, {transform_indices = @transform_2, window_bounds = array<i64: 2000, 128>}]} {
    %get3A = arith.constant 0 : index
    %get3A_0 = arith.constant 0 : index
    %get3A_1 = vector.load %arg2[%get3A, %get3A_0] : memref<2000x32xf32, #tpu.memory_space<vmem>>, vector<2000x32xf32>
    %get3A_2 = arith.constant 0 : index
    %get3A_3 = arith.constant 0 : index
    %get3A_4 = vector.load %arg3[%get3A_2, %get3A_3] : memref<32x128xf32, #tpu.memory_space<vmem>>, vector<32x128xf32>
    %dot_general3A = arith.constant dense<0.000000e+00> : vector<2000x128xf32>
    %dot_general3A_5 = tpu.matmul %get3A_1, %get3A_4, %dot_general3A {dimension_numbers = #tpu.dot_dimension_numbers<[1], [0], [0], [1], [0, 0, 1, 1], [], []>, transpose_lhs_hint = false} : vector<2000x32xf32>, vector<32x128xf32>, vector<2000x128xf32> -> vector<2000x128xf32>
    %swap3A = arith.constant 0 : index
    %swap3A_6 = arith.constant 0 : index
    %swap3A_7 = vector.load %arg4[%swap3A, %swap3A_6] : memref<2000x128xf32, #tpu.memory_space<vmem>>, vector<2000x128xf32>
    tpu.vector_store %arg4[%swap3A, %swap3A_6], %dot_general3A_5 {strides = array<i32>} : memref<2000x128xf32, #tpu.memory_space<vmem>>, vector<2000x128xf32>,
    return
  }
  func.func @transform_0(%arg0: i32, %arg1: i32) -> (i32, i32) {
    %c0_i32 = arith.constant 0 : i32
    %c0_i32_0 = arith.constant 0 : i32
    return %arg1, %c0_i32 : i32, i32
  }
  func.func @transform_1(%arg0: i32, %arg1: i32) -> (i32, i32) {
    %c0_i32 = arith.constant 0 : i32
    %c0_i32_0 = arith.constant 0 : i32
    return %c0_i32, %arg0 : i32, i32
  }
  func.func @transform_2(%arg0: i32, %arg1: i32) -> (i32, i32) {
    %mul3A = arith.constant 5 : i32
    %mul3A_0 = arith.muli %arg0, %mul3A : i32
    %add3A = arith.addi %mul3A_0, %arg1 : i32
    %c0_i32 = arith.constant 0 : i32
    %c0_i32_1 = arith.constant 0 : i32
    return %add3A, %c0_i32 : i32, i32
  }
}

module attributes {stable_mosaic.version = 14 : i64} {
  func.func @body(%arg0: i32, %arg1: memref<1x2000x128xf32, #tpu.memory_space<vmem>>, %arg2: memref<1x2000x128xf32, #tpu.memory_space<vmem>>, %arg3: memref<2x128xf32, #tpu.memory_space<vmem>>, %arg4: memref<2x128x512xf32, #tpu.memory_space<vmem>>, %arg5: memref<1x512xf32, #tpu.memory_space<vmem>>, %arg6: memref<512x256xf32, #tpu.memory_space<vmem>>, %arg7: memref<1x256xf32, #tpu.memory_space<vmem>>, %arg8: memref<1x1x1xf32, #tpu.memory_space<vmem>>, %arg9: memref<2000x256xf32, #tpu.memory_space<vmem>>) attributes {dimension_semantics = [#tpu.dimension_semantics<arbitrary>], iteration_bounds = array<i64: 5>, scalar_prefetch = 0 : i64, scratch_operands = 0 : i64, tpu.core_type = #tpu.core_type<tc>, window_params = [{transform_indices = @transform_0, window_bounds = array<i64: 1, 2000, 128>}, {transform_indices = @transform_1, window_bounds = array<i64: 1, 2000, 128>}, {pipeline_mode = #tpu.pipeline_mode<synchronous>, transform_indices = @transform_2, window_bounds = array<i64: 2, 128>}, {pipeline_mode = #tpu.pipeline_mode<synchronous>, transform_indices = @transform_3, window_bounds = array<i64: 2, 128, 512>}, {pipeline_mode = #tpu.pipeline_mode<synchronous>, transform_indices = @transform_4, window_bounds = array<i64: 1, 512>}, {pipeline_mode = #tpu.pipeline_mode<synchronous>, transform_indices = @transform_5, window_bounds = array<i64: 512, 256>}, {pipeline_mode = #tpu.pipeline_mode<synchronous>, transform_indices = @transform_6, window_bounds = array<i64: 1, 256>}, {pipeline_mode = #tpu.pipeline_mode<synchronous>, transform_indices = @transform_7, window_bounds = array<i64: 1, 1, 1>}, {transform_indices = @transform_8, window_bounds = array<i64: 2000, 256>}]} {
    %get3A = arith.constant 0 : index
    %get3A_0 = arith.constant 0 : index
    %get3A_1 = arith.constant 0 : index
    %get3A_2 = vector.load %arg1[%get3A, %get3A_0, %get3A_1] : memref<1x2000x128xf32, #tpu.memory_space<vmem>>, vector<1x2000x128xf32>
    %get3A_3 = vector.shape_cast %get3A_2 : vector<1x2000x128xf32> to vector<2000x128xf32>
    %get3A_4 = arith.constant 0 : index
    %get3A_5 = arith.constant 0 : index
    %get3A_6 = vector.load %arg3[%get3A_4, %get3A_5] : memref<2x128xf32, #tpu.memory_space<vmem>>, vector<1x128xf32>
    %get3A_7 = vector.shape_cast %get3A_6 : vector<1x128xf32> to vector<128xf32>
    %broadcast_in_dim3A = vector.shape_cast %get3A_7 : vector<128xf32> to vector<1x128xf32>
    %add3A = vector.broadcast %broadcast_in_dim3A : vector<1x128xf32> to vector<2000x128xf32>
    %add3A_8 = arith.addf %get3A_3, %add3A : vector<2000x128xf32>
    %max3A = arith.constant 0.000000e+00 : f32
    %max3A_9 = vector.broadcast %max3A : f32 to vector<2000x128xf32>
    %max3A_10 = arith.maximumf %add3A_8, %max3A_9 : vector<2000x128xf32>
    %get3A_11 = arith.constant 0 : index
    %get3A_12 = arith.constant 0 : index
    %get3A_13 = arith.constant 0 : index
    %get3A_14 = vector.load %arg2[%get3A_11, %get3A_12, %get3A_13] : memref<1x2000x128xf32, #tpu.memory_space<vmem>>, vector<1x2000x128xf32>
    %get3A_15 = vector.shape_cast %get3A_14 : vector<1x2000x128xf32> to vector<2000x128xf32>
    %get3A_16 = arith.constant 1 : index
    %get3A_17 = arith.constant 0 : index
    %get3A_18 = vector.load %arg3[%get3A_16, %get3A_17] : memref<2x128xf32, #tpu.memory_space<vmem>>, vector<1x128xf32>
    %get3A_19 = vector.shape_cast %get3A_18 : vector<1x128xf32> to vector<128xf32>
    %broadcast_in_dim3A_20 = vector.shape_cast %get3A_19 : vector<128xf32> to vector<1x128xf32>
    %add3A_21 = vector.broadcast %broadcast_in_dim3A_20 : vector<1x128xf32> to vector<2000x128xf32>
    %add3A_22 = arith.addf %get3A_15, %add3A_21 : vector<2000x128xf32>
    %max3A_23 = arith.constant 0.000000e+00 : f32
    %max3A_24 = vector.broadcast %max3A_23 : f32 to vector<2000x128xf32>
    %max3A_25 = arith.maximumf %add3A_22, %max3A_24 : vector<2000x128xf32>
    %get3A_26 = arith.constant 0 : index
    %get3A_27 = arith.constant 0 : index
    %get3A_28 = arith.constant 0 : index
    %get3A_29 = vector.load %arg4[%get3A_26, %get3A_27, %get3A_28] : memref<2x128x512xf32, #tpu.memory_space<vmem>>, vector<1x128x512xf32>
    %get3A_30 = vector.shape_cast %get3A_29 : vector<1x128x512xf32> to vector<128x512xf32>
    %dot_general3A = arith.constant dense<0.000000e+00> : vector<2000x512xf32>
    %dot_general3A_31 = tpu.matmul %max3A_10, %get3A_30, %dot_general3A {dimension_numbers = #tpu.dot_dimension_numbers<[1], [0], [0], [1], [0, 0, 1, 1], [], []>, transpose_lhs_hint = false} : vector<2000x128xf32>, vector<128x512xf32>, vector<2000x512xf32> -> vector<2000x512xf32>
    %get3A_32 = arith.constant 1 : index
    %get3A_33 = arith.constant 0 : index
    %get3A_34 = arith.constant 0 : index
    %get3A_35 = vector.load %arg4[%get3A_32, %get3A_33, %get3A_34] : memref<2x128x512xf32, #tpu.memory_space<vmem>>, vector<1x128x512xf32>
    %get3A_36 = vector.shape_cast %get3A_35 : vector<1x128x512xf32> to vector<128x512xf32>
    %dot_general3A_37 = arith.constant dense<0.000000e+00> : vector<2000x512xf32>
    %dot_general3A_38 = tpu.matmul %max3A_25, %get3A_36, %dot_general3A_37 {dimension_numbers = #tpu.dot_dimension_numbers<[1], [0], [0], [1], [0, 0, 1, 1], [], []>, transpose_lhs_hint = false} : vector<2000x128xf32>, vector<128x512xf32>, vector<2000x512xf32> -> vector<2000x512xf32>
    %add3A_39 = arith.addf %dot_general3A_31, %dot_general3A_38 : vector<2000x512xf32>
    %get3A_40 = arith.constant 0 : index
    %get3A_41 = arith.constant 0 : index
    %get3A_42 = vector.load %arg5[%get3A_40, %get3A_41] : memref<1x512xf32, #tpu.memory_space<vmem>>, vector<1x512xf32>
    %get3A_43 = vector.shape_cast %get3A_42 : vector<1x512xf32> to vector<512xf32>
    %broadcast_in_dim3A_44 = vector.shape_cast %get3A_43 : vector<512xf32> to vector<1x512xf32>
    %add3A_45 = vector.broadcast %broadcast_in_dim3A_44 : vector<1x512xf32> to vector<2000x512xf32>
    %add3A_46 = arith.addf %add3A_39, %add3A_45 : vector<2000x512xf32>
    %max3A_47 = arith.constant 0.000000e+00 : f32
    %max3A_48 = vector.broadcast %max3A_47 : f32 to vector<2000x512xf32>
    %max3A_49 = arith.maximumf %add3A_46, %max3A_48 : vector<2000x512xf32>
    %get3A_50 = arith.constant 0 : index
    %get3A_51 = arith.constant 0 : index
    %get3A_52 = vector.load %arg6[%get3A_50, %get3A_51] : memref<512x256xf32, #tpu.memory_space<vmem>>, vector<512x256xf32>
    %dot_general3A_53 = arith.constant dense<0.000000e+00> : vector<2000x256xf32>
    %dot_general3A_54 = tpu.matmul %max3A_49, %get3A_52, %dot_general3A_53 {dimension_numbers = #tpu.dot_dimension_numbers<[1], [0], [0], [1], [0, 0, 1, 1], [], []>, transpose_lhs_hint = false} : vector<2000x512xf32>, vector<512x256xf32>, vector<2000x256xf32> -> vector<2000x256xf32>
    %get3A_55 = arith.constant 0 : index
    %get3A_56 = arith.constant 0 : index
    %get3A_57 = vector.load %arg7[%get3A_55, %get3A_56] : memref<1x256xf32, #tpu.memory_space<vmem>>, vector<1x256xf32>
    %get3A_58 = vector.shape_cast %get3A_57 : vector<1x256xf32> to vector<256xf32>
    %broadcast_in_dim3A_59 = vector.shape_cast %get3A_58 : vector<256xf32> to vector<1x256xf32>
    %add3A_60 = vector.broadcast %broadcast_in_dim3A_59 : vector<1x256xf32> to vector<2000x256xf32>
    %add3A_61 = arith.addf %dot_general3A_54, %add3A_60 : vector<2000x256xf32>
    %mul3A = arith.constant 1.000000e+01 : f32
    %mul3A_62 = vector.broadcast %mul3A : f32 to vector<2000x256xf32>
    %mul3A_63 = arith.mulf %mul3A_62, %add3A_61 : vector<2000x256xf32>
    %max3A_64 = arith.constant 0.000000e+00 : f32
    %max3A_65 = vector.broadcast %max3A_64 : f32 to vector<2000x256xf32>
    %max3A_66 = arith.maximumf %mul3A_63, %max3A_65 : vector<2000x256xf32>
    %abs3A = math.absf %mul3A_63 : vector<2000x256xf32>
    %neg3A = arith.constant 0.000000e+00 : f32
    %neg3A_67 = vector.broadcast %neg3A : f32 to vector<2000x256xf32>
    %neg3A_68 = arith.subf %neg3A_67, %abs3A : vector<2000x256xf32>
    %exp3A = math.exp %neg3A_68 : vector<2000x256xf32>
    %log1p3A = math.log1p %exp3A : vector<2000x256xf32>
    %add3A_69 = arith.addf %max3A_66, %log1p3A : vector<2000x256xf32>
    %div3A = arith.constant 1.000000e+01 : f32
    %div3A_70 = vector.broadcast %div3A : f32 to vector<2000x256xf32>
    %div3A_71 = arith.divf %add3A_69, %div3A_70 : vector<2000x256xf32>
    %swap3A = arith.constant 0 : index
    %swap3A_72 = arith.constant 0 : index
    %swap3A_73 = vector.load %arg9[%swap3A, %swap3A_72] : memref<2000x256xf32, #tpu.memory_space<vmem>>, vector<2000x256xf32>
    tpu.vector_store %arg9[%swap3A, %swap3A_72], %div3A_71 {strides = array<i32>} : memref<2000x256xf32, #tpu.memory_space<vmem>>, vector<2000x256xf32>,
    return
  }
  func.func @transform_0(%arg0: i32) -> (i32, i32, i32) {
    %c0_i32 = arith.constant 0 : i32
    %c0_i32_0 = arith.constant 0 : i32
    %c0_i32_1 = arith.constant 0 : i32
    return %c0_i32, %arg0, %c0_i32_0 : i32, i32, i32
  }
  func.func @transform_1(%arg0: i32) -> (i32, i32, i32) {
    %c1_i32 = arith.constant 1 : i32
    %c0_i32 = arith.constant 0 : i32
    %c0_i32_0 = arith.constant 0 : i32
    return %c1_i32, %arg0, %c0_i32 : i32, i32, i32
  }
  func.func @transform_2(%arg0: i32) -> (i32, i32) {
    %c0_i32 = arith.constant 0 : i32
    %c0_i32_0 = arith.constant 0 : i32
    %c0_i32_1 = arith.constant 0 : i32
    return %c0_i32, %c0_i32_0 : i32, i32
  }
  func.func @transform_3(%arg0: i32) -> (i32, i32, i32) {
    %c0_i32 = arith.constant 0 : i32
    %c0_i32_0 = arith.constant 0 : i32
    %c0_i32_1 = arith.constant 0 : i32
    %c0_i32_2 = arith.constant 0 : i32
    return %c0_i32, %c0_i32_0, %c0_i32_1 : i32, i32, i32
  }
  func.func @transform_4(%arg0: i32) -> (i32, i32) {
    %c0_i32 = arith.constant 0 : i32
    %c0_i32_0 = arith.constant 0 : i32
    %c0_i32_1 = arith.constant 0 : i32
    return %c0_i32, %c0_i32_0 : i32, i32
  }
  func.func @transform_5(%arg0: i32) -> (i32, i32) {
    %c0_i32 = arith.constant 0 : i32
    %c0_i32_0 = arith.constant 0 : i32
    %c0_i32_1 = arith.constant 0 : i32
    return %c0_i32, %c0_i32_0 : i32, i32
  }
  func.func @transform_6(%arg0: i32) -> (i32, i32) {
    %c0_i32 = arith.constant 0 : i32
    %c0_i32_0 = arith.constant 0 : i32
    %c0_i32_1 = arith.constant 0 : i32
    return %c0_i32, %c0_i32_0 : i32, i32
  }
  func.func @transform_7(%arg0: i32) -> (i32, i32, i32) {
    %c0_i32 = arith.constant 0 : i32
    %c0_i32_0 = arith.constant 0 : i32
    %c0_i32_1 = arith.constant 0 : i32
    %c0_i32_2 = arith.constant 0 : i32
    return %c0_i32, %c0_i32_0, %c0_i32_1 : i32, i32, i32
  }
  func.func @transform_8(%arg0: i32) -> (i32, i32) {
    %c0_i32 = arith.constant 0 : i32
    %c0_i32_0 = arith.constant 0 : i32
    return %arg0, %c0_i32 : i32, i32
  }
}

</mosaic_0001>

<sc_bundles>
// kernel: kernel.18.cloned.1.call-start
scs
__scs_entry_jumppad:
0x0: {  	(pc) =	sbr.rel $0x88, $3  }
0x1: {  	(tag) =	ssettag $0x0;
	lr =	simm.s32 $0x1  }
0x2: {  	[smem:$0x3F77] =	sst lr;
	_ =	strace $0xD0000000  }
0x3: {  	_ = 	snop  }
0x4: {  	_ = 	snop  }
0x5: {  	_ = 	snop  }
0x6: {  	_ = 	snop  }
0x7: {  	_ = 	snop  }
__scs_overlays_trampoline_lowered:
0x8: {  	[smem:$0x3F86] =	sst s0  }
0x9: {  	[smem:$0x3F87] =	sst s1  }
0xa: {  	[smem:$0x3F88] =	sst s2  }
0xb: {  	[smem:$0x3F89] =	sst s3  }
0xc: {  	[smem:$0x3F8A] =	sst s4  }
0xd: {  	[smem:$0x3F8B] =	sst s5  }
0xe: {  	[smem:$0x3F8C] =	sst s6  }
0xf: {  	[smem:$0x3F8D] =	sst s7  }
0x10: {  	[smem:$0x3F8E] =	sst s8  }
0x11: {  	[smem:$0x3F8F] =	sst s9;
	s0 =	simm.s32 @!p0 $0x0  }
0x12: {  	s1 =	sld [smem:$0x3F75];
	s0 =	simm.s32 @p0 $0x1  }
0x13: {  	[smem:$0x3F90] =	sst s0;
	s0 =	simm.s32 @!p1 $0x0  }
0x14: {  	s2 =	sld [smem:$0x3F74];
	s0 =	simm.s32 @p1 $0x1  }
0x15: {  	[smem:$0x3F91] =	sst s0;
	s0 =	simm.s32 @!p2 $0x0  }
0x16: {  	s3 =	sld [smem:$0x3FDB];
	s0 =	simm.s32 @p2 $0x1  }
0x17: {  	s4 =	simm.s32 $0x1BF5;
	[smem:$0x3F93] =	sst s0  }
0x18: {  	s0 =	sld [smem:$0x3F76];
	_ =	swait.ge [sflag:s4], $0x0  }
0x19: {  	s7 =	sld [smem:$0x3F77]  }
0x1a: {  	s8 =	sadd.s32 $0xFFFFE003, lr  }
0x1b: {  	s9 =	sadd.s32 $0xFFFFFEF7, lr;
	s5 =	simm.s32 $0xFFFFFFFF;
	p2 =	slt.u32 s8, $0xFFFFF086  }
0x1c: {  	p1 =	slt.u32 s9, $0xF7A;
	s5 =	simm.s32 @!p2 $0x0  }
0x1d: {  	s5 =	simm.s32 @p1 $0x1;
	p0 =	seq.s32 s7, s2  }
0x1e: {  	s7 =	smul.u32 @!p0 $0xF7A, s2;
	p2 =	seq.s32 @!p0 s5, $0x0  }
0x1f: {  	s9 =	smul.u32 $0xF7A, s1;
	s8 =	simm.s32 @!p0 $0x1BF5;
	p2 =	por !p2, p0  }
0x20: {  	[sflag:s8] =	ssyncset.s32 @!p0 $0xFFFFF086;
	s6 =	sadd.s32 @!p0 s3, s7;
	s7 =	simm.s32 @!p0 $0x108  }
0x21: {  	s3 =	sadd.s32 s3, s9;
	s6 =	sadd.s32 @!p0 $0x88, s6;
	s7 =	simm.s32 @p2 $0x1082  }
0x22: {  	[simem:s7], [sflag:s8] =	dma.local @!p0 [hbm:s6], $0xF7A  }
0x23: {  	s9 =	sor.u32 $0xD0000000, s2;
	s6 =	simm.s32 $0x108;
	_ =	swait.ge @!p0 [sflag:s8], $0x0  }
0x24: {  	s3 =	sadd.s32 $0x88, s3;
	s6 =	simm.s32 @!p1 $0x1082;
	[sflag:s4] =	ssyncset.s32 $0xFFFFF086  }
0x25: {  	[simem:s6], [sflag:s4] =	dma.local [hbm:s3], $0xF7A  }
0x26: {  	[smem:$0x3F77] =	sst s1;
	(tag) =	ssettag s2;
	_ =	strace s9  }
0x27: {  	s1 =	sld [smem:$0x3F87]  }
0x28: {  	s2 =	sld [smem:$0x3F88]  }
0x29: {  	s4 =	sld [smem:$0x3F8A]  }
0x2a: {  	p0 =	seq.s32 s5, $0x0;
	s5 =	sld [smem:$0x3F8B]  }
0x2b: {  	s6 =	sld [smem:$0x3F8C]  }
0x2c: {  	s7 =	sld [smem:$0x3F8D]  }
0x2d: {  	s3 =	simm.s32 $0x108;
	s8 =	sld [smem:$0x3F8E]  }
0x2e: {  	s3 =	simm.s32 @!p0 $0x1082;
	s9 =	sld [smem:$0x3F8F]  }
0x2f: {  	lr =	sadd.s32 s0, s3;
	s0 =	sld [smem:$0x3F86]  }
0x30: {  	s3 =	sld [smem:$0x3F89]  }
0x31: {  	[smem:$0x3F92] =	sst s10  }
0x32: {  	s10 =	sld [smem:$0x3F90];
	_ =	sdelay $0x3  }
0x33: {  	p0 =	seq.s32 s10, $0x1;
	s10 =	sld [smem:$0x3F92];
	_ =	sdelay $0x3  }
0x34: {  	[smem:$0x3F92] =	sst s10  }
0x35: {  	s10 =	sld [smem:$0x3F91];
	_ =	sdelay $0x3  }
0x36: {  	p1 =	seq.s32 s10, $0x1;
	s10 =	sld [smem:$0x3F92];
	_ =	sdelay $0x3  }
0x37: {  	[smem:$0x3F92] =	sst s10  }
0x38: {  	s10 =	sld [smem:$0x3F93]  }
0x39: {  	_ = 	snop;
	(pc) =	sbr.ind lr, $3  }
0x3a: {  	_ = 	snop  }
0x3b: {  	_ = 	snop  }
0x3c: {  	p2 =	seq.s32 s10, $0x1;
	s10 =	sld [smem:$0x3F92]  }
0x3d: {  	_ =	shalt  }
0x3e: {  	_ =	shalt  }
0x3f: {  	_ =	shalt  }
0x40: {  	_ =	shalt  }
0x41: {  	_ =	shalt  }
0x42: {  	_ =	shalt  }
0x43: {  	_ =	shalt  }
0x44: {  	_ =	shalt  }
0x45: {  	_ =	shalt  }
0x46: {  	_ =	shalt  }
0x47: {  	_ =	shalt  }
0x48: {  	_ =	shalt  }
0x49: {  	_ =	shalt  }
0x4a: {  	_ =	shalt  }
0x4b: {  	_ =	shalt  }
0x4c: {  	_ =	shalt  }
0x4d: {  	_ =	shalt  }
0x4e: {  	_ =	shalt  }
0x4f: {  	_ =	shalt  }
0x50: {  	_ =	shalt  }
0x51: {  	_ =	shalt  }
0x52: {  	_ =	shalt  }
0x53: {  	_ =	shalt  }
0x54: {  	_ =	shalt  }
0x55: {  	_ =	shalt  }
0x56: {  	_ =	shalt  }
0x57: {  	_ =	shalt  }
0x58: {  	_ =	shalt  }
0x59: {  	_ =	shalt  }
0x5a: {  	_ =	shalt  }
0x5b: {  	_ =	shalt  }
0x5c: {  	_ =	shalt  }
0x5d: {  	_ =	shalt  }
0x5e: {  	_ =	shalt  }
0x5f: {  	_ =	shalt  }
0x60: {  	_ =	shalt  }
0x61: {  	_ =	shalt  }
0x62: {  	_ =	shalt  }
0x63: {  	_ =	shalt  }
0x64: {  	_ =	shalt  }
0x65: {  	_ =	shalt  }
0x66: {  	_ =	shalt  }
0x67: {  	_ =	shalt  }
0x68: {  	_ =	shalt  }
0x69: {  	_ =	shalt  }
0x6a: {  	_ =	shalt  }
0x6b: {  	_ =	shalt  }
0x6c: {  	_ =	shalt  }
0x6d: {  	_ =	shalt  }
0x6e: {  	_ =	shalt  }
0x6f: {  	_ =	shalt  }
0x70: {  	_ =	shalt  }
0x71: {  	_ =	shalt  }
0x72: {  	_ =	shalt  }
0x73: {  	_ =	shalt  }
0x74: {  	_ =	shalt  }
0x75: {  	_ =	shalt  }
0x76: {  	_ =	shalt  }
0x77: {  	_ =	shalt  }
0x78: {  	_ =	shalt  }
0x79: {  	_ =	shalt  }
0x7a: {  	_ =	shalt  }
0x7b: {  	_ =	shalt  }
0x7c: {  	_ =	shalt  }
0x7d: {  	_ =	shalt  }
0x7e: {  	_ =	shalt  }
0x7f: {  	_ =	shalt  }
0x80: {  	_ =	shalt  }
0x81: {  	_ =	shalt  }
0x82: {  	_ =	shalt  }
0x83: {  	_ =	shalt  }
0x84: {  	_ =	shalt  }
0x85: {  	_ =	shalt  }
0x86: {  	_ =	shalt  }
0x87: {  	_ =	shalt  }
.Lfunc_end0:
.L_simem_size_0:
called_computation_lowered:
.L_overlay_start_0:
0x88: {  	s2 =	sld [smem:$0x3FD9]  }
0x89: {  	s3 =	sld [smem:$0x3FFE];
	_ =	sdelay $0x1  }
0x8a: {  	s1 =	srdreg.scid  }
0x8b: {  	s0 =	sand.u32 $0x1, s1  }
0x8c: {  	s17 =	sshll.u32 s0, $0xA;
	s2 =	sadd.s32 s3, s2  }
0x8d: {  	s2 =	sadd.s32 s2, s17  }
0x8e: {  	[smem:$0x3F9E] =	sst s2  }
0x8f: {  	_ = 	snop  }
0x90: {  	s2 =	sld [smem:$0x3FD0];
	(tm) =	ssettm $0x1  }
0x91: {  	s18 =	sld [smem:$0x3FFB];
	_ =	sdelay $0x3  }
0x92: {  	_ =	strace s18  }
0x93: {  	s3 =	sld [smem:$0x3FFC];
	_ =	sdelay $0x3  }
0x94: {  	_ =	strace s3  }
0x95: {  	s3 =	sld [smem:$0x3FFD];
	_ =	sdelay $0x3  }
0x96: {  	_ =	strace s3  }
0x97: {  	_ =	strace $0x8FFFFFFF  }
0x98: {  	s19 =	sld [smem:$0x3FDB];
	_ =	sdelay $0x1  }
0x99: {  	s4 =	simm.s32 $_scs_section_size  }
0x9a: {  	s5 =	simm.s32 $_size__tile_overlayer_lowered;
	s6 =	simm.s32 $_tile_overlayer_lowered  }
0x9b: {  	s22 =	simm.s32 $0x1BFF;
	s21 =	sshll.u32 s6, $0x1;
	s3 =	sadd.s32 s4, s19  }
0x9c: {  	s7 =	simm.s32 $0x0;
	s20 =	sshll.u32 s5, $0x1;
	s5 =	sadd.s32 s21, s3  }
0x9d: {  	[timem:s7], [sflag:s22] =	dma.local [hbm:s5], s20  }
0x9e: {  	_ =	swait.ge [sflag:s22], s20  }
0x9f: {  	s4 =	ssub.s32 $0x0, s20;
	[sflag:s22] =	ssyncset.done $0x0  }
0xa0: {  	[sflag:s22] =	ssyncadd.s32 s4;
	_ =	sdelay $0x1  }
0xa1: {  	s23 =	simm.s32 $0x1B8B  }
0xa2: {  	_ =	swait.ge [sflag:s23], $0x1  }
0xa3: {  	[sflag:s23] =	ssyncset.done $0x0  }
0xa4: {  	s25 =	simm.s32 $0x1B8E;
	s24 =	sld [smem:$0x3FFE];
	[sflag:s23] =	ssyncadd.s32 $0xFFFFFFFF  }
0xa5: {  	s26 =	simm.s32 $execute0_lowered;
	[smem:$0x3FD2] =	sst s25  }
0xa6: {  	s5 =	sshll.u32 s26, $0x1;
	_ =	strace $0x80000046;
	[dreg:$0x1] =	wrdreg $0xFFFFFFFF  }
0xa7: {  	s28 =	simm.s32 $_size_execute0_lowered;
	s3 =	sadd.s32 s3, s5;
	[dreg:$0x0] =	wrdreg $0x0  }
0xa8: {  	s5 =	sshll.u32 s28, $0x1;
	[dreg:$0x2] =	wrdreg s3  }
0xa9: {  	[dreg:$0x3] =	wrdreg s5  }
0xaa: {  	[dreg:$0x4] =	wrdreg $0xC0  }
0xab: {  	_ =	task [dreg:s7], $0x5FFFF  }
0xac: {  	[dreg:$0x1] =	wrdreg $0xFFFFFFFF  }
0xad: {  	[dreg:$0x0] =	wrdreg $0x60  }
0xae: {  	[dreg:$0x2] =	wrdreg s2  }
0xaf: {  	[dreg:$0x3] =	wrdreg s24  }
0xb0: {  	[dreg:$0x4] =	wrdreg $0x90000  }
0xb1: {  	[dreg:$0x5] =	wrdreg $0x9  }
0xb2: {  	_ =	task.clear_ibuf [dreg:s7], $0x6FFFF;
	_ =	strace $0x90000046  }
0xb3: {  	s29 =	simm.s32 $0x9;
	_ =	strace $0x80000048  }
0xb4: {  	_ =	swait.ge [sflag:s29], $0x1  }
0xb5: {  	[sflag:s29] =	ssyncadd.s32 $0xFFFFFFFF  }
0xb6: {  	_ =	strace $0x90000048  }
0xb7: {  	_ =	sfence  }
0xb8: {  	s30 =	sld [smem:$0x0];
	_ =	sdelay $0x2  }
0xb9: {  	s31 =	sshll.u32 s1, $0xD;
	s1 =	sshrl.u32 s1, $0x2  }
0xba: {  	s3 =	sand.u32 $0x4000, s31;
	s1 =	sadd.s32 s1, s30  }
0xbb: {  	s0 =	sor.u32 s3, s0;
	s1 =	sshll.u32 s1, $0x11  }
0xbc: {  	s0 =	sor.u32 s1, s0  }
0xbd: {  	s0 =	sadd.s32 $0x8F2B, s0  }
0xbe: {  	[sflag:s0] =	ssyncadd.remote.s32 $0x1  }
0xbf: {  	_ =	sfence.sel $0xFFFF  }
0xc0: {  	[dreg:$0x0] =	wrdreg $0xFFFFFFFF;
	(pc) =	sbr.abs _section_cstart, $3  }
0xc1: {  	[dreg:$0x1] =	wrdreg $0xFFFFFFFF  }
0xc2: {  	_ =	task.clear_ibuf [dreg:s7], $0x2FFFF;
	_ =	strace $0x9FFFFFFF  }
0xc3: {  	(tm) =	ssettm $0x7FFFFFFF  }
tec
execute0_lowered:
.L_overlay_start_1:
0x0: {  	(tag) =	ssettag $0x1  }
0x1: {  	s1 =	rddreg [dreg:$0x0]  }
0x2: {  	s0 =	srdreg.scid;
	s6 =	rddreg [dreg:$0x1]  }
0x3: {  	s3 =	rddreg [dreg:$0x2];
	s4 =	simm.s32 $0x0;
	s14 =	simm.s32 $0x80  }
0x4: {  	s15 =	simm.s32 $0x5000;
	s5 =	sand.u32 $0x1, s0;
	s0 =	stileid.u32  }
0x5: {  	s16 =	simm.s32 $0x1;
	s17 =	simm.s32 $0x0;
	s8 =	smul.u32 $0x2800, s0  }
0x6: {  	[smem:$0x7FF] =	sst s4;
	s2 =	sshll.u32 s5, $0x4;
	s9 =	smul.u32 $0x28000, s5  }
0x7: {  	s5 =	ssub.s32 $0x2, s5;
	s10 =	smul.u32 $0x50000, s0;
	s12 =	sshll.u32 s0, $0x6  }
0x8: {  	s7 =	sor.u32 s0, s2;
	s2 =	rddreg [dreg:$0x3];
	_ =	strace $0x80000047  }
0x9: {  	s31 =	sshrl.u32 s5, $0x1;
	s12 =	sor.u32 $0x1C02, s12;
	s7 =	smul.u32 $0x500, s7  }
0xa: {  	s11 =	sadd.s32 s8, s6;
	s8 =	sadd.s32 s8, s9;
	s10 =	sshrl.u32 s10, $0x2  }
0xb: {  	s9 =	ssub.s32 s5, s31;
	s8 =	sadd.s32 s8, s6;
	s13 =	sadd.s32 s10, s3  }
0xc: {  	s9 =	smax.u32 s9, $0x1;
	s10 =	simm.s32 $0x2;
	s7 =	sadd.s32 s7, s6  }
0xd: {  	s8 =	sadd.s32 $0x43200, s8;
	s13 =	sshrl.u32 s13, $0x3;
	s5 =	sadd.s32 $0x11200, s7  }
0xe: {  	s6 =	sadd.s32 $0x7200, s7;
	s7 =	sadd.s32 $0x1B200, s11;
	s11 =	simm.s32 $0x2800  }
.LBB2_1:
0xf: {  	[tilespmem:s4], [sflag:$0x2] =	stream.linear.gather [hbm4b:s5+s4], $0x2780, $0x38;
	[tilespmem:$0x1D000] =	vst v63  }
0x10: {  	_ =	swait.ge [sflag:s10], $0x2780  }
0x11: {  	[sflag:s10] =	ssyncset.done $0x0  }
0x12: {  	[sflag:s10] =	ssyncadd.s32 $0xFFFFD880  }
0x13: {  	[tilespmem:s11], [sflag:$0x2] =	stream.linear.gather [hbm4b:s6+s4], $0x2780, $0x38;
	[tilespmem:$0x1D000] =	vst v63  }
0x14: {  	_ =	swait.ge [sflag:s10], $0x2780  }
0x15: {  	[sflag:s10] =	ssyncset.done $0x0  }
0x16: {  	[sflag:s10] =	ssyncadd.s32 $0xFFFFD880  }
0x17: {  	[spmem:s13], [sflag:s12] =	dma.local [hbm:s7], $0x2800  }
0x18: {  	_ =	swait.ge [sflag:s10], $0x2800  }
0x19: {  	[sflag:s10] =	ssyncset.done $0x0  }
0x1a: {  	[sflag:s10] =	ssyncadd.s32 $0xFFFFD800  }
0x1b: {  	s18 =	simm.s32 $0x0;
	[bflag:$0x0] =	sbarrier.arrive $0xFFFF  }
0x1c: {  	[tilespmem:s15], [sflag:$0x1] =	stream.indirect.gather [hbm4b:s1+s14], $0x80, s18, s14, $0xb8;
	[tilespmem:$0x1D000] =	vst v63  }
0x1d: {  	_ =	swait.ge [sflag:s16], $0x4000  }
0x1e: {  	[sflag:s16] =	ssyncset.done $0x0  }
0x1f: {  	s31 =	simm.s32 $0x2800;
	[sflag:s16] =	ssyncadd.s32 $0xFFFFC000  }
0x20: {  	[spmem:s3] =	stream.indirect.scatter.add.f32 [tilespmem:s15], [sflag:$0x2], $0x80, s31, s14, $0xb8;
	[tilespmem:$0x1D000] =	vst v63  }
0x21: {  	_ =	swait.ge [sflag:s10], $0x4000  }
0x22: {  	s19 =	simm.s32 $0x400;
	s18 =	simm.s32 $0x200;
	[sflag:s10] =	ssyncset.done $0x0  }
.LBB2_2:
0x23: {  	s20 =	sshra.s32 s18, $0x2  }
0x24: {  	[sflag:s10] =	ssyncadd.s32 $0xFFFFC000;
	s18 =	smov.u32 s19;
	s21 =	sadd.s32 $0x200, s19  }
0x25: {  	[tilespmem:s15], [sflag:$0x1] =	stream.indirect.gather [hbm4b:s1+s14], $0x80, s20, s14, $0xb8;
	[tilespmem:$0x1D000] =	vst v63  }
0x26: {  	p0 =	sne.s32 s19, $0x9C00;
	_ =	swait.ge [sflag:s16], $0x4000  }
.Ltmp0:
0x27: {  	[sflag:s16] =	ssyncset.done $0x0;
	(pc) =	sbr.rel @p0 .LBB2_2-.Ltmp0, $4  }
0x28: {  	s19 =	sadd.s32 $0x2800, s20;
	[sflag:s16] =	ssyncadd.s32 $0xFFFFC000  }
0x29: {  	[spmem:s3] =	stream.indirect.scatter.add.f32 [tilespmem:s15], [sflag:$0x2], $0x80, s19, s14, $0xb8;
	[tilespmem:$0x1D000] =	vst v63  }
0x2a: {  	_ =	swait.ge [sflag:s10], $0x4000  }
0x2b: {  	s19 =	smov.u32 s21;
	[sflag:s10] =	ssyncset.done $0x0  }
0x2c: {  	s18 =	sshra.s32 s18, $0x2;
	[sflag:s10] =	ssyncadd.s32 $0xFFFFC000  }
0x2d: {  	[tilespmem:s15], [sflag:$0x1] =	stream.indirect.gather [hbm4b:s1+s14], $0x80, s18, s14, $0xb8;
	[tilespmem:$0x1D000] =	vst v63  }
0x2e: {  	_ =	swait.ge [sflag:s16], $0x4000  }
0x2f: {  	[sflag:s16] =	ssyncset.done $0x0  }
0x30: {  	s18 =	sadd.s32 $0x2800, s18;
	[sflag:s16] =	ssyncadd.s32 $0xFFFFC000  }
0x31: {  	[spmem:s3] =	stream.indirect.scatter.add.f32 [tilespmem:s15], [sflag:$0x2], $0x80, s18, s14, $0xb8;
	[tilespmem:$0x1D000] =	vst v63  }
0x32: {  	_ =	swait.ge [sflag:s10], $0x4000  }
0x33: {  	s17 =	sadd.s32 $0x1, s17;
	[sflag:s10] =	ssyncset.done $0x0  }
0x34: {  	p0 =	sne.s32 s17, s9;
	[sflag:s10] =	ssyncadd.s32 $0xFFFFC000  }
.Ltmp1:
0x35: {  	[bflag:$0x0] =	sbarrier.arrive $0xFFFF;
	(pc) =	sbr.rel @p0 .LBB2_1-.Ltmp1, $4  }
0x36: {  	[hbm:s8], [sflag:s12] =	dma.local [spmem:s13], $0x2800  }
0x37: {  	_ =	swait.ge [sflag:s10], $0x2800  }
0x38: {  	[sflag:s10] =	ssyncset.done $0x0  }
0x39: {  	[sflag:s10] =	ssyncadd.s32 $0xFFFFD800  }
0x3a: {  	_ =	sfence.sel $0x180000  }
0x3b: {  	[bflag:$0x0] =	sbarrier.arrive $0xFFFF  }
0x3c: {  	p0 =	sne.s32 s0, $0x0;
	_ =	strace $0x90000047  }
0x3d: {  	s0 =	sadd.s32 @!p0 $0x100000, s2;
	[bflag:$0x2] =	sbarrier.arrive $0xFFFF  }
0x3e: {  	[sflag:s0] =	ssyncadd.tile.s32 @!p0 $0x1;
	_ =	shalt  }
.Lfunc_end2:
_tile_overlayer_lowered:
.L_overlay_start_2:
0x3f: {  	(tag) =	ssettag $0x2  }
0x40: {  	s0 =	rddreg [dreg:$0x0];
	s2 =	stileid.u32  }
0x41: {  	s1 =	rddreg [dreg:$0x1];
	p0 =	sne.s32 s2, $0x0  }
0x42: {  	s3 =	rddreg [dreg:$0x2];
	[bflag:$0x3] =	sbarrier.arrive $0xFFFF;
	s2 =	simm.s32 @!p0 $0x1C02  }
0x43: {  	[timem:s3], [sflag:s2] =	dma.local @!p0 [hbm:s0], s1  }
0x44: {  	s0 =	simm.s32 @!p0 $0x2  }
0x45: {  	_ =	swait.ge @!p0 [sflag:s0], s1  }
0x46: {  	s1 =	ssub.s32 @!p0 $0x0, s1;
	[sflag:s0] =	ssyncset.done @!p0 $0x0  }
0x47: {  	[sflag:s0] =	ssyncadd.s32 @!p0 s1  }
0x48: {  	[bflag:$0x3] =	sbarrier.arrive $0xFFFF  }
0x49: {  	_ =	shalt  }

// kernel: kernel.21.cloned.1.call-start
scs
__scs_entry_jumppad:
0x0: {  	(pc) =	sbr.rel $0x88, $3  }
0x1: {  	(tag) =	ssettag $0x0;
	lr =	simm.s32 $0x1  }
0x2: {  	[smem:$0x3F77] =	sst lr;
	_ =	strace $0xD0000000  }
0x3: {  	_ = 	snop  }
0x4: {  	_ = 	snop  }
0x5: {  	_ = 	snop  }
0x6: {  	_ = 	snop  }
0x7: {  	_ = 	snop  }
__scs_overlays_trampoline_lowered:
0x8: {  	[smem:$0x3F86] =	sst s0  }
0x9: {  	[smem:$0x3F87] =	sst s1  }
0xa: {  	[smem:$0x3F88] =	sst s2  }
0xb: {  	[smem:$0x3F89] =	sst s3  }
0xc: {  	[smem:$0x3F8A] =	sst s4  }
0xd: {  	[smem:$0x3F8B] =	sst s5  }
0xe: {  	[smem:$0x3F8C] =	sst s6  }
0xf: {  	[smem:$0x3F8D] =	sst s7  }
0x10: {  	[smem:$0x3F8E] =	sst s8  }
0x11: {  	[smem:$0x3F8F] =	sst s9;
	s0 =	simm.s32 @!p0 $0x0  }
0x12: {  	s1 =	sld [smem:$0x3F75];
	s0 =	simm.s32 @p0 $0x1  }
0x13: {  	[smem:$0x3F90] =	sst s0;
	s0 =	simm.s32 @!p1 $0x0  }
0x14: {  	s2 =	sld [smem:$0x3F74];
	s0 =	simm.s32 @p1 $0x1  }
0x15: {  	[smem:$0x3F91] =	sst s0;
	s0 =	simm.s32 @!p2 $0x0  }
0x16: {  	s3 =	sld [smem:$0x3FDB];
	s0 =	simm.s32 @p2 $0x1  }
0x17: {  	s4 =	simm.s32 $0x1BF5;
	[smem:$0x3F93] =	sst s0  }
0x18: {  	s0 =	sld [smem:$0x3F76];
	_ =	swait.ge [sflag:s4], $0x0  }
0x19: {  	s7 =	sld [smem:$0x3F77]  }
0x1a: {  	s8 =	sadd.s32 $0xFFFFE003, lr  }
0x1b: {  	s9 =	sadd.s32 $0xFFFFFEF7, lr;
	s5 =	simm.s32 $0xFFFFFFFF;
	p2 =	slt.u32 s8, $0xFFFFF086  }
0x1c: {  	p1 =	slt.u32 s9, $0xF7A;
	s5 =	simm.s32 @!p2 $0x0  }
0x1d: {  	s5 =	simm.s32 @p1 $0x1;
	p0 =	seq.s32 s7, s2  }
0x1e: {  	s7 =	smul.u32 @!p0 $0xF7A, s2;
	p2 =	seq.s32 @!p0 s5, $0x0  }
0x1f: {  	s9 =	smul.u32 $0xF7A, s1;
	s8 =	simm.s32 @!p0 $0x1BF5;
	p2 =	por !p2, p0  }
0x20: {  	[sflag:s8] =	ssyncset.s32 @!p0 $0xFFFFF086;
	s6 =	sadd.s32 @!p0 s3, s7;
	s7 =	simm.s32 @!p0 $0x108  }
0x21: {  	s3 =	sadd.s32 s3, s9;
	s6 =	sadd.s32 @!p0 $0x88, s6;
	s7 =	simm.s32 @p2 $0x1082  }
0x22: {  	[simem:s7], [sflag:s8] =	dma.local @!p0 [hbm:s6], $0xF7A  }
0x23: {  	s9 =	sor.u32 $0xD0000000, s2;
	s6 =	simm.s32 $0x108;
	_ =	swait.ge @!p0 [sflag:s8], $0x0  }
0x24: {  	s3 =	sadd.s32 $0x88, s3;
	s6 =	simm.s32 @!p1 $0x1082;
	[sflag:s4] =	ssyncset.s32 $0xFFFFF086  }
0x25: {  	[simem:s6], [sflag:s4] =	dma.local [hbm:s3], $0xF7A  }
0x26: {  	[smem:$0x3F77] =	sst s1;
	(tag) =	ssettag s2;
	_ =	strace s9  }
0x27: {  	s1 =	sld [smem:$0x3F87]  }
0x28: {  	s2 =	sld [smem:$0x3F88]  }
0x29: {  	s4 =	sld [smem:$0x3F8A]  }
0x2a: {  	p0 =	seq.s32 s5, $0x0;
	s5 =	sld [smem:$0x3F8B]  }
0x2b: {  	s6 =	sld [smem:$0x3F8C]  }
0x2c: {  	s7 =	sld [smem:$0x3F8D]  }
0x2d: {  	s3 =	simm.s32 $0x108;
	s8 =	sld [smem:$0x3F8E]  }
0x2e: {  	s3 =	simm.s32 @!p0 $0x1082;
	s9 =	sld [smem:$0x3F8F]  }
0x2f: {  	lr =	sadd.s32 s0, s3;
	s0 =	sld [smem:$0x3F86]  }
0x30: {  	s3 =	sld [smem:$0x3F89]  }
0x31: {  	[smem:$0x3F92] =	sst s10  }
0x32: {  	s10 =	sld [smem:$0x3F90];
	_ =	sdelay $0x3  }
0x33: {  	p0 =	seq.s32 s10, $0x1;
	s10 =	sld [smem:$0x3F92];
	_ =	sdelay $0x3  }
0x34: {  	[smem:$0x3F92] =	sst s10  }
0x35: {  	s10 =	sld [smem:$0x3F91];
	_ =	sdelay $0x3  }
0x36: {  	p1 =	seq.s32 s10, $0x1;
	s10 =	sld [smem:$0x3F92];
	_ =	sdelay $0x3  }
0x37: {  	[smem:$0x3F92] =	sst s10  }
0x38: {  	s10 =	sld [smem:$0x3F93]  }
0x39: {  	_ = 	snop;
	(pc) =	sbr.ind lr, $3  }
0x3a: {  	_ = 	snop  }
0x3b: {  	_ = 	snop  }
0x3c: {  	p2 =	seq.s32 s10, $0x1;
	s10 =	sld [smem:$0x3F92]  }
0x3d: {  	_ =	shalt  }
0x3e: {  	_ =	shalt  }
0x3f: {  	_ =	shalt  }
0x40: {  	_ =	shalt  }
0x41: {  	_ =	shalt  }
0x42: {  	_ =	shalt  }
0x43: {  	_ =	shalt  }
0x44: {  	_ =	shalt  }
0x45: {  	_ =	shalt  }
0x46: {  	_ =	shalt  }
0x47: {  	_ =	shalt  }
0x48: {  	_ =	shalt  }
0x49: {  	_ =	shalt  }
0x4a: {  	_ =	shalt  }
0x4b: {  	_ =	shalt  }
0x4c: {  	_ =	shalt  }
0x4d: {  	_ =	shalt  }
0x4e: {  	_ =	shalt  }
0x4f: {  	_ =	shalt  }
0x50: {  	_ =	shalt  }
0x51: {  	_ =	shalt  }
0x52: {  	_ =	shalt  }
0x53: {  	_ =	shalt  }
0x54: {  	_ =	shalt  }
0x55: {  	_ =	shalt  }
0x56: {  	_ =	shalt  }
0x57: {  	_ =	shalt  }
0x58: {  	_ =	shalt  }
0x59: {  	_ =	shalt  }
0x5a: {  	_ =	shalt  }
0x5b: {  	_ =	shalt  }
0x5c: {  	_ =	shalt  }
0x5d: {  	_ =	shalt  }
0x5e: {  	_ =	shalt  }
0x5f: {  	_ =	shalt  }
0x60: {  	_ =	shalt  }
0x61: {  	_ =	shalt  }
0x62: {  	_ =	shalt  }
0x63: {  	_ =	shalt  }
0x64: {  	_ =	shalt  }
0x65: {  	_ =	shalt  }
0x66: {  	_ =	shalt  }
0x67: {  	_ =	shalt  }
0x68: {  	_ =	shalt  }
0x69: {  	_ =	shalt  }
0x6a: {  	_ =	shalt  }
0x6b: {  	_ =	shalt  }
0x6c: {  	_ =	shalt  }
0x6d: {  	_ =	shalt  }
0x6e: {  	_ =	shalt  }
0x6f: {  	_ =	shalt  }
0x70: {  	_ =	shalt  }
0x71: {  	_ =	shalt  }
0x72: {  	_ =	shalt  }
0x73: {  	_ =	shalt  }
0x74: {  	_ =	shalt  }
0x75: {  	_ =	shalt  }
0x76: {  	_ =	shalt  }
0x77: {  	_ =	shalt  }
0x78: {  	_ =	shalt  }
0x79: {  	_ =	shalt  }
0x7a: {  	_ =	shalt  }
0x7b: {  	_ =	shalt  }
0x7c: {  	_ =	shalt  }
0x7d: {  	_ =	shalt  }
0x7e: {  	_ =	shalt  }
0x7f: {  	_ =	shalt  }
0x80: {  	_ =	shalt  }
0x81: {  	_ =	shalt  }
0x82: {  	_ =	shalt  }
0x83: {  	_ =	shalt  }
0x84: {  	_ =	shalt  }
0x85: {  	_ =	shalt  }
0x86: {  	_ =	shalt  }
0x87: {  	_ =	shalt  }
.Lfunc_end0:
.L_simem_size_0:
called_computation.1_lowered:
.L_overlay_start_0:
0x88: {  	s2 =	sld [smem:$0x3FD9]  }
0x89: {  	s3 =	sld [smem:$0x3FFE];
	_ =	sdelay $0x1  }
0x8a: {  	s1 =	srdreg.scid  }
0x8b: {  	s0 =	sand.u32 $0x1, s1  }
0x8c: {  	s17 =	sshll.u32 s0, $0xA;
	s2 =	sadd.s32 s3, s2  }
0x8d: {  	s2 =	sadd.s32 s2, s17  }
0x8e: {  	[smem:$0x3F9E] =	sst s2  }
0x8f: {  	_ = 	snop  }
0x90: {  	s2 =	sld [smem:$0x3FD0];
	(tm) =	ssettm $0x1  }
0x91: {  	s18 =	sld [smem:$0x3FFB];
	_ =	sdelay $0x3  }
0x92: {  	_ =	strace s18  }
0x93: {  	s3 =	sld [smem:$0x3FFC];
	_ =	sdelay $0x3  }
0x94: {  	_ =	strace s3  }
0x95: {  	s3 =	sld [smem:$0x3FFD];
	_ =	sdelay $0x3  }
0x96: {  	_ =	strace s3  }
0x97: {  	_ =	strace $0x8FFFFFFF  }
0x98: {  	s19 =	sld [smem:$0x3FDB];
	_ =	sdelay $0x1  }
0x99: {  	s4 =	simm.s32 $_scs_section_size  }
0x9a: {  	s5 =	simm.s32 $_size__tile_overlayer_lowered;
	s6 =	simm.s32 $_tile_overlayer_lowered  }
0x9b: {  	s22 =	simm.s32 $0x1BFF;
	s21 =	sshll.u32 s6, $0x1;
	s3 =	sadd.s32 s4, s19  }
0x9c: {  	s7 =	simm.s32 $0x0;
	s20 =	sshll.u32 s5, $0x1;
	s5 =	sadd.s32 s21, s3  }
0x9d: {  	[timem:s7], [sflag:s22] =	dma.local [hbm:s5], s20  }
0x9e: {  	_ =	swait.ge [sflag:s22], s20  }
0x9f: {  	s4 =	ssub.s32 $0x0, s20;
	[sflag:s22] =	ssyncset.done $0x0  }
0xa0: {  	[sflag:s22] =	ssyncadd.s32 s4;
	_ =	sdelay $0x1  }
0xa1: {  	s23 =	simm.s32 $0x1B8B  }
0xa2: {  	_ =	swait.ge [sflag:s23], $0x1  }
0xa3: {  	[sflag:s23] =	ssyncset.done $0x0  }
0xa4: {  	s25 =	simm.s32 $0x1B8E;
	s24 =	sld [smem:$0x3FFE];
	[sflag:s23] =	ssyncadd.s32 $0xFFFFFFFF  }
0xa5: {  	s26 =	simm.s32 $execute0_lowered;
	[smem:$0x3FD2] =	sst s25  }
0xa6: {  	s5 =	sshll.u32 s26, $0x1;
	_ =	strace $0x80000049;
	[dreg:$0x1] =	wrdreg $0xFFFFFFFF  }
0xa7: {  	s28 =	simm.s32 $_size_execute0_lowered;
	s3 =	sadd.s32 s3, s5;
	[dreg:$0x0] =	wrdreg $0x0  }
0xa8: {  	s5 =	sshll.u32 s28, $0x1;
	[dreg:$0x2] =	wrdreg s3  }
0xa9: {  	[dreg:$0x3] =	wrdreg s5  }
0xaa: {  	[dreg:$0x4] =	wrdreg $0xC0  }
0xab: {  	_ =	task [dreg:s7], $0x5FFFF  }
0xac: {  	[dreg:$0x1] =	wrdreg $0xFFFFFFFF  }
0xad: {  	[dreg:$0x0] =	wrdreg $0x60  }
0xae: {  	[dreg:$0x2] =	wrdreg s2  }
0xaf: {  	[dreg:$0x3] =	wrdreg s24  }
0xb0: {  	[dreg:$0x4] =	wrdreg $0x90000  }
0xb1: {  	[dreg:$0x5] =	wrdreg $0x9  }
0xb2: {  	_ =	task.clear_ibuf [dreg:s7], $0x6FFFF;
	_ =	strace $0x90000049  }
0xb3: {  	s29 =	simm.s32 $0x9;
	_ =	strace $0x8000004B  }
0xb4: {  	_ =	swait.ge [sflag:s29], $0x1  }
0xb5: {  	[sflag:s29] =	ssyncadd.s32 $0xFFFFFFFF  }
0xb6: {  	_ =	strace $0x9000004B  }
0xb7: {  	_ =	sfence  }
0xb8: {  	s30 =	sld [smem:$0x0];
	_ =	sdelay $0x2  }
0xb9: {  	s31 =	sshll.u32 s1, $0xD;
	s1 =	sshrl.u32 s1, $0x2  }
0xba: {  	s3 =	sand.u32 $0x4000, s31;
	s1 =	sadd.s32 s1, s30  }
0xbb: {  	s0 =	sor.u32 s3, s0;
	s1 =	sshll.u32 s1, $0x11  }
0xbc: {  	s0 =	sor.u32 s1, s0  }
0xbd: {  	s0 =	sadd.s32 $0x8F2B, s0  }
0xbe: {  	[sflag:s0] =	ssyncadd.remote.s32 $0x1  }
0xbf: {  	_ =	sfence.sel $0xFFFF  }
0xc0: {  	[dreg:$0x0] =	wrdreg $0xFFFFFFFF;
	(pc) =	sbr.abs _section_cstart, $3  }
0xc1: {  	[dreg:$0x1] =	wrdreg $0xFFFFFFFF  }
0xc2: {  	_ =	task.clear_ibuf [dreg:s7], $0x2FFFF;
	_ =	strace $0x9FFFFFFF  }
0xc3: {  	(tm) =	ssettm $0x7FFFFFFF  }
tec
execute0_lowered:
.L_overlay_start_1:
0x0: {  	(tag) =	ssettag $0x1  }
0x1: {  	s1 =	rddreg [dreg:$0x0]  }
0x2: {  	s0 =	srdreg.scid;
	s6 =	rddreg [dreg:$0x1]  }
0x3: {  	s3 =	rddreg [dreg:$0x2];
	s4 =	simm.s32 $0x0;
	s14 =	simm.s32 $0x80  }
0x4: {  	s15 =	simm.s32 $0x5000;
	s5 =	sand.u32 $0x1, s0;
	s0 =	stileid.u32  }
0x5: {  	s16 =	simm.s32 $0x1;
	s17 =	simm.s32 $0x0;
	s8 =	smul.u32 $0x2800, s0  }
0x6: {  	[smem:$0x7FF] =	sst s4;
	s2 =	sshll.u32 s5, $0x4;
	s9 =	smul.u32 $0x28000, s5  }
0x7: {  	s5 =	ssub.s32 $0x2, s5;
	s10 =	smul.u32 $0x50000, s0;
	s12 =	sshll.u32 s0, $0x6  }
0x8: {  	s7 =	sor.u32 s0, s2;
	s2 =	rddreg [dreg:$0x3];
	_ =	strace $0x8000004A  }
0x9: {  	s31 =	sshrl.u32 s5, $0x1;
	s12 =	sor.u32 $0x1C02, s12;
	s7 =	smul.u32 $0x500, s7  }
0xa: {  	s11 =	sadd.s32 s8, s6;
	s8 =	sadd.s32 s8, s9;
	s10 =	sshrl.u32 s10, $0x2  }
0xb: {  	s9 =	ssub.s32 s5, s31;
	s8 =	sadd.s32 s8, s6;
	s13 =	sadd.s32 s10, s3  }
0xc: {  	s9 =	smax.u32 s9, $0x1;
	s10 =	simm.s32 $0x2;
	s7 =	sadd.s32 s7, s6  }
0xd: {  	s8 =	sadd.s32 $0x43200, s8;
	s13 =	sshrl.u32 s13, $0x3;
	s5 =	sadd.s32 $0x11200, s7  }
0xe: {  	s6 =	sadd.s32 $0x7200, s7;
	s7 =	sadd.s32 $0x1B200, s11;
	s11 =	simm.s32 $0x2800  }
.LBB2_1:
0xf: {  	[tilespmem:s4], [sflag:$0x2] =	stream.linear.gather [hbm4b:s5+s4], $0x2780, $0x38;
	[tilespmem:$0x1D000] =	vst v63  }
0x10: {  	_ =	swait.ge [sflag:s10], $0x2780  }
0x11: {  	[sflag:s10] =	ssyncset.done $0x0  }
0x12: {  	[sflag:s10] =	ssyncadd.s32 $0xFFFFD880  }
0x13: {  	[tilespmem:s11], [sflag:$0x2] =	stream.linear.gather [hbm4b:s6+s4], $0x2780, $0x38;
	[tilespmem:$0x1D000] =	vst v63  }
0x14: {  	_ =	swait.ge [sflag:s10], $0x2780  }
0x15: {  	[sflag:s10] =	ssyncset.done $0x0  }
0x16: {  	[sflag:s10] =	ssyncadd.s32 $0xFFFFD880  }
0x17: {  	[spmem:s13], [sflag:s12] =	dma.local [hbm:s7], $0x2800  }
0x18: {  	_ =	swait.ge [sflag:s10], $0x2800  }
0x19: {  	[sflag:s10] =	ssyncset.done $0x0  }
0x1a: {  	[sflag:s10] =	ssyncadd.s32 $0xFFFFD800  }
0x1b: {  	s18 =	simm.s32 $0x0;
	[bflag:$0x0] =	sbarrier.arrive $0xFFFF  }
0x1c: {  	[tilespmem:s15], [sflag:$0x1] =	stream.indirect.gather [hbm4b:s1+s14], $0x80, s18, s14, $0xb8;
	[tilespmem:$0x1D000] =	vst v63  }
0x1d: {  	_ =	swait.ge [sflag:s16], $0x4000  }
0x1e: {  	[sflag:s16] =	ssyncset.done $0x0  }
0x1f: {  	s31 =	simm.s32 $0x2800;
	[sflag:s16] =	ssyncadd.s32 $0xFFFFC000  }
0x20: {  	[spmem:s3] =	stream.indirect.scatter.add.f32 [tilespmem:s15], [sflag:$0x2], $0x80, s31, s14, $0xb8;
	[tilespmem:$0x1D000] =	vst v63  }
0x21: {  	_ =	swait.ge [sflag:s10], $0x4000  }
0x22: {  	s19 =	simm.s32 $0x400;
	s18 =	simm.s32 $0x200;
	[sflag:s10] =	ssyncset.done $0x0  }
.LBB2_2:
0x23: {  	s20 =	sshra.s32 s18, $0x2  }
0x24: {  	[sflag:s10] =	ssyncadd.s32 $0xFFFFC000;
	s18 =	smov.u32 s19;
	s21 =	sadd.s32 $0x200, s19  }
0x25: {  	[tilespmem:s15], [sflag:$0x1] =	stream.indirect.gather [hbm4b:s1+s14], $0x80, s20, s14, $0xb8;
	[tilespmem:$0x1D000] =	vst v63  }
0x26: {  	p0 =	sne.s32 s19, $0x9C00;
	_ =	swait.ge [sflag:s16], $0x4000  }
.Ltmp0:
0x27: {  	[sflag:s16] =	ssyncset.done $0x0;
	(pc) =	sbr.rel @p0 .LBB2_2-.Ltmp0, $4  }
0x28: {  	s19 =	sadd.s32 $0x2800, s20;
	[sflag:s16] =	ssyncadd.s32 $0xFFFFC000  }
0x29: {  	[spmem:s3] =	stream.indirect.scatter.add.f32 [tilespmem:s15], [sflag:$0x2], $0x80, s19, s14, $0xb8;
	[tilespmem:$0x1D000] =	vst v63  }
0x2a: {  	_ =	swait.ge [sflag:s10], $0x4000  }
0x2b: {  	s19 =	smov.u32 s21;
	[sflag:s10] =	ssyncset.done $0x0  }
0x2c: {  	s18 =	sshra.s32 s18, $0x2;
	[sflag:s10] =	ssyncadd.s32 $0xFFFFC000  }
0x2d: {  	[tilespmem:s15], [sflag:$0x1] =	stream.indirect.gather [hbm4b:s1+s14], $0x80, s18, s14, $0xb8;
	[tilespmem:$0x1D000] =	vst v63  }
0x2e: {  	_ =	swait.ge [sflag:s16], $0x4000  }
0x2f: {  	[sflag:s16] =	ssyncset.done $0x0  }
0x30: {  	s18 =	sadd.s32 $0x2800, s18;
	[sflag:s16] =	ssyncadd.s32 $0xFFFFC000  }
0x31: {  	[spmem:s3] =	stream.indirect.scatter.add.f32 [tilespmem:s15], [sflag:$0x2], $0x80, s18, s14, $0xb8;
	[tilespmem:$0x1D000] =	vst v63  }
0x32: {  	_ =	swait.ge [sflag:s10], $0x4000  }
0x33: {  	s17 =	sadd.s32 $0x1, s17;
	[sflag:s10] =	ssyncset.done $0x0  }
0x34: {  	p0 =	sne.s32 s17, s9;
	[sflag:s10] =	ssyncadd.s32 $0xFFFFC000  }
.Ltmp1:
0x35: {  	[bflag:$0x0] =	sbarrier.arrive $0xFFFF;
	(pc) =	sbr.rel @p0 .LBB2_1-.Ltmp1, $4  }
0x36: {  	[hbm:s8], [sflag:s12] =	dma.local [spmem:s13], $0x2800  }
0x37: {  	_ =	swait.ge [sflag:s10], $0x2800  }
0x38: {  	[sflag:s10] =	ssyncset.done $0x0  }
0x39: {  	[sflag:s10] =	ssyncadd.s32 $0xFFFFD800  }
0x3a: {  	_ =	sfence.sel $0x180000  }
0x3b: {  	[bflag:$0x0] =	sbarrier.arrive $0xFFFF  }
0x3c: {  	p0 =	sne.s32 s0, $0x0;
	_ =	strace $0x9000004A  }
0x3d: {  	s0 =	sadd.s32 @!p0 $0x100000, s2;
	[bflag:$0x2] =	sbarrier.arrive $0xFFFF  }
0x3e: {  	[sflag:s0] =	ssyncadd.tile.s32 @!p0 $0x1;
	_ =	shalt  }
.Lfunc_end2:
_tile_overlayer_lowered:
.L_overlay_start_2:
0x3f: {  	(tag) =	ssettag $0x2  }
0x40: {  	s0 =	rddreg [dreg:$0x0];
	s2 =	stileid.u32  }
0x41: {  	s1 =	rddreg [dreg:$0x1];
	p0 =	sne.s32 s2, $0x0  }
0x42: {  	s3 =	rddreg [dreg:$0x2];
	[bflag:$0x3] =	sbarrier.arrive $0xFFFF;
	s2 =	simm.s32 @!p0 $0x1C02  }
0x43: {  	[timem:s3], [sflag:s2] =	dma.local @!p0 [hbm:s0], s1  }
0x44: {  	s0 =	simm.s32 @!p0 $0x2  }
0x45: {  	_ =	swait.ge @!p0 [sflag:s0], s1  }
0x46: {  	s1 =	ssub.s32 @!p0 $0x0, s1;
	[sflag:s0] =	ssyncset.done @!p0 $0x0  }
0x47: {  	[sflag:s0] =	ssyncadd.s32 @!p0 s1  }
0x48: {  	[bflag:$0x3] =	sbarrier.arrive $0xFFFF  }
0x49: {  	_ =	shalt  }

// kernel: kernel.24.cloned.1.call-start
scs
__scs_entry_jumppad:
0x0: {  	(pc) =	sbr.rel $0x88, $3  }
0x1: {  	(tag) =	ssettag $0x0;
	lr =	simm.s32 $0x1  }
0x2: {  	[smem:$0x3F77] =	sst lr;
	_ =	strace $0xD0000000  }
0x3: {  	_ = 	snop  }
0x4: {  	_ = 	snop  }
0x5: {  	_ = 	snop  }
0x6: {  	_ = 	snop  }
0x7: {  	_ = 	snop  }
__scs_overlays_trampoline_lowered:
0x8: {  	[smem:$0x3F86] =	sst s0  }
0x9: {  	[smem:$0x3F87] =	sst s1  }
0xa: {  	[smem:$0x3F88] =	sst s2  }
0xb: {  	[smem:$0x3F89] =	sst s3  }
0xc: {  	[smem:$0x3F8A] =	sst s4  }
0xd: {  	[smem:$0x3F8B] =	sst s5  }
0xe: {  	[smem:$0x3F8C] =	sst s6  }
0xf: {  	[smem:$0x3F8D] =	sst s7  }
0x10: {  	[smem:$0x3F8E] =	sst s8  }
0x11: {  	[smem:$0x3F8F] =	sst s9;
	s0 =	simm.s32 @!p0 $0x0  }
0x12: {  	s1 =	sld [smem:$0x3F75];
	s0 =	simm.s32 @p0 $0x1  }
0x13: {  	[smem:$0x3F90] =	sst s0;
	s0 =	simm.s32 @!p1 $0x0  }
0x14: {  	s2 =	sld [smem:$0x3F74];
	s0 =	simm.s32 @p1 $0x1  }
0x15: {  	[smem:$0x3F91] =	sst s0;
	s0 =	simm.s32 @!p2 $0x0  }
0x16: {  	s3 =	sld [smem:$0x3FDB];
	s0 =	simm.s32 @p2 $0x1  }
0x17: {  	s4 =	simm.s32 $0x1BF5;
	[smem:$0x3F93] =	sst s0  }
0x18: {  	s0 =	sld [smem:$0x3F76];
	_ =	swait.ge [sflag:s4], $0x0  }
0x19: {  	s7 =	sld [smem:$0x3F77]  }
0x1a: {  	s8 =	sadd.s32 $0xFFFFE003, lr  }
0x1b: {  	s9 =	sadd.s32 $0xFFFFFEF7, lr;
	s5 =	simm.s32 $0xFFFFFFFF;
	p2 =	slt.u32 s8, $0xFFFFF086  }
0x1c: {  	p1 =	slt.u32 s9, $0xF7A;
	s5 =	simm.s32 @!p2 $0x0  }
0x1d: {  	s5 =	simm.s32 @p1 $0x1;
	p0 =	seq.s32 s7, s2  }
0x1e: {  	s7 =	smul.u32 @!p0 $0xF7A, s2;
	p2 =	seq.s32 @!p0 s5, $0x0  }
0x1f: {  	s9 =	smul.u32 $0xF7A, s1;
	s8 =	simm.s32 @!p0 $0x1BF5;
	p2 =	por !p2, p0  }
0x20: {  	[sflag:s8] =	ssyncset.s32 @!p0 $0xFFFFF086;
	s6 =	sadd.s32 @!p0 s3, s7;
	s7 =	simm.s32 @!p0 $0x108  }
0x21: {  	s3 =	sadd.s32 s3, s9;
	s6 =	sadd.s32 @!p0 $0x88, s6;
	s7 =	simm.s32 @p2 $0x1082  }
0x22: {  	[simem:s7], [sflag:s8] =	dma.local @!p0 [hbm:s6], $0xF7A  }
0x23: {  	s9 =	sor.u32 $0xD0000000, s2;
	s6 =	simm.s32 $0x108;
	_ =	swait.ge @!p0 [sflag:s8], $0x0  }
0x24: {  	s3 =	sadd.s32 $0x88, s3;
	s6 =	simm.s32 @!p1 $0x1082;
	[sflag:s4] =	ssyncset.s32 $0xFFFFF086  }
0x25: {  	[simem:s6], [sflag:s4] =	dma.local [hbm:s3], $0xF7A  }
0x26: {  	[smem:$0x3F77] =	sst s1;
	(tag) =	ssettag s2;
	_ =	strace s9  }
0x27: {  	s1 =	sld [smem:$0x3F87]  }
0x28: {  	s2 =	sld [smem:$0x3F88]  }
0x29: {  	s4 =	sld [smem:$0x3F8A]  }
0x2a: {  	p0 =	seq.s32 s5, $0x0;
	s5 =	sld [smem:$0x3F8B]  }
0x2b: {  	s6 =	sld [smem:$0x3F8C]  }
0x2c: {  	s7 =	sld [smem:$0x3F8D]  }
0x2d: {  	s3 =	simm.s32 $0x108;
	s8 =	sld [smem:$0x3F8E]  }
0x2e: {  	s3 =	simm.s32 @!p0 $0x1082;
	s9 =	sld [smem:$0x3F8F]  }
0x2f: {  	lr =	sadd.s32 s0, s3;
	s0 =	sld [smem:$0x3F86]  }
0x30: {  	s3 =	sld [smem:$0x3F89]  }
0x31: {  	[smem:$0x3F92] =	sst s10  }
0x32: {  	s10 =	sld [smem:$0x3F90];
	_ =	sdelay $0x3  }
0x33: {  	p0 =	seq.s32 s10, $0x1;
	s10 =	sld [smem:$0x3F92];
	_ =	sdelay $0x3  }
0x34: {  	[smem:$0x3F92] =	sst s10  }
0x35: {  	s10 =	sld [smem:$0x3F91];
	_ =	sdelay $0x3  }
0x36: {  	p1 =	seq.s32 s10, $0x1;
	s10 =	sld [smem:$0x3F92];
	_ =	sdelay $0x3  }
0x37: {  	[smem:$0x3F92] =	sst s10  }
0x38: {  	s10 =	sld [smem:$0x3F93]  }
0x39: {  	_ = 	snop;
	(pc) =	sbr.ind lr, $3  }
0x3a: {  	_ = 	snop  }
0x3b: {  	_ = 	snop  }
0x3c: {  	p2 =	seq.s32 s10, $0x1;
	s10 =	sld [smem:$0x3F92]  }
0x3d: {  	_ =	shalt  }
0x3e: {  	_ =	shalt  }
0x3f: {  	_ =	shalt  }
0x40: {  	_ =	shalt  }
0x41: {  	_ =	shalt  }
0x42: {  	_ =	shalt  }
0x43: {  	_ =	shalt  }
0x44: {  	_ =	shalt  }
0x45: {  	_ =	shalt  }
0x46: {  	_ =	shalt  }
0x47: {  	_ =	shalt  }
0x48: {  	_ =	shalt  }
0x49: {  	_ =	shalt  }
0x4a: {  	_ =	shalt  }
0x4b: {  	_ =	shalt  }
0x4c: {  	_ =	shalt  }
0x4d: {  	_ =	shalt  }
0x4e: {  	_ =	shalt  }
0x4f: {  	_ =	shalt  }
0x50: {  	_ =	shalt  }
0x51: {  	_ =	shalt  }
0x52: {  	_ =	shalt  }
0x53: {  	_ =	shalt  }
0x54: {  	_ =	shalt  }
0x55: {  	_ =	shalt  }
0x56: {  	_ =	shalt  }
0x57: {  	_ =	shalt  }
0x58: {  	_ =	shalt  }
0x59: {  	_ =	shalt  }
0x5a: {  	_ =	shalt  }
0x5b: {  	_ =	shalt  }
0x5c: {  	_ =	shalt  }
0x5d: {  	_ =	shalt  }
0x5e: {  	_ =	shalt  }
0x5f: {  	_ =	shalt  }
0x60: {  	_ =	shalt  }
0x61: {  	_ =	shalt  }
0x62: {  	_ =	shalt  }
0x63: {  	_ =	shalt  }
0x64: {  	_ =	shalt  }
0x65: {  	_ =	shalt  }
0x66: {  	_ =	shalt  }
0x67: {  	_ =	shalt  }
0x68: {  	_ =	shalt  }
0x69: {  	_ =	shalt  }
0x6a: {  	_ =	shalt  }
0x6b: {  	_ =	shalt  }
0x6c: {  	_ =	shalt  }
0x6d: {  	_ =	shalt  }
0x6e: {  	_ =	shalt  }
0x6f: {  	_ =	shalt  }
0x70: {  	_ =	shalt  }
0x71: {  	_ =	shalt  }
0x72: {  	_ =	shalt  }
0x73: {  	_ =	shalt  }
0x74: {  	_ =	shalt  }
0x75: {  	_ =	shalt  }
0x76: {  	_ =	shalt  }
0x77: {  	_ =	shalt  }
0x78: {  	_ =	shalt  }
0x79: {  	_ =	shalt  }
0x7a: {  	_ =	shalt  }
0x7b: {  	_ =	shalt  }
0x7c: {  	_ =	shalt  }
0x7d: {  	_ =	shalt  }
0x7e: {  	_ =	shalt  }
0x7f: {  	_ =	shalt  }
0x80: {  	_ =	shalt  }
0x81: {  	_ =	shalt  }
0x82: {  	_ =	shalt  }
0x83: {  	_ =	shalt  }
0x84: {  	_ =	shalt  }
0x85: {  	_ =	shalt  }
0x86: {  	_ =	shalt  }
0x87: {  	_ =	shalt  }
.Lfunc_end0:
.L_simem_size_0:
called_computation.2_lowered:
.L_overlay_start_0:
0x88: {  	s2 =	sld [smem:$0x3FD9]  }
0x89: {  	s3 =	sld [smem:$0x3FFE];
	_ =	sdelay $0x1  }
0x8a: {  	s1 =	srdreg.scid  }
0x8b: {  	s0 =	sand.u32 $0x1, s1  }
0x8c: {  	s17 =	sshll.u32 s0, $0xA;
	s2 =	sadd.s32 s3, s2  }
0x8d: {  	s2 =	sadd.s32 s2, s17  }
0x8e: {  	[smem:$0x3F9E] =	sst s2  }
0x8f: {  	_ = 	snop  }
0x90: {  	s2 =	sld [smem:$0x3FD0];
	(tm) =	ssettm $0x1  }
0x91: {  	s18 =	sld [smem:$0x3FFB];
	_ =	sdelay $0x3  }
0x92: {  	_ =	strace s18  }
0x93: {  	s3 =	sld [smem:$0x3FFC];
	_ =	sdelay $0x3  }
0x94: {  	_ =	strace s3  }
0x95: {  	s3 =	sld [smem:$0x3FFD];
	_ =	sdelay $0x3  }
0x96: {  	_ =	strace s3  }
0x97: {  	_ =	strace $0x8FFFFFFF  }
0x98: {  	s19 =	sld [smem:$0x3FDB];
	_ =	sdelay $0x1  }
0x99: {  	s4 =	simm.s32 $_scs_section_size  }
0x9a: {  	s5 =	simm.s32 $_size__tile_overlayer_lowered;
	s6 =	simm.s32 $_tile_overlayer_lowered  }
0x9b: {  	s22 =	simm.s32 $0x1BFF;
	s21 =	sshll.u32 s6, $0x1;
	s3 =	sadd.s32 s4, s19  }
0x9c: {  	s7 =	simm.s32 $0x0;
	s20 =	sshll.u32 s5, $0x1;
	s5 =	sadd.s32 s21, s3  }
0x9d: {  	[timem:s7], [sflag:s22] =	dma.local [hbm:s5], s20  }
0x9e: {  	_ =	swait.ge [sflag:s22], s20  }
0x9f: {  	s4 =	ssub.s32 $0x0, s20;
	[sflag:s22] =	ssyncset.done $0x0  }
0xa0: {  	[sflag:s22] =	ssyncadd.s32 s4;
	_ =	sdelay $0x1  }
0xa1: {  	s23 =	simm.s32 $0x1B8B  }
0xa2: {  	_ =	swait.ge [sflag:s23], $0x1  }
0xa3: {  	[sflag:s23] =	ssyncset.done $0x0  }
0xa4: {  	s25 =	simm.s32 $0x1B8E;
	s24 =	sld [smem:$0x3FFE];
	[sflag:s23] =	ssyncadd.s32 $0xFFFFFFFF  }
0xa5: {  	s26 =	simm.s32 $execute0_lowered;
	[smem:$0x3FD2] =	sst s25  }
0xa6: {  	s5 =	sshll.u32 s26, $0x1;
	_ =	strace $0x8000004C;
	[dreg:$0x1] =	wrdreg $0xFFFFFFFF  }
0xa7: {  	s28 =	simm.s32 $_size_execute0_lowered;
	s3 =	sadd.s32 s3, s5;
	[dreg:$0x0] =	wrdreg $0x0  }
0xa8: {  	s5 =	sshll.u32 s28, $0x1;
	[dreg:$0x2] =	wrdreg s3  }
0xa9: {  	[dreg:$0x3] =	wrdreg s5  }
0xaa: {  	[dreg:$0x4] =	wrdreg $0xC0  }
0xab: {  	_ =	task [dreg:s7], $0x5FFFF  }
0xac: {  	[dreg:$0x1] =	wrdreg $0xFFFFFFFF  }
0xad: {  	[dreg:$0x0] =	wrdreg $0x60  }
0xae: {  	[dreg:$0x2] =	wrdreg s2  }
0xaf: {  	[dreg:$0x3] =	wrdreg s24  }
0xb0: {  	[dreg:$0x4] =	wrdreg $0x68000  }
0xb1: {  	[dreg:$0x5] =	wrdreg $0x9  }
0xb2: {  	_ =	task.clear_ibuf [dreg:s7], $0x6FFFF;
	_ =	strace $0x9000004C  }
0xb3: {  	s29 =	simm.s32 $0x9;
	_ =	strace $0x8000004E  }
0xb4: {  	_ =	swait.ge [sflag:s29], $0x1  }
0xb5: {  	[sflag:s29] =	ssyncadd.s32 $0xFFFFFFFF  }
0xb6: {  	_ =	strace $0x9000004E  }
0xb7: {  	_ =	sfence  }
0xb8: {  	s30 =	sld [smem:$0x0];
	_ =	sdelay $0x2  }
0xb9: {  	s31 =	sshll.u32 s1, $0xD;
	s1 =	sshrl.u32 s1, $0x2  }
0xba: {  	s3 =	sand.u32 $0x4000, s31;
	s1 =	sadd.s32 s1, s30  }
0xbb: {  	s0 =	sor.u32 s3, s0;
	s1 =	sshll.u32 s1, $0x11  }
0xbc: {  	s0 =	sor.u32 s1, s0  }
0xbd: {  	s0 =	sadd.s32 $0x8F2B, s0  }
0xbe: {  	[sflag:s0] =	ssyncadd.remote.s32 $0x1  }
0xbf: {  	_ =	sfence.sel $0xFFFF  }
0xc0: {  	[dreg:$0x0] =	wrdreg $0xFFFFFFFF;
	(pc) =	sbr.abs _section_cstart, $3  }
0xc1: {  	[dreg:$0x1] =	wrdreg $0xFFFFFFFF  }
0xc2: {  	_ =	task.clear_ibuf [dreg:s7], $0x2FFFF;
	_ =	strace $0x9FFFFFFF  }
0xc3: {  	(tm) =	ssettm $0x7FFFFFFF  }
tec
execute0_lowered:
.L_overlay_start_1:
0x0: {  	(tag) =	ssettag $0x1  }
0x1: {  	s1 =	rddreg [dreg:$0x0]  }
0x2: {  	s0 =	srdreg.scid;
	s6 =	rddreg [dreg:$0x1]  }
0x3: {  	s3 =	rddreg [dreg:$0x2];
	s4 =	simm.s32 $0x0;
	s14 =	simm.s32 $0x80  }
0x4: {  	s15 =	simm.s32 $0x2800;
	s5 =	sand.u32 $0x1, s0;
	s0 =	stileid.u32  }
0x5: {  	s16 =	simm.s32 $0x1;
	s17 =	simm.s32 $0x0;
	s8 =	smul.u32 $0x2800, s0  }
0x6: {  	[smem:$0x7FF] =	sst s4;
	s2 =	sshll.u32 s5, $0x4;
	s9 =	smul.u32 $0x28000, s5  }
0x7: {  	s5 =	ssub.s32 $0x2, s5;
	s10 =	smul.u32 $0x50000, s0;
	s12 =	sshll.u32 s0, $0x6  }
0x8: {  	s7 =	sor.u32 s0, s2;
	s2 =	rddreg [dreg:$0x3];
	_ =	strace $0x8000004D  }
0x9: {  	s31 =	sshrl.u32 s5, $0x1;
	s12 =	sor.u32 $0x1C02, s12;
	s7 =	smul.u32 $0x280, s7  }
0xa: {  	s11 =	sadd.s32 s8, s6;
	s8 =	sadd.s32 s8, s9;
	s10 =	sshrl.u32 s10, $0x2  }
0xb: {  	s9 =	ssub.s32 s5, s31;
	s8 =	sadd.s32 s8, s6;
	s13 =	sadd.s32 s10, s3  }
0xc: {  	s9 =	smax.u32 s9, $0x1;
	s10 =	simm.s32 $0x2;
	s7 =	sadd.s32 s7, s6  }
0xd: {  	s8 =	sadd.s32 $0x43200, s8;
	s13 =	sshrl.u32 s13, $0x3;
	s5 =	sadd.s32 $0x93200, s7  }
0xe: {  	s6 =	sadd.s32 $0x98200, s7;
	s7 =	sadd.s32 $0x1B200, s11;
	s11 =	simm.s32 $0x1400  }
.LBB2_1:
0xf: {  	[tilespmem:s4], [sflag:$0x2] =	stream.linear.gather [hbm4b:s5+s4], $0x1400, $0x38;
	[tilespmem:$0x1A800] =	vst v63  }
0x10: {  	_ =	swait.ge [sflag:s10], $0x1400  }
0x11: {  	[sflag:s10] =	ssyncset.done $0x0  }
0x12: {  	[sflag:s10] =	ssyncadd.s32 $0xFFFFEC00  }
0x13: {  	[tilespmem:s11], [sflag:$0x2] =	stream.linear.gather [hbm4b:s6+s4], $0x1400, $0x38;
	[tilespmem:$0x1A800] =	vst v63  }
0x14: {  	_ =	swait.ge [sflag:s10], $0x1400  }
0x15: {  	[sflag:s10] =	ssyncset.done $0x0  }
0x16: {  	[sflag:s10] =	ssyncadd.s32 $0xFFFFEC00  }
0x17: {  	[spmem:s13], [sflag:s12] =	dma.local [hbm:s7], $0x2800  }
0x18: {  	_ =	swait.ge [sflag:s10], $0x2800  }
0x19: {  	[sflag:s10] =	ssyncset.done $0x0  }
0x1a: {  	[sflag:s10] =	ssyncadd.s32 $0xFFFFD800  }
0x1b: {  	s18 =	simm.s32 $0x0;
	[bflag:$0x0] =	sbarrier.arrive $0xFFFF  }
0x1c: {  	[tilespmem:s15], [sflag:$0x1] =	stream.indirect.gather [hbm4b:s1+s14], $0x80, s18, s14, $0xb8;
	[tilespmem:$0x1A800] =	vst v63  }
0x1d: {  	_ =	swait.ge [sflag:s16], $0x4000  }
0x1e: {  	[sflag:s16] =	ssyncset.done $0x0  }
0x1f: {  	s31 =	simm.s32 $0x1400;
	[sflag:s16] =	ssyncadd.s32 $0xFFFFC000  }
0x20: {  	[spmem:s3] =	stream.indirect.scatter.add.f32 [tilespmem:s15], [sflag:$0x2], $0x80, s31, s14, $0xb8;
	[tilespmem:$0x1A800] =	vst v63  }
0x21: {  	_ =	swait.ge [sflag:s10], $0x4000  }
0x22: {  	s19 =	simm.s32 $0x400;
	s18 =	simm.s32 $0x200;
	[sflag:s10] =	ssyncset.done $0x0  }
.LBB2_2:
0x23: {  	s20 =	sshra.s32 s18, $0x2  }
0x24: {  	[sflag:s10] =	ssyncadd.s32 $0xFFFFC000;
	s18 =	smov.u32 s19;
	s21 =	sadd.s32 $0x200, s19  }
0x25: {  	[tilespmem:s15], [sflag:$0x1] =	stream.indirect.gather [hbm4b:s1+s14], $0x80, s20, s14, $0xb8;
	[tilespmem:$0x1A800] =	vst v63  }
0x26: {  	p0 =	sne.s32 s19, $0x4E00;
	_ =	swait.ge [sflag:s16], $0x4000  }
.Ltmp0:
0x27: {  	[sflag:s16] =	ssyncset.done $0x0;
	(pc) =	sbr.rel @p0 .LBB2_2-.Ltmp0, $4  }
0x28: {  	s19 =	sadd.s32 $0x1400, s20;
	[sflag:s16] =	ssyncadd.s32 $0xFFFFC000  }
0x29: {  	[spmem:s3] =	stream.indirect.scatter.add.f32 [tilespmem:s15], [sflag:$0x2], $0x80, s19, s14, $0xb8;
	[tilespmem:$0x1A800] =	vst v63  }
0x2a: {  	_ =	swait.ge [sflag:s10], $0x4000  }
0x2b: {  	s19 =	smov.u32 s21;
	[sflag:s10] =	ssyncset.done $0x0  }
0x2c: {  	s18 =	sshra.s32 s18, $0x2;
	[sflag:s10] =	ssyncadd.s32 $0xFFFFC000  }
0x2d: {  	[tilespmem:s15], [sflag:$0x1] =	stream.indirect.gather [hbm4b:s1+s14], $0x80, s18, s14, $0xb8;
	[tilespmem:$0x1A800] =	vst v63  }
0x2e: {  	_ =	swait.ge [sflag:s16], $0x4000  }
0x2f: {  	[sflag:s16] =	ssyncset.done $0x0  }
0x30: {  	s18 =	sadd.s32 $0x1400, s18;
	[sflag:s16] =	ssyncadd.s32 $0xFFFFC000  }
0x31: {  	[spmem:s3] =	stream.indirect.scatter.add.f32 [tilespmem:s15], [sflag:$0x2], $0x80, s18, s14, $0xb8;
	[tilespmem:$0x1A800] =	vst v63  }
0x32: {  	_ =	swait.ge [sflag:s10], $0x4000  }
0x33: {  	s17 =	sadd.s32 $0x1, s17;
	[sflag:s10] =	ssyncset.done $0x0  }
0x34: {  	p0 =	sne.s32 s17, s9;
	[sflag:s10] =	ssyncadd.s32 $0xFFFFC000  }
.Ltmp1:
0x35: {  	[bflag:$0x0] =	sbarrier.arrive $0xFFFF;
	(pc) =	sbr.rel @p0 .LBB2_1-.Ltmp1, $4  }
0x36: {  	[hbm:s8], [sflag:s12] =	dma.local [spmem:s13], $0x2800  }
0x37: {  	_ =	swait.ge [sflag:s10], $0x2800  }
0x38: {  	[sflag:s10] =	ssyncset.done $0x0  }
0x39: {  	[sflag:s10] =	ssyncadd.s32 $0xFFFFD800  }
0x3a: {  	_ =	sfence.sel $0x180000  }
0x3b: {  	[bflag:$0x0] =	sbarrier.arrive $0xFFFF  }
0x3c: {  	p0 =	sne.s32 s0, $0x0;
	_ =	strace $0x9000004D  }
0x3d: {  	s0 =	sadd.s32 @!p0 $0x100000, s2;
	[bflag:$0x2] =	sbarrier.arrive $0xFFFF  }
0x3e: {  	[sflag:s0] =	ssyncadd.tile.s32 @!p0 $0x1;
	_ =	shalt  }
.Lfunc_end2:
_tile_overlayer_lowered:
.L_overlay_start_2:
0x3f: {  	(tag) =	ssettag $0x2  }
0x40: {  	s0 =	rddreg [dreg:$0x0];
	s2 =	stileid.u32  }
0x41: {  	s1 =	rddreg [dreg:$0x1];
	p0 =	sne.s32 s2, $0x0  }
0x42: {  	s3 =	rddreg [dreg:$0x2];
	[bflag:$0x3] =	sbarrier.arrive $0xFFFF;
	s2 =	simm.s32 @!p0 $0x1C02  }
0x43: {  	[timem:s3], [sflag:s2] =	dma.local @!p0 [hbm:s0], s1  }
0x44: {  	s0 =	simm.s32 @!p0 $0x2  }
0x45: {  	_ =	swait.ge @!p0 [sflag:s0], s1  }
0x46: {  	s1 =	ssub.s32 @!p0 $0x0, s1;
	[sflag:s0] =	ssyncset.done @!p0 $0x0  }
0x47: {  	[sflag:s0] =	ssyncadd.s32 @!p0 s1  }
0x48: {  	[bflag:$0x3] =	sbarrier.arrive $0xFFFF  }
0x49: {  	_ =	shalt  }

// kernel: kernel.27.cloned.1.call-start
scs
__scs_entry_jumppad:
0x0: {  	(pc) =	sbr.rel $0x88, $3  }
0x1: {  	(tag) =	ssettag $0x0;
	lr =	simm.s32 $0x1  }
0x2: {  	[smem:$0x3F77] =	sst lr;
	_ =	strace $0xD0000000  }
0x3: {  	_ = 	snop  }
0x4: {  	_ = 	snop  }
0x5: {  	_ = 	snop  }
0x6: {  	_ = 	snop  }
0x7: {  	_ = 	snop  }
__scs_overlays_trampoline_lowered:
0x8: {  	[smem:$0x3F86] =	sst s0  }
0x9: {  	[smem:$0x3F87] =	sst s1  }
0xa: {  	[smem:$0x3F88] =	sst s2  }
0xb: {  	[smem:$0x3F89] =	sst s3  }
0xc: {  	[smem:$0x3F8A] =	sst s4  }
0xd: {  	[smem:$0x3F8B] =	sst s5  }
0xe: {  	[smem:$0x3F8C] =	sst s6  }
0xf: {  	[smem:$0x3F8D] =	sst s7  }
0x10: {  	[smem:$0x3F8E] =	sst s8  }
0x11: {  	[smem:$0x3F8F] =	sst s9;
	s0 =	simm.s32 @!p0 $0x0  }
0x12: {  	s1 =	sld [smem:$0x3F75];
	s0 =	simm.s32 @p0 $0x1  }
0x13: {  	[smem:$0x3F90] =	sst s0;
	s0 =	simm.s32 @!p1 $0x0  }
0x14: {  	s2 =	sld [smem:$0x3F74];
	s0 =	simm.s32 @p1 $0x1  }
0x15: {  	[smem:$0x3F91] =	sst s0;
	s0 =	simm.s32 @!p2 $0x0  }
0x16: {  	s3 =	sld [smem:$0x3FDB];
	s0 =	simm.s32 @p2 $0x1  }
0x17: {  	s4 =	simm.s32 $0x1BF5;
	[smem:$0x3F93] =	sst s0  }
0x18: {  	s0 =	sld [smem:$0x3F76];
	_ =	swait.ge [sflag:s4], $0x0  }
0x19: {  	s7 =	sld [smem:$0x3F77]  }
0x1a: {  	s8 =	sadd.s32 $0xFFFFE003, lr  }
0x1b: {  	s9 =	sadd.s32 $0xFFFFFEF7, lr;
	s5 =	simm.s32 $0xFFFFFFFF;
	p2 =	slt.u32 s8, $0xFFFFF086  }
0x1c: {  	p1 =	slt.u32 s9, $0xF7A;
	s5 =	simm.s32 @!p2 $0x0  }
0x1d: {  	s5 =	simm.s32 @p1 $0x1;
	p0 =	seq.s32 s7, s2  }
0x1e: {  	s7 =	smul.u32 @!p0 $0xF7A, s2;
	p2 =	seq.s32 @!p0 s5, $0x0  }
0x1f: {  	s9 =	smul.u32 $0xF7A, s1;
	s8 =	simm.s32 @!p0 $0x1BF5;
	p2 =	por !p2, p0  }
0x20: {  	[sflag:s8] =	ssyncset.s32 @!p0 $0xFFFFF086;
	s6 =	sadd.s32 @!p0 s3, s7;
	s7 =	simm.s32 @!p0 $0x108  }
0x21: {  	s3 =	sadd.s32 s3, s9;
	s6 =	sadd.s32 @!p0 $0x88, s6;
	s7 =	simm.s32 @p2 $0x1082  }
0x22: {  	[simem:s7], [sflag:s8] =	dma.local @!p0 [hbm:s6], $0xF7A  }
0x23: {  	s9 =	sor.u32 $0xD0000000, s2;
	s6 =	simm.s32 $0x108;
	_ =	swait.ge @!p0 [sflag:s8], $0x0  }
0x24: {  	s3 =	sadd.s32 $0x88, s3;
	s6 =	simm.s32 @!p1 $0x1082;
	[sflag:s4] =	ssyncset.s32 $0xFFFFF086  }
0x25: {  	[simem:s6], [sflag:s4] =	dma.local [hbm:s3], $0xF7A  }
0x26: {  	[smem:$0x3F77] =	sst s1;
	(tag) =	ssettag s2;
	_ =	strace s9  }
0x27: {  	s1 =	sld [smem:$0x3F87]  }
0x28: {  	s2 =	sld [smem:$0x3F88]  }
0x29: {  	s4 =	sld [smem:$0x3F8A]  }
0x2a: {  	p0 =	seq.s32 s5, $0x0;
	s5 =	sld [smem:$0x3F8B]  }
0x2b: {  	s6 =	sld [smem:$0x3F8C]  }
0x2c: {  	s7 =	sld [smem:$0x3F8D]  }
0x2d: {  	s3 =	simm.s32 $0x108;
	s8 =	sld [smem:$0x3F8E]  }
0x2e: {  	s3 =	simm.s32 @!p0 $0x1082;
	s9 =	sld [smem:$0x3F8F]  }
0x2f: {  	lr =	sadd.s32 s0, s3;
	s0 =	sld [smem:$0x3F86]  }
0x30: {  	s3 =	sld [smem:$0x3F89]  }
0x31: {  	[smem:$0x3F92] =	sst s10  }
0x32: {  	s10 =	sld [smem:$0x3F90];
	_ =	sdelay $0x3  }
0x33: {  	p0 =	seq.s32 s10, $0x1;
	s10 =	sld [smem:$0x3F92];
	_ =	sdelay $0x3  }
0x34: {  	[smem:$0x3F92] =	sst s10  }
0x35: {  	s10 =	sld [smem:$0x3F91];
	_ =	sdelay $0x3  }
0x36: {  	p1 =	seq.s32 s10, $0x1;
	s10 =	sld [smem:$0x3F92];
	_ =	sdelay $0x3  }
0x37: {  	[smem:$0x3F92] =	sst s10  }
0x38: {  	s10 =	sld [smem:$0x3F93]  }
0x39: {  	_ = 	snop;
	(pc) =	sbr.ind lr, $3  }
0x3a: {  	_ = 	snop  }
0x3b: {  	_ = 	snop  }
0x3c: {  	p2 =	seq.s32 s10, $0x1;
	s10 =	sld [smem:$0x3F92]  }
0x3d: {  	_ =	shalt  }
0x3e: {  	_ =	shalt  }
0x3f: {  	_ =	shalt  }
0x40: {  	_ =	shalt  }
0x41: {  	_ =	shalt  }
0x42: {  	_ =	shalt  }
0x43: {  	_ =	shalt  }
0x44: {  	_ =	shalt  }
0x45: {  	_ =	shalt  }
0x46: {  	_ =	shalt  }
0x47: {  	_ =	shalt  }
0x48: {  	_ =	shalt  }
0x49: {  	_ =	shalt  }
0x4a: {  	_ =	shalt  }
0x4b: {  	_ =	shalt  }
0x4c: {  	_ =	shalt  }
0x4d: {  	_ =	shalt  }
0x4e: {  	_ =	shalt  }
0x4f: {  	_ =	shalt  }
0x50: {  	_ =	shalt  }
0x51: {  	_ =	shalt  }
0x52: {  	_ =	shalt  }
0x53: {  	_ =	shalt  }
0x54: {  	_ =	shalt  }
0x55: {  	_ =	shalt  }
0x56: {  	_ =	shalt  }
0x57: {  	_ =	shalt  }
0x58: {  	_ =	shalt  }
0x59: {  	_ =	shalt  }
0x5a: {  	_ =	shalt  }
0x5b: {  	_ =	shalt  }
0x5c: {  	_ =	shalt  }
0x5d: {  	_ =	shalt  }
0x5e: {  	_ =	shalt  }
0x5f: {  	_ =	shalt  }
0x60: {  	_ =	shalt  }
0x61: {  	_ =	shalt  }
0x62: {  	_ =	shalt  }
0x63: {  	_ =	shalt  }
0x64: {  	_ =	shalt  }
0x65: {  	_ =	shalt  }
0x66: {  	_ =	shalt  }
0x67: {  	_ =	shalt  }
0x68: {  	_ =	shalt  }
0x69: {  	_ =	shalt  }
0x6a: {  	_ =	shalt  }
0x6b: {  	_ =	shalt  }
0x6c: {  	_ =	shalt  }
0x6d: {  	_ =	shalt  }
0x6e: {  	_ =	shalt  }
0x6f: {  	_ =	shalt  }
0x70: {  	_ =	shalt  }
0x71: {  	_ =	shalt  }
0x72: {  	_ =	shalt  }
0x73: {  	_ =	shalt  }
0x74: {  	_ =	shalt  }
0x75: {  	_ =	shalt  }
0x76: {  	_ =	shalt  }
0x77: {  	_ =	shalt  }
0x78: {  	_ =	shalt  }
0x79: {  	_ =	shalt  }
0x7a: {  	_ =	shalt  }
0x7b: {  	_ =	shalt  }
0x7c: {  	_ =	shalt  }
0x7d: {  	_ =	shalt  }
0x7e: {  	_ =	shalt  }
0x7f: {  	_ =	shalt  }
0x80: {  	_ =	shalt  }
0x81: {  	_ =	shalt  }
0x82: {  	_ =	shalt  }
0x83: {  	_ =	shalt  }
0x84: {  	_ =	shalt  }
0x85: {  	_ =	shalt  }
0x86: {  	_ =	shalt  }
0x87: {  	_ =	shalt  }
.Lfunc_end0:
.L_simem_size_0:
called_computation.3_lowered:
.L_overlay_start_0:
0x88: {  	s2 =	sld [smem:$0x3FD9]  }
0x89: {  	s3 =	sld [smem:$0x3FFE];
	_ =	sdelay $0x1  }
0x8a: {  	s1 =	srdreg.scid  }
0x8b: {  	s0 =	sand.u32 $0x1, s1  }
0x8c: {  	s17 =	sshll.u32 s0, $0xA;
	s2 =	sadd.s32 s3, s2  }
0x8d: {  	s2 =	sadd.s32 s2, s17  }
0x8e: {  	[smem:$0x3F9E] =	sst s2  }
0x8f: {  	_ = 	snop  }
0x90: {  	s2 =	sld [smem:$0x3FD0];
	(tm) =	ssettm $0x1  }
0x91: {  	s18 =	sld [smem:$0x3FFB];
	_ =	sdelay $0x3  }
0x92: {  	_ =	strace s18  }
0x93: {  	s3 =	sld [smem:$0x3FFC];
	_ =	sdelay $0x3  }
0x94: {  	_ =	strace s3  }
0x95: {  	s3 =	sld [smem:$0x3FFD];
	_ =	sdelay $0x3  }
0x96: {  	_ =	strace s3  }
0x97: {  	_ =	strace $0x8FFFFFFF  }
0x98: {  	s19 =	sld [smem:$0x3FDB];
	_ =	sdelay $0x1  }
0x99: {  	s4 =	simm.s32 $_scs_section_size  }
0x9a: {  	s5 =	simm.s32 $_size__tile_overlayer_lowered;
	s6 =	simm.s32 $_tile_overlayer_lowered  }
0x9b: {  	s22 =	simm.s32 $0x1BFF;
	s21 =	sshll.u32 s6, $0x1;
	s3 =	sadd.s32 s4, s19  }
0x9c: {  	s7 =	simm.s32 $0x0;
	s20 =	sshll.u32 s5, $0x1;
	s5 =	sadd.s32 s21, s3  }
0x9d: {  	[timem:s7], [sflag:s22] =	dma.local [hbm:s5], s20  }
0x9e: {  	_ =	swait.ge [sflag:s22], s20  }
0x9f: {  	s4 =	ssub.s32 $0x0, s20;
	[sflag:s22] =	ssyncset.done $0x0  }
0xa0: {  	[sflag:s22] =	ssyncadd.s32 s4;
	_ =	sdelay $0x1  }
0xa1: {  	s23 =	simm.s32 $0x1B8B  }
0xa2: {  	_ =	swait.ge [sflag:s23], $0x1  }
0xa3: {  	[sflag:s23] =	ssyncset.done $0x0  }
0xa4: {  	s25 =	simm.s32 $0x1B8E;
	s24 =	sld [smem:$0x3FFE];
	[sflag:s23] =	ssyncadd.s32 $0xFFFFFFFF  }
0xa5: {  	s26 =	simm.s32 $execute0_lowered;
	[smem:$0x3FD2] =	sst s25  }
0xa6: {  	s5 =	sshll.u32 s26, $0x1;
	_ =	strace $0x8000004F;
	[dreg:$0x1] =	wrdreg $0xFFFFFFFF  }
0xa7: {  	s28 =	simm.s32 $_size_execute0_lowered;
	s3 =	sadd.s32 s3, s5;
	[dreg:$0x0] =	wrdreg $0x0  }
0xa8: {  	s5 =	sshll.u32 s28, $0x1;
	[dreg:$0x2] =	wrdreg s3  }
0xa9: {  	[dreg:$0x3] =	wrdreg s5  }
0xaa: {  	[dreg:$0x4] =	wrdreg $0xC0  }
0xab: {  	_ =	task [dreg:s7], $0x5FFFF  }
0xac: {  	[dreg:$0x1] =	wrdreg $0xFFFFFFFF  }
0xad: {  	[dreg:$0x0] =	wrdreg $0x60  }
0xae: {  	[dreg:$0x2] =	wrdreg s2  }
0xaf: {  	[dreg:$0x3] =	wrdreg s24  }
0xb0: {  	[dreg:$0x4] =	wrdreg $0x90000  }
0xb1: {  	[dreg:$0x5] =	wrdreg $0x9  }
0xb2: {  	_ =	task.clear_ibuf [dreg:s7], $0x6FFFF;
	_ =	strace $0x9000004F  }
0xb3: {  	s29 =	simm.s32 $0x9;
	_ =	strace $0x80000051  }
0xb4: {  	_ =	swait.ge [sflag:s29], $0x1  }
0xb5: {  	[sflag:s29] =	ssyncadd.s32 $0xFFFFFFFF  }
0xb6: {  	_ =	strace $0x90000051  }
0xb7: {  	_ =	sfence  }
0xb8: {  	s30 =	sld [smem:$0x0];
	_ =	sdelay $0x2  }
0xb9: {  	s31 =	sshll.u32 s1, $0xD;
	s1 =	sshrl.u32 s1, $0x2  }
0xba: {  	s3 =	sand.u32 $0x4000, s31;
	s1 =	sadd.s32 s1, s30  }
0xbb: {  	s0 =	sor.u32 s3, s0;
	s1 =	sshll.u32 s1, $0x11  }
0xbc: {  	s0 =	sor.u32 s1, s0  }
0xbd: {  	s0 =	sadd.s32 $0x8F2B, s0  }
0xbe: {  	[sflag:s0] =	ssyncadd.remote.s32 $0x1  }
0xbf: {  	_ =	sfence.sel $0xFFFF  }
0xc0: {  	[dreg:$0x0] =	wrdreg $0xFFFFFFFF;
	(pc) =	sbr.abs _section_cstart, $3  }
0xc1: {  	[dreg:$0x1] =	wrdreg $0xFFFFFFFF  }
0xc2: {  	_ =	task.clear_ibuf [dreg:s7], $0x2FFFF;
	_ =	strace $0x9FFFFFFF  }
0xc3: {  	(tm) =	ssettm $0x7FFFFFFF  }
tec
execute0_lowered:
.L_overlay_start_1:
0x0: {  	(tag) =	ssettag $0x1  }
0x1: {  	s1 =	rddreg [dreg:$0x0]  }
0x2: {  	s0 =	srdreg.scid;
	s6 =	rddreg [dreg:$0x1]  }
0x3: {  	s3 =	rddreg [dreg:$0x2];
	s4 =	simm.s32 $0x0;
	s14 =	simm.s32 $0x80  }
0x4: {  	s15 =	simm.s32 $0x5000;
	s5 =	sand.u32 $0x1, s0;
	s0 =	stileid.u32  }
0x5: {  	s16 =	simm.s32 $0x1;
	s17 =	simm.s32 $0x0;
	s8 =	smul.u32 $0x2800, s0  }
0x6: {  	[smem:$0x7FF] =	sst s4;
	s2 =	sshll.u32 s5, $0x4;
	s9 =	smul.u32 $0x28000, s5  }
0x7: {  	s5 =	ssub.s32 $0x2, s5;
	s10 =	smul.u32 $0x50000, s0;
	s12 =	sshll.u32 s0, $0x6  }
0x8: {  	s7 =	sor.u32 s0, s2;
	s2 =	rddreg [dreg:$0x3];
	_ =	strace $0x80000050  }
0x9: {  	s31 =	sshrl.u32 s5, $0x1;
	s12 =	sor.u32 $0x1C02, s12;
	s7 =	smul.u32 $0x500, s7  }
0xa: {  	s11 =	sadd.s32 s8, s6;
	s8 =	sadd.s32 s8, s9;
	s10 =	sshrl.u32 s10, $0x2  }
0xb: {  	s9 =	ssub.s32 s5, s31;
	s8 =	sadd.s32 s8, s6;
	s13 =	sadd.s32 s10, s3  }
0xc: {  	s9 =	smax.u32 s9, $0x1;
	s10 =	simm.s32 $0x2;
	s7 =	sadd.s32 s7, s6  }
0xd: {  	s8 =	sadd.s32 $0x43200, s8;
	s13 =	sshrl.u32 s13, $0x3;
	s5 =	sadd.s32 $0x11200, s7  }
0xe: {  	s6 =	sadd.s32 $0x7200, s7;
	s7 =	sadd.s32 $0x1B200, s11;
	s11 =	simm.s32 $0x2800  }
.LBB2_1:
0xf: {  	[tilespmem:s4], [sflag:$0x2] =	stream.linear.gather [hbm4b:s5+s4], $0x2780, $0x38;
	[tilespmem:$0x1D000] =	vst v63  }
0x10: {  	_ =	swait.ge [sflag:s10], $0x2780  }
0x11: {  	[sflag:s10] =	ssyncset.done $0x0  }
0x12: {  	[sflag:s10] =	ssyncadd.s32 $0xFFFFD880  }
0x13: {  	[tilespmem:s11], [sflag:$0x2] =	stream.linear.gather [hbm4b:s6+s4], $0x2780, $0x38;
	[tilespmem:$0x1D000] =	vst v63  }
0x14: {  	_ =	swait.ge [sflag:s10], $0x2780  }
0x15: {  	[sflag:s10] =	ssyncset.done $0x0  }
0x16: {  	[sflag:s10] =	ssyncadd.s32 $0xFFFFD880  }
0x17: {  	[spmem:s13], [sflag:s12] =	dma.local [hbm:s7], $0x2800  }
0x18: {  	_ =	swait.ge [sflag:s10], $0x2800  }
0x19: {  	[sflag:s10] =	ssyncset.done $0x0  }
0x1a: {  	[sflag:s10] =	ssyncadd.s32 $0xFFFFD800  }
0x1b: {  	s18 =	simm.s32 $0x0;
	[bflag:$0x0] =	sbarrier.arrive $0xFFFF  }
0x1c: {  	[tilespmem:s15], [sflag:$0x1] =	stream.indirect.gather [hbm4b:s1+s14], $0x80, s18, s14, $0xb8;
	[tilespmem:$0x1D000] =	vst v63  }
0x1d: {  	_ =	swait.ge [sflag:s16], $0x4000  }
0x1e: {  	[sflag:s16] =	ssyncset.done $0x0  }
0x1f: {  	s31 =	simm.s32 $0x2800;
	[sflag:s16] =	ssyncadd.s32 $0xFFFFC000  }
0x20: {  	[spmem:s3] =	stream.indirect.scatter.add.f32 [tilespmem:s15], [sflag:$0x2], $0x80, s31, s14, $0xb8;
	[tilespmem:$0x1D000] =	vst v63  }
0x21: {  	_ =	swait.ge [sflag:s10], $0x4000  }
0x22: {  	s19 =	simm.s32 $0x400;
	s18 =	simm.s32 $0x200;
	[sflag:s10] =	ssyncset.done $0x0  }
.LBB2_2:
0x23: {  	s20 =	sshra.s32 s18, $0x2  }
0x24: {  	[sflag:s10] =	ssyncadd.s32 $0xFFFFC000;
	s18 =	smov.u32 s19;
	s21 =	sadd.s32 $0x200, s19  }
0x25: {  	[tilespmem:s15], [sflag:$0x1] =	stream.indirect.gather [hbm4b:s1+s14], $0x80, s20, s14, $0xb8;
	[tilespmem:$0x1D000] =	vst v63  }
0x26: {  	p0 =	sne.s32 s19, $0x9C00;
	_ =	swait.ge [sflag:s16], $0x4000  }
.Ltmp0:
0x27: {  	[sflag:s16] =	ssyncset.done $0x0;
	(pc) =	sbr.rel @p0 .LBB2_2-.Ltmp0, $4  }
0x28: {  	s19 =	sadd.s32 $0x2800, s20;
	[sflag:s16] =	ssyncadd.s32 $0xFFFFC000  }
0x29: {  	[spmem:s3] =	stream.indirect.scatter.add.f32 [tilespmem:s15], [sflag:$0x2], $0x80, s19, s14, $0xb8;
	[tilespmem:$0x1D000] =	vst v63  }
0x2a: {  	_ =	swait.ge [sflag:s10], $0x4000  }
0x2b: {  	s19 =	smov.u32 s21;
	[sflag:s10] =	ssyncset.done $0x0  }
0x2c: {  	s18 =	sshra.s32 s18, $0x2;
	[sflag:s10] =	ssyncadd.s32 $0xFFFFC000  }
0x2d: {  	[tilespmem:s15], [sflag:$0x1] =	stream.indirect.gather [hbm4b:s1+s14], $0x80, s18, s14, $0xb8;
	[tilespmem:$0x1D000] =	vst v63  }
0x2e: {  	_ =	swait.ge [sflag:s16], $0x4000  }
0x2f: {  	[sflag:s16] =	ssyncset.done $0x0  }
0x30: {  	s18 =	sadd.s32 $0x2800, s18;
	[sflag:s16] =	ssyncadd.s32 $0xFFFFC000  }
0x31: {  	[spmem:s3] =	stream.indirect.scatter.add.f32 [tilespmem:s15], [sflag:$0x2], $0x80, s18, s14, $0xb8;
	[tilespmem:$0x1D000] =	vst v63  }
0x32: {  	_ =	swait.ge [sflag:s10], $0x4000  }
0x33: {  	s17 =	sadd.s32 $0x1, s17;
	[sflag:s10] =	ssyncset.done $0x0  }
0x34: {  	p0 =	sne.s32 s17, s9;
	[sflag:s10] =	ssyncadd.s32 $0xFFFFC000  }
.Ltmp1:
0x35: {  	[bflag:$0x0] =	sbarrier.arrive $0xFFFF;
	(pc) =	sbr.rel @p0 .LBB2_1-.Ltmp1, $4  }
0x36: {  	[hbm:s8], [sflag:s12] =	dma.local [spmem:s13], $0x2800  }
0x37: {  	_ =	swait.ge [sflag:s10], $0x2800  }
0x38: {  	[sflag:s10] =	ssyncset.done $0x0  }
0x39: {  	[sflag:s10] =	ssyncadd.s32 $0xFFFFD800  }
0x3a: {  	_ =	sfence.sel $0x180000  }
0x3b: {  	[bflag:$0x0] =	sbarrier.arrive $0xFFFF  }
0x3c: {  	p0 =	sne.s32 s0, $0x0;
	_ =	strace $0x90000050  }
0x3d: {  	s0 =	sadd.s32 @!p0 $0x100000, s2;
	[bflag:$0x2] =	sbarrier.arrive $0xFFFF  }
0x3e: {  	[sflag:s0] =	ssyncadd.tile.s32 @!p0 $0x1;
	_ =	shalt  }
.Lfunc_end2:
_tile_overlayer_lowered:
.L_overlay_start_2:
0x3f: {  	(tag) =	ssettag $0x2  }
0x40: {  	s0 =	rddreg [dreg:$0x0];
	s2 =	stileid.u32  }
0x41: {  	s1 =	rddreg [dreg:$0x1];
	p0 =	sne.s32 s2, $0x0  }
0x42: {  	s3 =	rddreg [dreg:$0x2];
	[bflag:$0x3] =	sbarrier.arrive $0xFFFF;
	s2 =	simm.s32 @!p0 $0x1C02  }
0x43: {  	[timem:s3], [sflag:s2] =	dma.local @!p0 [hbm:s0], s1  }
0x44: {  	s0 =	simm.s32 @!p0 $0x2  }
0x45: {  	_ =	swait.ge @!p0 [sflag:s0], s1  }
0x46: {  	s1 =	ssub.s32 @!p0 $0x0, s1;
	[sflag:s0] =	ssyncset.done @!p0 $0x0  }
0x47: {  	[sflag:s0] =	ssyncadd.s32 @!p0 s1  }
0x48: {  	[bflag:$0x3] =	sbarrier.arrive $0xFFFF  }
0x49: {  	_ =	shalt  }

// kernel: kernel.30.cloned.1.call-start
scs
__scs_entry_jumppad:
0x0: {  	(pc) =	sbr.rel $0x88, $3  }
0x1: {  	(tag) =	ssettag $0x0;
	lr =	simm.s32 $0x1  }
0x2: {  	[smem:$0x3F77] =	sst lr;
	_ =	strace $0xD0000000  }
0x3: {  	_ = 	snop  }
0x4: {  	_ = 	snop  }
0x5: {  	_ = 	snop  }
0x6: {  	_ = 	snop  }
0x7: {  	_ = 	snop  }
__scs_overlays_trampoline_lowered:
0x8: {  	[smem:$0x3F86] =	sst s0  }
0x9: {  	[smem:$0x3F87] =	sst s1  }
0xa: {  	[smem:$0x3F88] =	sst s2  }
0xb: {  	[smem:$0x3F89] =	sst s3  }
0xc: {  	[smem:$0x3F8A] =	sst s4  }
0xd: {  	[smem:$0x3F8B] =	sst s5  }
0xe: {  	[smem:$0x3F8C] =	sst s6  }
0xf: {  	[smem:$0x3F8D] =	sst s7  }
0x10: {  	[smem:$0x3F8E] =	sst s8  }
0x11: {  	[smem:$0x3F8F] =	sst s9;
	s0 =	simm.s32 @!p0 $0x0  }
0x12: {  	s1 =	sld [smem:$0x3F75];
	s0 =	simm.s32 @p0 $0x1  }
0x13: {  	[smem:$0x3F90] =	sst s0;
	s0 =	simm.s32 @!p1 $0x0  }
0x14: {  	s2 =	sld [smem:$0x3F74];
	s0 =	simm.s32 @p1 $0x1  }
0x15: {  	[smem:$0x3F91] =	sst s0;
	s0 =	simm.s32 @!p2 $0x0  }
0x16: {  	s3 =	sld [smem:$0x3FDB];
	s0 =	simm.s32 @p2 $0x1  }
0x17: {  	s4 =	simm.s32 $0x1BF5;
	[smem:$0x3F93] =	sst s0  }
0x18: {  	s0 =	sld [smem:$0x3F76];
	_ =	swait.ge [sflag:s4], $0x0  }
0x19: {  	s7 =	sld [smem:$0x3F77]  }
0x1a: {  	s8 =	sadd.s32 $0xFFFFE003, lr  }
0x1b: {  	s9 =	sadd.s32 $0xFFFFFEF7, lr;
	s5 =	simm.s32 $0xFFFFFFFF;
	p2 =	slt.u32 s8, $0xFFFFF086  }
0x1c: {  	p1 =	slt.u32 s9, $0xF7A;
	s5 =	simm.s32 @!p2 $0x0  }
0x1d: {  	s5 =	simm.s32 @p1 $0x1;
	p0 =	seq.s32 s7, s2  }
0x1e: {  	s7 =	smul.u32 @!p0 $0xF7A, s2;
	p2 =	seq.s32 @!p0 s5, $0x0  }
0x1f: {  	s9 =	smul.u32 $0xF7A, s1;
	s8 =	simm.s32 @!p0 $0x1BF5;
	p2 =	por !p2, p0  }
0x20: {  	[sflag:s8] =	ssyncset.s32 @!p0 $0xFFFFF086;
	s6 =	sadd.s32 @!p0 s3, s7;
	s7 =	simm.s32 @!p0 $0x108  }
0x21: {  	s3 =	sadd.s32 s3, s9;
	s6 =	sadd.s32 @!p0 $0x88, s6;
	s7 =	simm.s32 @p2 $0x1082  }
0x22: {  	[simem:s7], [sflag:s8] =	dma.local @!p0 [hbm:s6], $0xF7A  }
0x23: {  	s9 =	sor.u32 $0xD0000000, s2;
	s6 =	simm.s32 $0x108;
	_ =	swait.ge @!p0 [sflag:s8], $0x0  }
0x24: {  	s3 =	sadd.s32 $0x88, s3;
	s6 =	simm.s32 @!p1 $0x1082;
	[sflag:s4] =	ssyncset.s32 $0xFFFFF086  }
0x25: {  	[simem:s6], [sflag:s4] =	dma.local [hbm:s3], $0xF7A  }
0x26: {  	[smem:$0x3F77] =	sst s1;
	(tag) =	ssettag s2;
	_ =	strace s9  }
0x27: {  	s1 =	sld [smem:$0x3F87]  }
0x28: {  	s2 =	sld [smem:$0x3F88]  }
0x29: {  	s4 =	sld [smem:$0x3F8A]  }
0x2a: {  	p0 =	seq.s32 s5, $0x0;
	s5 =	sld [smem:$0x3F8B]  }
0x2b: {  	s6 =	sld [smem:$0x3F8C]  }
0x2c: {  	s7 =	sld [smem:$0x3F8D]  }
0x2d: {  	s3 =	simm.s32 $0x108;
	s8 =	sld [smem:$0x3F8E]  }
0x2e: {  	s3 =	simm.s32 @!p0 $0x1082;
	s9 =	sld [smem:$0x3F8F]  }
0x2f: {  	lr =	sadd.s32 s0, s3;
	s0 =	sld [smem:$0x3F86]  }
0x30: {  	s3 =	sld [smem:$0x3F89]  }
0x31: {  	[smem:$0x3F92] =	sst s10  }
0x32: {  	s10 =	sld [smem:$0x3F90];
	_ =	sdelay $0x3  }
0x33: {  	p0 =	seq.s32 s10, $0x1;
	s10 =	sld [smem:$0x3F92];
	_ =	sdelay $0x3  }
0x34: {  	[smem:$0x3F92] =	sst s10  }
0x35: {  	s10 =	sld [smem:$0x3F91];
	_ =	sdelay $0x3  }
0x36: {  	p1 =	seq.s32 s10, $0x1;
	s10 =	sld [smem:$0x3F92];
	_ =	sdelay $0x3  }
0x37: {  	[smem:$0x3F92] =	sst s10  }
0x38: {  	s10 =	sld [smem:$0x3F93]  }
0x39: {  	_ = 	snop;
	(pc) =	sbr.ind lr, $3  }
0x3a: {  	_ = 	snop  }
0x3b: {  	_ = 	snop  }
0x3c: {  	p2 =	seq.s32 s10, $0x1;
	s10 =	sld [smem:$0x3F92]  }
0x3d: {  	_ =	shalt  }
0x3e: {  	_ =	shalt  }
0x3f: {  	_ =	shalt  }
0x40: {  	_ =	shalt  }
0x41: {  	_ =	shalt  }
0x42: {  	_ =	shalt  }
0x43: {  	_ =	shalt  }
0x44: {  	_ =	shalt  }
0x45: {  	_ =	shalt  }
0x46: {  	_ =	shalt  }
0x47: {  	_ =	shalt  }
0x48: {  	_ =	shalt  }
0x49: {  	_ =	shalt  }
0x4a: {  	_ =	shalt  }
0x4b: {  	_ =	shalt  }
0x4c: {  	_ =	shalt  }
0x4d: {  	_ =	shalt  }
0x4e: {  	_ =	shalt  }
0x4f: {  	_ =	shalt  }
0x50: {  	_ =	shalt  }
0x51: {  	_ =	shalt  }
0x52: {  	_ =	shalt  }
0x53: {  	_ =	shalt  }
0x54: {  	_ =	shalt  }
0x55: {  	_ =	shalt  }
0x56: {  	_ =	shalt  }
0x57: {  	_ =	shalt  }
0x58: {  	_ =	shalt  }
0x59: {  	_ =	shalt  }
0x5a: {  	_ =	shalt  }
0x5b: {  	_ =	shalt  }
0x5c: {  	_ =	shalt  }
0x5d: {  	_ =	shalt  }
0x5e: {  	_ =	shalt  }
0x5f: {  	_ =	shalt  }
0x60: {  	_ =	shalt  }
0x61: {  	_ =	shalt  }
0x62: {  	_ =	shalt  }
0x63: {  	_ =	shalt  }
0x64: {  	_ =	shalt  }
0x65: {  	_ =	shalt  }
0x66: {  	_ =	shalt  }
0x67: {  	_ =	shalt  }
0x68: {  	_ =	shalt  }
0x69: {  	_ =	shalt  }
0x6a: {  	_ =	shalt  }
0x6b: {  	_ =	shalt  }
0x6c: {  	_ =	shalt  }
0x6d: {  	_ =	shalt  }
0x6e: {  	_ =	shalt  }
0x6f: {  	_ =	shalt  }
0x70: {  	_ =	shalt  }
0x71: {  	_ =	shalt  }
0x72: {  	_ =	shalt  }
0x73: {  	_ =	shalt  }
0x74: {  	_ =	shalt  }
0x75: {  	_ =	shalt  }
0x76: {  	_ =	shalt  }
0x77: {  	_ =	shalt  }
0x78: {  	_ =	shalt  }
0x79: {  	_ =	shalt  }
0x7a: {  	_ =	shalt  }
0x7b: {  	_ =	shalt  }
0x7c: {  	_ =	shalt  }
0x7d: {  	_ =	shalt  }
0x7e: {  	_ =	shalt  }
0x7f: {  	_ =	shalt  }
0x80: {  	_ =	shalt  }
0x81: {  	_ =	shalt  }
0x82: {  	_ =	shalt  }
0x83: {  	_ =	shalt  }
0x84: {  	_ =	shalt  }
0x85: {  	_ =	shalt  }
0x86: {  	_ =	shalt  }
0x87: {  	_ =	shalt  }
.Lfunc_end0:
.L_simem_size_0:
called_computation.4_lowered:
.L_overlay_start_0:
0x88: {  	s2 =	sld [smem:$0x3FD9]  }
0x89: {  	s3 =	sld [smem:$0x3FFE];
	_ =	sdelay $0x1  }
0x8a: {  	s1 =	srdreg.scid  }
0x8b: {  	s0 =	sand.u32 $0x1, s1  }
0x8c: {  	s17 =	sshll.u32 s0, $0xA;
	s2 =	sadd.s32 s3, s2  }
0x8d: {  	s2 =	sadd.s32 s2, s17  }
0x8e: {  	[smem:$0x3F9E] =	sst s2  }
0x8f: {  	_ = 	snop  }
0x90: {  	s2 =	sld [smem:$0x3FD0];
	(tm) =	ssettm $0x1  }
0x91: {  	s18 =	sld [smem:$0x3FFB];
	_ =	sdelay $0x3  }
0x92: {  	_ =	strace s18  }
0x93: {  	s3 =	sld [smem:$0x3FFC];
	_ =	sdelay $0x3  }
0x94: {  	_ =	strace s3  }
0x95: {  	s3 =	sld [smem:$0x3FFD];
	_ =	sdelay $0x3  }
0x96: {  	_ =	strace s3  }
0x97: {  	_ =	strace $0x8FFFFFFF  }
0x98: {  	s19 =	sld [smem:$0x3FDB];
	_ =	sdelay $0x1  }
0x99: {  	s4 =	simm.s32 $_scs_section_size  }
0x9a: {  	s5 =	simm.s32 $_size__tile_overlayer_lowered;
	s6 =	simm.s32 $_tile_overlayer_lowered  }
0x9b: {  	s22 =	simm.s32 $0x1BFF;
	s21 =	sshll.u32 s6, $0x1;
	s3 =	sadd.s32 s4, s19  }
0x9c: {  	s7 =	simm.s32 $0x0;
	s20 =	sshll.u32 s5, $0x1;
	s5 =	sadd.s32 s21, s3  }
0x9d: {  	[timem:s7], [sflag:s22] =	dma.local [hbm:s5], s20  }
0x9e: {  	_ =	swait.ge [sflag:s22], s20  }
0x9f: {  	s4 =	ssub.s32 $0x0, s20;
	[sflag:s22] =	ssyncset.done $0x0  }
0xa0: {  	[sflag:s22] =	ssyncadd.s32 s4;
	_ =	sdelay $0x1  }
0xa1: {  	s23 =	simm.s32 $0x1B8B  }
0xa2: {  	_ =	swait.ge [sflag:s23], $0x1  }
0xa3: {  	[sflag:s23] =	ssyncset.done $0x0  }
0xa4: {  	s25 =	simm.s32 $0x1B8E;
	s24 =	sld [smem:$0x3FFE];
	[sflag:s23] =	ssyncadd.s32 $0xFFFFFFFF  }
0xa5: {  	s26 =	simm.s32 $execute0_lowered;
	[smem:$0x3FD2] =	sst s25  }
0xa6: {  	s5 =	sshll.u32 s26, $0x1;
	_ =	strace $0x80000052;
	[dreg:$0x1] =	wrdreg $0xFFFFFFFF  }
0xa7: {  	s28 =	simm.s32 $_size_execute0_lowered;
	s3 =	sadd.s32 s3, s5;
	[dreg:$0x0] =	wrdreg $0x0  }
0xa8: {  	s5 =	sshll.u32 s28, $0x1;
	[dreg:$0x2] =	wrdreg s3  }
0xa9: {  	[dreg:$0x3] =	wrdreg s5  }
0xaa: {  	[dreg:$0x4] =	wrdreg $0xC0  }
0xab: {  	_ =	task [dreg:s7], $0x5FFFF  }
0xac: {  	[dreg:$0x1] =	wrdreg $0xFFFFFFFF  }
0xad: {  	[dreg:$0x0] =	wrdreg $0x60  }
0xae: {  	[dreg:$0x2] =	wrdreg s2  }
0xaf: {  	[dreg:$0x3] =	wrdreg s24  }
0xb0: {  	[dreg:$0x4] =	wrdreg $0x90000  }
0xb1: {  	[dreg:$0x5] =	wrdreg $0x9  }
0xb2: {  	_ =	task.clear_ibuf [dreg:s7], $0x6FFFF;
	_ =	strace $0x90000052  }
0xb3: {  	s29 =	simm.s32 $0x9;
	_ =	strace $0x80000054  }
0xb4: {  	_ =	swait.ge [sflag:s29], $0x1  }
0xb5: {  	[sflag:s29] =	ssyncadd.s32 $0xFFFFFFFF  }
0xb6: {  	_ =	strace $0x90000054  }
0xb7: {  	_ =	sfence  }
0xb8: {  	s30 =	sld [smem:$0x0];
	_ =	sdelay $0x2  }
0xb9: {  	s31 =	sshll.u32 s1, $0xD;
	s1 =	sshrl.u32 s1, $0x2  }
0xba: {  	s3 =	sand.u32 $0x4000, s31;
	s1 =	sadd.s32 s1, s30  }
0xbb: {  	s0 =	sor.u32 s3, s0;
	s1 =	sshll.u32 s1, $0x11  }
0xbc: {  	s0 =	sor.u32 s1, s0  }
0xbd: {  	s0 =	sadd.s32 $0x8F2B, s0  }
0xbe: {  	[sflag:s0] =	ssyncadd.remote.s32 $0x1  }
0xbf: {  	_ =	sfence.sel $0xFFFF  }
0xc0: {  	[dreg:$0x0] =	wrdreg $0xFFFFFFFF;
	(pc) =	sbr.abs _section_cstart, $3  }
0xc1: {  	[dreg:$0x1] =	wrdreg $0xFFFFFFFF  }
0xc2: {  	_ =	task.clear_ibuf [dreg:s7], $0x2FFFF;
	_ =	strace $0x9FFFFFFF  }
0xc3: {  	(tm) =	ssettm $0x7FFFFFFF  }
tec
execute0_lowered:
.L_overlay_start_1:
0x0: {  	(tag) =	ssettag $0x1  }
0x1: {  	s1 =	rddreg [dreg:$0x0]  }
0x2: {  	s0 =	srdreg.scid;
	s6 =	rddreg [dreg:$0x1]  }
0x3: {  	s3 =	rddreg [dreg:$0x2];
	s4 =	simm.s32 $0x0;
	s14 =	simm.s32 $0x80  }
0x4: {  	s15 =	simm.s32 $0x5000;
	s5 =	sand.u32 $0x1, s0;
	s0 =	stileid.u32  }
0x5: {  	s16 =	simm.s32 $0x1;
	s17 =	simm.s32 $0x0;
	s8 =	smul.u32 $0x2800, s0  }
0x6: {  	[smem:$0x7FF] =	sst s4;
	s2 =	sshll.u32 s5, $0x4;
	s9 =	smul.u32 $0x28000, s5  }
0x7: {  	s5 =	ssub.s32 $0x2, s5;
	s10 =	smul.u32 $0x50000, s0;
	s12 =	sshll.u32 s0, $0x6  }
0x8: {  	s7 =	sor.u32 s0, s2;
	s2 =	rddreg [dreg:$0x3];
	_ =	strace $0x80000053  }
0x9: {  	s31 =	sshrl.u32 s5, $0x1;
	s12 =	sor.u32 $0x1C02, s12;
	s7 =	smul.u32 $0x500, s7  }
0xa: {  	s11 =	sadd.s32 s8, s6;
	s8 =	sadd.s32 s8, s9;
	s10 =	sshrl.u32 s10, $0x2  }
0xb: {  	s9 =	ssub.s32 s5, s31;
	s8 =	sadd.s32 s8, s6;
	s13 =	sadd.s32 s10, s3  }
0xc: {  	s9 =	smax.u32 s9, $0x1;
	s10 =	simm.s32 $0x2;
	s7 =	sadd.s32 s7, s6  }
0xd: {  	s8 =	sadd.s32 $0x43200, s8;
	s13 =	sshrl.u32 s13, $0x3;
	s5 =	sadd.s32 $0x11200, s7  }
0xe: {  	s6 =	sadd.s32 $0x7200, s7;
	s7 =	sadd.s32 $0x1B200, s11;
	s11 =	simm.s32 $0x2800  }
.LBB2_1:
0xf: {  	[tilespmem:s4], [sflag:$0x2] =	stream.linear.gather [hbm4b:s5+s4], $0x2780, $0x38;
	[tilespmem:$0x1D000] =	vst v63  }
0x10: {  	_ =	swait.ge [sflag:s10], $0x2780  }
0x11: {  	[sflag:s10] =	ssyncset.done $0x0  }
0x12: {  	[sflag:s10] =	ssyncadd.s32 $0xFFFFD880  }
0x13: {  	[tilespmem:s11], [sflag:$0x2] =	stream.linear.gather [hbm4b:s6+s4], $0x2780, $0x38;
	[tilespmem:$0x1D000] =	vst v63  }
0x14: {  	_ =	swait.ge [sflag:s10], $0x2780  }
0x15: {  	[sflag:s10] =	ssyncset.done $0x0  }
0x16: {  	[sflag:s10] =	ssyncadd.s32 $0xFFFFD880  }
0x17: {  	[spmem:s13], [sflag:s12] =	dma.local [hbm:s7], $0x2800  }
0x18: {  	_ =	swait.ge [sflag:s10], $0x2800  }
0x19: {  	[sflag:s10] =	ssyncset.done $0x0  }
0x1a: {  	[sflag:s10] =	ssyncadd.s32 $0xFFFFD800  }
0x1b: {  	s18 =	simm.s32 $0x0;
	[bflag:$0x0] =	sbarrier.arrive $0xFFFF  }
0x1c: {  	[tilespmem:s15], [sflag:$0x1] =	stream.indirect.gather [hbm4b:s1+s14], $0x80, s18, s14, $0xb8;
	[tilespmem:$0x1D000] =	vst v63  }
0x1d: {  	_ =	swait.ge [sflag:s16], $0x4000  }
0x1e: {  	[sflag:s16] =	ssyncset.done $0x0  }
0x1f: {  	s31 =	simm.s32 $0x2800;
	[sflag:s16] =	ssyncadd.s32 $0xFFFFC000  }
0x20: {  	[spmem:s3] =	stream.indirect.scatter.add.f32 [tilespmem:s15], [sflag:$0x2], $0x80, s31, s14, $0xb8;
	[tilespmem:$0x1D000] =	vst v63  }
0x21: {  	_ =	swait.ge [sflag:s10], $0x4000  }
0x22: {  	s19 =	simm.s32 $0x400;
	s18 =	simm.s32 $0x200;
	[sflag:s10] =	ssyncset.done $0x0  }
.LBB2_2:
0x23: {  	s20 =	sshra.s32 s18, $0x2  }
0x24: {  	[sflag:s10] =	ssyncadd.s32 $0xFFFFC000;
	s18 =	smov.u32 s19;
	s21 =	sadd.s32 $0x200, s19  }
0x25: {  	[tilespmem:s15], [sflag:$0x1] =	stream.indirect.gather [hbm4b:s1+s14], $0x80, s20, s14, $0xb8;
	[tilespmem:$0x1D000] =	vst v63  }
0x26: {  	p0 =	sne.s32 s19, $0x9C00;
	_ =	swait.ge [sflag:s16], $0x4000  }
.Ltmp0:
0x27: {  	[sflag:s16] =	ssyncset.done $0x0;
	(pc) =	sbr.rel @p0 .LBB2_2-.Ltmp0, $4  }
0x28: {  	s19 =	sadd.s32 $0x2800, s20;
	[sflag:s16] =	ssyncadd.s32 $0xFFFFC000  }
0x29: {  	[spmem:s3] =	stream.indirect.scatter.add.f32 [tilespmem:s15], [sflag:$0x2], $0x80, s19, s14, $0xb8;
	[tilespmem:$0x1D000] =	vst v63  }
0x2a: {  	_ =	swait.ge [sflag:s10], $0x4000  }
0x2b: {  	s19 =	smov.u32 s21;
	[sflag:s10] =	ssyncset.done $0x0  }
0x2c: {  	s18 =	sshra.s32 s18, $0x2;
	[sflag:s10] =	ssyncadd.s32 $0xFFFFC000  }
0x2d: {  	[tilespmem:s15], [sflag:$0x1] =	stream.indirect.gather [hbm4b:s1+s14], $0x80, s18, s14, $0xb8;
	[tilespmem:$0x1D000] =	vst v63  }
0x2e: {  	_ =	swait.ge [sflag:s16], $0x4000  }
0x2f: {  	[sflag:s16] =	ssyncset.done $0x0  }
0x30: {  	s18 =	sadd.s32 $0x2800, s18;
	[sflag:s16] =	ssyncadd.s32 $0xFFFFC000  }
0x31: {  	[spmem:s3] =	stream.indirect.scatter.add.f32 [tilespmem:s15], [sflag:$0x2], $0x80, s18, s14, $0xb8;
	[tilespmem:$0x1D000] =	vst v63  }
0x32: {  	_ =	swait.ge [sflag:s10], $0x4000  }
0x33: {  	s17 =	sadd.s32 $0x1, s17;
	[sflag:s10] =	ssyncset.done $0x0  }
0x34: {  	p0 =	sne.s32 s17, s9;
	[sflag:s10] =	ssyncadd.s32 $0xFFFFC000  }
.Ltmp1:
0x35: {  	[bflag:$0x0] =	sbarrier.arrive $0xFFFF;
	(pc) =	sbr.rel @p0 .LBB2_1-.Ltmp1, $4  }
0x36: {  	[hbm:s8], [sflag:s12] =	dma.local [spmem:s13], $0x2800  }
0x37: {  	_ =	swait.ge [sflag:s10], $0x2800  }
0x38: {  	[sflag:s10] =	ssyncset.done $0x0  }
0x39: {  	[sflag:s10] =	ssyncadd.s32 $0xFFFFD800  }
0x3a: {  	_ =	sfence.sel $0x180000  }
0x3b: {  	[bflag:$0x0] =	sbarrier.arrive $0xFFFF  }
0x3c: {  	p0 =	sne.s32 s0, $0x0;
	_ =	strace $0x90000053  }
0x3d: {  	s0 =	sadd.s32 @!p0 $0x100000, s2;
	[bflag:$0x2] =	sbarrier.arrive $0xFFFF  }
0x3e: {  	[sflag:s0] =	ssyncadd.tile.s32 @!p0 $0x1;
	_ =	shalt  }
.Lfunc_end2:
_tile_overlayer_lowered:
.L_overlay_start_2:
0x3f: {  	(tag) =	ssettag $0x2  }
0x40: {  	s0 =	rddreg [dreg:$0x0];
	s2 =	stileid.u32  }
0x41: {  	s1 =	rddreg [dreg:$0x1];
	p0 =	sne.s32 s2, $0x0  }
0x42: {  	s3 =	rddreg [dreg:$0x2];
	[bflag:$0x3] =	sbarrier.arrive $0xFFFF;
	s2 =	simm.s32 @!p0 $0x1C02  }
0x43: {  	[timem:s3], [sflag:s2] =	dma.local @!p0 [hbm:s0], s1  }
0x44: {  	s0 =	simm.s32 @!p0 $0x2  }
0x45: {  	_ =	swait.ge @!p0 [sflag:s0], s1  }
0x46: {  	s1 =	ssub.s32 @!p0 $0x0, s1;
	[sflag:s0] =	ssyncset.done @!p0 $0x0  }
0x47: {  	[sflag:s0] =	ssyncadd.s32 @!p0 s1  }
0x48: {  	[bflag:$0x3] =	sbarrier.arrive $0xFFFF  }
0x49: {  	_ =	shalt  }

// kernel: kernel.33.cloned.1.call-start
scs
__scs_entry_jumppad:
0x0: {  	(pc) =	sbr.rel $0x88, $3  }
0x1: {  	(tag) =	ssettag $0x0;
	lr =	simm.s32 $0x1  }
0x2: {  	[smem:$0x3F77] =	sst lr;
	_ =	strace $0xD0000000  }
0x3: {  	_ = 	snop  }
0x4: {  	_ = 	snop  }
0x5: {  	_ = 	snop  }
0x6: {  	_ = 	snop  }
0x7: {  	_ = 	snop  }
__scs_overlays_trampoline_lowered:
0x8: {  	[smem:$0x3F86] =	sst s0  }
0x9: {  	[smem:$0x3F87] =	sst s1  }
0xa: {  	[smem:$0x3F88] =	sst s2  }
0xb: {  	[smem:$0x3F89] =	sst s3  }
0xc: {  	[smem:$0x3F8A] =	sst s4  }
0xd: {  	[smem:$0x3F8B] =	sst s5  }
0xe: {  	[smem:$0x3F8C] =	sst s6  }
0xf: {  	[smem:$0x3F8D] =	sst s7  }
0x10: {  	[smem:$0x3F8E] =	sst s8  }
0x11: {  	[smem:$0x3F8F] =	sst s9;
	s0 =	simm.s32 @!p0 $0x0  }
0x12: {  	s1 =	sld [smem:$0x3F75];
	s0 =	simm.s32 @p0 $0x1  }
0x13: {  	[smem:$0x3F90] =	sst s0;
	s0 =	simm.s32 @!p1 $0x0  }
0x14: {  	s2 =	sld [smem:$0x3F74];
	s0 =	simm.s32 @p1 $0x1  }
0x15: {  	[smem:$0x3F91] =	sst s0;
	s0 =	simm.s32 @!p2 $0x0  }
0x16: {  	s3 =	sld [smem:$0x3FDB];
	s0 =	simm.s32 @p2 $0x1  }
0x17: {  	s4 =	simm.s32 $0x1BF5;
	[smem:$0x3F93] =	sst s0  }
0x18: {  	s0 =	sld [smem:$0x3F76];
	_ =	swait.ge [sflag:s4], $0x0  }
0x19: {  	s7 =	sld [smem:$0x3F77]  }
0x1a: {  	s8 =	sadd.s32 $0xFFFFE003, lr  }
0x1b: {  	s9 =	sadd.s32 $0xFFFFFEF7, lr;
	s5 =	simm.s32 $0xFFFFFFFF;
	p2 =	slt.u32 s8, $0xFFFFF086  }
0x1c: {  	p1 =	slt.u32 s9, $0xF7A;
	s5 =	simm.s32 @!p2 $0x0  }
0x1d: {  	s5 =	simm.s32 @p1 $0x1;
	p0 =	seq.s32 s7, s2  }
0x1e: {  	s7 =	smul.u32 @!p0 $0xF7A, s2;
	p2 =	seq.s32 @!p0 s5, $0x0  }
0x1f: {  	s9 =	smul.u32 $0xF7A, s1;
	s8 =	simm.s32 @!p0 $0x1BF5;
	p2 =	por !p2, p0  }
0x20: {  	[sflag:s8] =	ssyncset.s32 @!p0 $0xFFFFF086;
	s6 =	sadd.s32 @!p0 s3, s7;
	s7 =	simm.s32 @!p0 $0x108  }
0x21: {  	s3 =	sadd.s32 s3, s9;
	s6 =	sadd.s32 @!p0 $0x88, s6;
	s7 =	simm.s32 @p2 $0x1082  }
0x22: {  	[simem:s7], [sflag:s8] =	dma.local @!p0 [hbm:s6], $0xF7A  }
0x23: {  	s9 =	sor.u32 $0xD0000000, s2;
	s6 =	simm.s32 $0x108;
	_ =	swait.ge @!p0 [sflag:s8], $0x0  }
0x24: {  	s3 =	sadd.s32 $0x88, s3;
	s6 =	simm.s32 @!p1 $0x1082;
	[sflag:s4] =	ssyncset.s32 $0xFFFFF086  }
0x25: {  	[simem:s6], [sflag:s4] =	dma.local [hbm:s3], $0xF7A  }
0x26: {  	[smem:$0x3F77] =	sst s1;
	(tag) =	ssettag s2;
	_ =	strace s9  }
0x27: {  	s1 =	sld [smem:$0x3F87]  }
0x28: {  	s2 =	sld [smem:$0x3F88]  }
0x29: {  	s4 =	sld [smem:$0x3F8A]  }
0x2a: {  	p0 =	seq.s32 s5, $0x0;
	s5 =	sld [smem:$0x3F8B]  }
0x2b: {  	s6 =	sld [smem:$0x3F8C]  }
0x2c: {  	s7 =	sld [smem:$0x3F8D]  }
0x2d: {  	s3 =	simm.s32 $0x108;
	s8 =	sld [smem:$0x3F8E]  }
0x2e: {  	s3 =	simm.s32 @!p0 $0x1082;
	s9 =	sld [smem:$0x3F8F]  }
0x2f: {  	lr =	sadd.s32 s0, s3;
	s0 =	sld [smem:$0x3F86]  }
0x30: {  	s3 =	sld [smem:$0x3F89]  }
0x31: {  	[smem:$0x3F92] =	sst s10  }
0x32: {  	s10 =	sld [smem:$0x3F90];
	_ =	sdelay $0x3  }
0x33: {  	p0 =	seq.s32 s10, $0x1;
	s10 =	sld [smem:$0x3F92];
	_ =	sdelay $0x3  }
0x34: {  	[smem:$0x3F92] =	sst s10  }
0x35: {  	s10 =	sld [smem:$0x3F91];
	_ =	sdelay $0x3  }
0x36: {  	p1 =	seq.s32 s10, $0x1;
	s10 =	sld [smem:$0x3F92];
	_ =	sdelay $0x3  }
0x37: {  	[smem:$0x3F92] =	sst s10  }
0x38: {  	s10 =	sld [smem:$0x3F93]  }
0x39: {  	_ = 	snop;
	(pc) =	sbr.ind lr, $3  }
0x3a: {  	_ = 	snop  }
0x3b: {  	_ = 	snop  }
0x3c: {  	p2 =	seq.s32 s10, $0x1;
	s10 =	sld [smem:$0x3F92]  }
0x3d: {  	_ =	shalt  }
0x3e: {  	_ =	shalt  }
0x3f: {  	_ =	shalt  }
0x40: {  	_ =	shalt  }
0x41: {  	_ =	shalt  }
0x42: {  	_ =	shalt  }
0x43: {  	_ =	shalt  }
0x44: {  	_ =	shalt  }
0x45: {  	_ =	shalt  }
0x46: {  	_ =	shalt  }
0x47: {  	_ =	shalt  }
0x48: {  	_ =	shalt  }
0x49: {  	_ =	shalt  }
0x4a: {  	_ =	shalt  }
0x4b: {  	_ =	shalt  }
0x4c: {  	_ =	shalt  }
0x4d: {  	_ =	shalt  }
0x4e: {  	_ =	shalt  }
0x4f: {  	_ =	shalt  }
0x50: {  	_ =	shalt  }
0x51: {  	_ =	shalt  }
0x52: {  	_ =	shalt  }
0x53: {  	_ =	shalt  }
0x54: {  	_ =	shalt  }
0x55: {  	_ =	shalt  }
0x56: {  	_ =	shalt  }
0x57: {  	_ =	shalt  }
0x58: {  	_ =	shalt  }
0x59: {  	_ =	shalt  }
0x5a: {  	_ =	shalt  }
0x5b: {  	_ =	shalt  }
0x5c: {  	_ =	shalt  }
0x5d: {  	_ =	shalt  }
0x5e: {  	_ =	shalt  }
0x5f: {  	_ =	shalt  }
0x60: {  	_ =	shalt  }
0x61: {  	_ =	shalt  }
0x62: {  	_ =	shalt  }
0x63: {  	_ =	shalt  }
0x64: {  	_ =	shalt  }
0x65: {  	_ =	shalt  }
0x66: {  	_ =	shalt  }
0x67: {  	_ =	shalt  }
0x68: {  	_ =	shalt  }
0x69: {  	_ =	shalt  }
0x6a: {  	_ =	shalt  }
0x6b: {  	_ =	shalt  }
0x6c: {  	_ =	shalt  }
0x6d: {  	_ =	shalt  }
0x6e: {  	_ =	shalt  }
0x6f: {  	_ =	shalt  }
0x70: {  	_ =	shalt  }
0x71: {  	_ =	shalt  }
0x72: {  	_ =	shalt  }
0x73: {  	_ =	shalt  }
0x74: {  	_ =	shalt  }
0x75: {  	_ =	shalt  }
0x76: {  	_ =	shalt  }
0x77: {  	_ =	shalt  }
0x78: {  	_ =	shalt  }
0x79: {  	_ =	shalt  }
0x7a: {  	_ =	shalt  }
0x7b: {  	_ =	shalt  }
0x7c: {  	_ =	shalt  }
0x7d: {  	_ =	shalt  }
0x7e: {  	_ =	shalt  }
0x7f: {  	_ =	shalt  }
0x80: {  	_ =	shalt  }
0x81: {  	_ =	shalt  }
0x82: {  	_ =	shalt  }
0x83: {  	_ =	shalt  }
0x84: {  	_ =	shalt  }
0x85: {  	_ =	shalt  }
0x86: {  	_ =	shalt  }
0x87: {  	_ =	shalt  }
.Lfunc_end0:
.L_simem_size_0:
called_computation.5_lowered:
.L_overlay_start_0:
0x88: {  	s2 =	sld [smem:$0x3FD9]  }
0x89: {  	s3 =	sld [smem:$0x3FFE];
	_ =	sdelay $0x1  }
0x8a: {  	s1 =	srdreg.scid  }
0x8b: {  	s0 =	sand.u32 $0x1, s1  }
0x8c: {  	s17 =	sshll.u32 s0, $0xA;
	s2 =	sadd.s32 s3, s2  }
0x8d: {  	s2 =	sadd.s32 s2, s17  }
0x8e: {  	[smem:$0x3F9E] =	sst s2  }
0x8f: {  	_ = 	snop  }
0x90: {  	s2 =	sld [smem:$0x3FD0];
	(tm) =	ssettm $0x1  }
0x91: {  	s18 =	sld [smem:$0x3FFB];
	_ =	sdelay $0x3  }
0x92: {  	_ =	strace s18  }
0x93: {  	s3 =	sld [smem:$0x3FFC];
	_ =	sdelay $0x3  }
0x94: {  	_ =	strace s3  }
0x95: {  	s3 =	sld [smem:$0x3FFD];
	_ =	sdelay $0x3  }
0x96: {  	_ =	strace s3  }
0x97: {  	_ =	strace $0x8FFFFFFF  }
0x98: {  	s19 =	sld [smem:$0x3FDB];
	_ =	sdelay $0x1  }
0x99: {  	s4 =	simm.s32 $_scs_section_size  }
0x9a: {  	s5 =	simm.s32 $_size__tile_overlayer_lowered;
	s6 =	simm.s32 $_tile_overlayer_lowered  }
0x9b: {  	s22 =	simm.s32 $0x1BFF;
	s21 =	sshll.u32 s6, $0x1;
	s3 =	sadd.s32 s4, s19  }
0x9c: {  	s7 =	simm.s32 $0x0;
	s20 =	sshll.u32 s5, $0x1;
	s5 =	sadd.s32 s21, s3  }
0x9d: {  	[timem:s7], [sflag:s22] =	dma.local [hbm:s5], s20  }
0x9e: {  	_ =	swait.ge [sflag:s22], s20  }
0x9f: {  	s4 =	ssub.s32 $0x0, s20;
	[sflag:s22] =	ssyncset.done $0x0  }
0xa0: {  	[sflag:s22] =	ssyncadd.s32 s4;
	_ =	sdelay $0x1  }
0xa1: {  	s23 =	simm.s32 $0x1B8B  }
0xa2: {  	_ =	swait.ge [sflag:s23], $0x1  }
0xa3: {  	[sflag:s23] =	ssyncset.done $0x0  }
0xa4: {  	s25 =	simm.s32 $0x1B8E;
	s24 =	sld [smem:$0x3FFE];
	[sflag:s23] =	ssyncadd.s32 $0xFFFFFFFF  }
0xa5: {  	s26 =	simm.s32 $execute0_lowered;
	[smem:$0x3FD2] =	sst s25  }
0xa6: {  	s5 =	sshll.u32 s26, $0x1;
	_ =	strace $0x80000055;
	[dreg:$0x1] =	wrdreg $0xFFFFFFFF  }
0xa7: {  	s28 =	simm.s32 $_size_execute0_lowered;
	s3 =	sadd.s32 s3, s5;
	[dreg:$0x0] =	wrdreg $0x0  }
0xa8: {  	s5 =	sshll.u32 s28, $0x1;
	[dreg:$0x2] =	wrdreg s3  }
0xa9: {  	[dreg:$0x3] =	wrdreg s5  }
0xaa: {  	[dreg:$0x4] =	wrdreg $0xC0  }
0xab: {  	_ =	task [dreg:s7], $0x5FFFF  }
0xac: {  	[dreg:$0x1] =	wrdreg $0xFFFFFFFF  }
0xad: {  	[dreg:$0x0] =	wrdreg $0x60  }
0xae: {  	[dreg:$0x2] =	wrdreg s2  }
0xaf: {  	[dreg:$0x3] =	wrdreg s24  }
0xb0: {  	[dreg:$0x4] =	wrdreg $0x90000  }
0xb1: {  	[dreg:$0x5] =	wrdreg $0x9  }
0xb2: {  	_ =	task.clear_ibuf [dreg:s7], $0x6FFFF;
	_ =	strace $0x90000055  }
0xb3: {  	s29 =	simm.s32 $0x9;
	_ =	strace $0x80000057  }
0xb4: {  	_ =	swait.ge [sflag:s29], $0x1  }
0xb5: {  	[sflag:s29] =	ssyncadd.s32 $0xFFFFFFFF  }
0xb6: {  	_ =	strace $0x90000057  }
0xb7: {  	_ =	sfence  }
0xb8: {  	s30 =	sld [smem:$0x0];
	_ =	sdelay $0x2  }
0xb9: {  	s31 =	sshll.u32 s1, $0xD;
	s1 =	sshrl.u32 s1, $0x2  }
0xba: {  	s3 =	sand.u32 $0x4000, s31;
	s1 =	sadd.s32 s1, s30  }
0xbb: {  	s0 =	sor.u32 s3, s0;
	s1 =	sshll.u32 s1, $0x11  }
0xbc: {  	s0 =	sor.u32 s1, s0  }
0xbd: {  	s0 =	sadd.s32 $0x8F2B, s0  }
0xbe: {  	[sflag:s0] =	ssyncadd.remote.s32 $0x1  }
0xbf: {  	_ =	sfence.sel $0xFFFF  }
0xc0: {  	[dreg:$0x0] =	wrdreg $0xFFFFFFFF;
	(pc) =	sbr.abs _section_cstart, $3  }
0xc1: {  	[dreg:$0x1] =	wrdreg $0xFFFFFFFF  }
0xc2: {  	_ =	task.clear_ibuf [dreg:s7], $0x2FFFF;
	_ =	strace $0x9FFFFFFF  }
0xc3: {  	(tm) =	ssettm $0x7FFFFFFF  }
tec
execute0_lowered:
.L_overlay_start_1:
0x0: {  	(tag) =	ssettag $0x1  }
0x1: {  	s1 =	rddreg [dreg:$0x0]  }
0x2: {  	s0 =	srdreg.scid;
	s6 =	rddreg [dreg:$0x1]  }
0x3: {  	s3 =	rddreg [dreg:$0x2];
	s4 =	simm.s32 $0x0;
	s14 =	simm.s32 $0x80  }
0x4: {  	s15 =	simm.s32 $0x5000;
	s5 =	sand.u32 $0x1, s0;
	s0 =	stileid.u32  }
0x5: {  	s16 =	simm.s32 $0x1;
	s17 =	simm.s32 $0x0;
	s8 =	smul.u32 $0x2800, s0  }
0x6: {  	[smem:$0x7FF] =	sst s4;
	s2 =	sshll.u32 s5, $0x4;
	s9 =	smul.u32 $0x28000, s5  }
0x7: {  	s5 =	ssub.s32 $0x2, s5;
	s10 =	smul.u32 $0x50000, s0;
	s12 =	sshll.u32 s0, $0x6  }
0x8: {  	s7 =	sor.u32 s0, s2;
	s2 =	rddreg [dreg:$0x3];
	_ =	strace $0x80000056  }
0x9: {  	s31 =	sshrl.u32 s5, $0x1;
	s12 =	sor.u32 $0x1C02, s12;
	s7 =	smul.u32 $0x500, s7  }
0xa: {  	s11 =	sadd.s32 s8, s6;
	s8 =	sadd.s32 s8, s9;
	s10 =	sshrl.u32 s10, $0x2  }
0xb: {  	s9 =	ssub.s32 s5, s31;
	s8 =	sadd.s32 s8, s6;
	s13 =	sadd.s32 s10, s3  }
0xc: {  	s9 =	smax.u32 s9, $0x1;
	s10 =	simm.s32 $0x2;
	s7 =	sadd.s32 s7, s6  }
0xd: {  	s8 =	sadd.s32 $0x43200, s8;
	s13 =	sshrl.u32 s13, $0x3;
	s5 =	sadd.s32 $0x11200, s7  }
0xe: {  	s6 =	sadd.s32 $0x7200, s7;
	s7 =	sadd.s32 $0x1B200, s11;
	s11 =	simm.s32 $0x2800  }
.LBB2_1:
0xf: {  	[tilespmem:s4], [sflag:$0x2] =	stream.linear.gather [hbm4b:s5+s4], $0x2780, $0x38;
	[tilespmem:$0x1D000] =	vst v63  }
0x10: {  	_ =	swait.ge [sflag:s10], $0x2780  }
0x11: {  	[sflag:s10] =	ssyncset.done $0x0  }
0x12: {  	[sflag:s10] =	ssyncadd.s32 $0xFFFFD880  }
0x13: {  	[tilespmem:s11], [sflag:$0x2] =	stream.linear.gather [hbm4b:s6+s4], $0x2780, $0x38;
	[tilespmem:$0x1D000] =	vst v63  }
0x14: {  	_ =	swait.ge [sflag:s10], $0x2780  }
0x15: {  	[sflag:s10] =	ssyncset.done $0x0  }
0x16: {  	[sflag:s10] =	ssyncadd.s32 $0xFFFFD880  }
0x17: {  	[spmem:s13], [sflag:s12] =	dma.local [hbm:s7], $0x2800  }
0x18: {  	_ =	swait.ge [sflag:s10], $0x2800  }
0x19: {  	[sflag:s10] =	ssyncset.done $0x0  }
0x1a: {  	[sflag:s10] =	ssyncadd.s32 $0xFFFFD800  }
0x1b: {  	s18 =	simm.s32 $0x0;
	[bflag:$0x0] =	sbarrier.arrive $0xFFFF  }
0x1c: {  	[tilespmem:s15], [sflag:$0x1] =	stream.indirect.gather [hbm4b:s1+s14], $0x80, s18, s14, $0xb8;
	[tilespmem:$0x1D000] =	vst v63  }
0x1d: {  	_ =	swait.ge [sflag:s16], $0x4000  }
0x1e: {  	[sflag:s16] =	ssyncset.done $0x0  }
0x1f: {  	s31 =	simm.s32 $0x2800;
	[sflag:s16] =	ssyncadd.s32 $0xFFFFC000  }
0x20: {  	[spmem:s3] =	stream.indirect.scatter.add.f32 [tilespmem:s15], [sflag:$0x2], $0x80, s31, s14, $0xb8;
	[tilespmem:$0x1D000] =	vst v63  }
0x21: {  	_ =	swait.ge [sflag:s10], $0x4000  }
0x22: {  	s19 =	simm.s32 $0x400;
	s18 =	simm.s32 $0x200;
	[sflag:s10] =	ssyncset.done $0x0  }
.LBB2_2:
0x23: {  	s20 =	sshra.s32 s18, $0x2  }
0x24: {  	[sflag:s10] =	ssyncadd.s32 $0xFFFFC000;
	s18 =	smov.u32 s19;
	s21 =	sadd.s32 $0x200, s19  }
0x25: {  	[tilespmem:s15], [sflag:$0x1] =	stream.indirect.gather [hbm4b:s1+s14], $0x80, s20, s14, $0xb8;
	[tilespmem:$0x1D000] =	vst v63  }
0x26: {  	p0 =	sne.s32 s19, $0x9C00;
	_ =	swait.ge [sflag:s16], $0x4000  }
.Ltmp0:
0x27: {  	[sflag:s16] =	ssyncset.done $0x0;
	(pc) =	sbr.rel @p0 .LBB2_2-.Ltmp0, $4  }
0x28: {  	s19 =	sadd.s32 $0x2800, s20;
	[sflag:s16] =	ssyncadd.s32 $0xFFFFC000  }
0x29: {  	[spmem:s3] =	stream.indirect.scatter.add.f32 [tilespmem:s15], [sflag:$0x2], $0x80, s19, s14, $0xb8;
	[tilespmem:$0x1D000] =	vst v63  }
0x2a: {  	_ =	swait.ge [sflag:s10], $0x4000  }
0x2b: {  	s19 =	smov.u32 s21;
	[sflag:s10] =	ssyncset.done $0x0  }
0x2c: {  	s18 =	sshra.s32 s18, $0x2;
	[sflag:s10] =	ssyncadd.s32 $0xFFFFC000  }
0x2d: {  	[tilespmem:s15], [sflag:$0x1] =	stream.indirect.gather [hbm4b:s1+s14], $0x80, s18, s14, $0xb8;
	[tilespmem:$0x1D000] =	vst v63  }
0x2e: {  	_ =	swait.ge [sflag:s16], $0x4000  }
0x2f: {  	[sflag:s16] =	ssyncset.done $0x0  }
0x30: {  	s18 =	sadd.s32 $0x2800, s18;
	[sflag:s16] =	ssyncadd.s32 $0xFFFFC000  }
0x31: {  	[spmem:s3] =	stream.indirect.scatter.add.f32 [tilespmem:s15], [sflag:$0x2], $0x80, s18, s14, $0xb8;
	[tilespmem:$0x1D000] =	vst v63  }
0x32: {  	_ =	swait.ge [sflag:s10], $0x4000  }
0x33: {  	s17 =	sadd.s32 $0x1, s17;
	[sflag:s10] =	ssyncset.done $0x0  }
0x34: {  	p0 =	sne.s32 s17, s9;
	[sflag:s10] =	ssyncadd.s32 $0xFFFFC000  }
.Ltmp1:
0x35: {  	[bflag:$0x0] =	sbarrier.arrive $0xFFFF;
	(pc) =	sbr.rel @p0 .LBB2_1-.Ltmp1, $4  }
0x36: {  	[hbm:s8], [sflag:s12] =	dma.local [spmem:s13], $0x2800  }
0x37: {  	_ =	swait.ge [sflag:s10], $0x2800  }
0x38: {  	[sflag:s10] =	ssyncset.done $0x0  }
0x39: {  	[sflag:s10] =	ssyncadd.s32 $0xFFFFD800  }
0x3a: {  	_ =	sfence.sel $0x180000  }
0x3b: {  	[bflag:$0x0] =	sbarrier.arrive $0xFFFF  }
0x3c: {  	p0 =	sne.s32 s0, $0x0;
	_ =	strace $0x90000056  }
0x3d: {  	s0 =	sadd.s32 @!p0 $0x100000, s2;
	[bflag:$0x2] =	sbarrier.arrive $0xFFFF  }
0x3e: {  	[sflag:s0] =	ssyncadd.tile.s32 @!p0 $0x1;
	_ =	shalt  }
.Lfunc_end2:
_tile_overlayer_lowered:
.L_overlay_start_2:
0x3f: {  	(tag) =	ssettag $0x2  }
0x40: {  	s0 =	rddreg [dreg:$0x0];
	s2 =	stileid.u32  }
0x41: {  	s1 =	rddreg [dreg:$0x1];
	p0 =	sne.s32 s2, $0x0  }
0x42: {  	s3 =	rddreg [dreg:$0x2];
	[bflag:$0x3] =	sbarrier.arrive $0xFFFF;
	s2 =	simm.s32 @!p0 $0x1C02  }
0x43: {  	[timem:s3], [sflag:s2] =	dma.local @!p0 [hbm:s0], s1  }
0x44: {  	s0 =	simm.s32 @!p0 $0x2  }
0x45: {  	_ =	swait.ge @!p0 [sflag:s0], s1  }
0x46: {  	s1 =	ssub.s32 @!p0 $0x0, s1;
	[sflag:s0] =	ssyncset.done @!p0 $0x0  }
0x47: {  	[sflag:s0] =	ssyncadd.s32 @!p0 s1  }
0x48: {  	[bflag:$0x3] =	sbarrier.arrive $0xFFFF  }
0x49: {  	_ =	shalt  }

</sc_bundles>
